<compile_context>
chip_gen: v7x
topology: tpu7x:2x2x1
jax: 0.10.2.dev20260603
libtpu: 0.0.44.dev20260713+nightly
codegen_flags: <defaults>
</compile_context>

<pallas_src>
import functools

import numpy as np
import jax
import jax.numpy as jnp
from jax import lax
from jax.experimental import pallas as pl
from jax.experimental.pallas import tpu as pltpu
from jax.experimental.pallas import tpu_sc as plsc

_N, _E, _D, _H = 10000, 320000, 128, 128
_ALPHA = 0.1
_BETA1 = float(np.log(1.5))
_BETA2 = float(np.log(1.25))


def _lstm_gates(g, c):
    i = jax.nn.sigmoid(g[:, 0:_H])
    f = jax.nn.sigmoid(g[:, _H:2 * _H])
    gg = jnp.tanh(g[:, 2 * _H:3 * _H])
    o = jax.nn.sigmoid(g[:, 3 * _H:4 * _H])
    c_new = f * c + i * gg
    return o * jnp.tanh(c_new), c_new


def _w1_chain(w0, wiht, b):
    def step(w, c):
        g = jnp.dot(w, wiht[:, :], preferred_element_type=jnp.float32) + b[:, :]
        return _lstm_gates(g, c)

    h0, c0 = step(w0[:, :], jnp.zeros((_H, _H), jnp.float32))
    h1, _ = step(h0, c0)
    return h0, h1


def _prep_body(x, w, deg, hp, dinv):
    di = lax.rsqrt(deg[0, :_N, :] + 1.0)
    dinv[0, :, :] = di
    h = jnp.dot(x[0, :, :], w[:, :], preferred_element_type=jnp.float32)
    hp[0, :, :] = di * h


def _prep(x01, W, deg):
    return pl.pallas_call(
        _prep_body,
        grid=(2,),
        in_specs=[
            pl.BlockSpec((1, _N, _D), lambda t: (t, 0, 0)),
            pl.BlockSpec((_H, _H), lambda t: (0, 0)),
            pl.BlockSpec((1, _NPAD, 1), lambda t: (t, 0, 0)),
        ],
        out_specs=(
            pl.BlockSpec((1, _N, _D), lambda t: (t, 0, 0)),
            pl.BlockSpec((1, _N, 1), lambda t: (t, 0, 0)),
        ),
        out_shape=(
            jax.ShapeDtypeStruct((2, _N, _D), jnp.float32),
            jax.ShapeDtypeStruct((2, _N, 1), jnp.float32),
        ),
    )(x01, W, deg)


_RB = 2000


def _conv1_body(agg, hp, dinv, b, z1):
    z1[0, :, :] = dinv[0, :, :] * (agg[0, :, :] + hp[0, :, :]) + b[:, :]


def _conv1_finish(agg, hp, dinv, b):
    return pl.pallas_call(
        _conv1_body,
        grid=(2, _N // _RB),
        in_specs=[
            pl.BlockSpec((1, _RB, _D), lambda t, i: (t, i, 0)),
            pl.BlockSpec((1, _RB, _D), lambda t, i: (t, i, 0)),
            pl.BlockSpec((1, _RB, 1), lambda t, i: (t, i, 0)),
            pl.BlockSpec((1, _D), lambda t, i: (0, 0)),
        ],
        out_specs=pl.BlockSpec((1, _RB, _D), lambda t, i: (t, i, 0)),
        out_shape=jax.ShapeDtypeStruct((2, _N, _D), jnp.float32),
    )(agg, hp, dinv, b.reshape(1, _D))


def _conv2a_body(agg, x0, w10, w1iht, b1, gamma, beta, z2):
    t = pl.program_id(0)
    a0, a1 = _w1_chain(w10, w1iht, b1)
    w1a = jnp.where(t == 0, a0, a1)
    out = (1.0 - _ALPHA) * agg[0, :_N, :] + _ALPHA * x0[0, :, :]
    z = (1.0 - _BETA1) * out + _BETA1 * jnp.dot(
        out, w1a, preferred_element_type=jnp.float32)
    mu = jnp.mean(z, axis=0, keepdims=True)
    var = jnp.mean((z - mu) ** 2, axis=0, keepdims=True)
    zn = (z - mu) / jnp.sqrt(var + 1e-5) * gamma[:, :] + beta[:, :]
    z2[0, :, :] = jnp.maximum(zn, 0.0)


def _conv2a(agg, x0, w1_0, r1_Wih, r1_b, gamma, beta):
    return pl.pallas_call(
        _conv2a_body,
        grid=(2,),
        in_specs=[
            pl.BlockSpec((1, _NPAD, _D), lambda t: (t, 0, 0)),
            pl.BlockSpec((1, _N, _D), lambda t: (t, 0, 0)),
            pl.BlockSpec((_H, _H), lambda t: (0, 0)),
            pl.BlockSpec((_H, 4 * _H), lambda t: (0, 0)),
            pl.BlockSpec((1, 4 * _H), lambda t: (0, 0)),
            pl.BlockSpec((1, _D), lambda t: (0, 0)),
            pl.BlockSpec((1, _D), lambda t: (0, 0)),
        ],
        out_specs=pl.BlockSpec((1, _N, _D), lambda t: (t, 0, 0)),
        out_shape=jax.ShapeDtypeStruct((2, _N, _D), jnp.float32),
    )(agg, x0, w1_0, r1_Wih.T, r1_b.reshape(1, 4 * _H),
      gamma.reshape(1, _D), beta.reshape(1, _D))


def _tail_body(agg0, agg1, x00, x01v, w11, w2iht, b2, fwiht, fwhht, fb, out):
    b0, b1 = _w1_chain(w11, w2iht, b2)

    def conv2b(agg, x0, w1b):
        o = (1.0 - _ALPHA) * agg[0, :, :] + _ALPHA * x0[0, :, :]
        return (1.0 - _BETA2) * o + _BETA2 * jnp.dot(
            o, w1b, preferred_element_type=jnp.float32)

    za = conv2b(agg0, x00, b0)
    zb = conv2b(agg1, x01v, b1)
    out[0, :, :] = za
    out[1, :, :] = zb

    zero = jnp.zeros_like(za)

    def step(x, h, c):
        g = jnp.dot(x, fwiht[:, :], preferred_element_type=jnp.float32) + fb[:, :]
        g = g + jnp.dot(h, fwhht[:, :], preferred_element_type=jnp.float32)
        return _lstm_gates(g, c)

    h1, c1 = step(za, zero, zero)
    h2, c2 = step(zb, h1, c1)
    hf, _ = step(h2, zero, c2)
    out[2, :, :] = hf


def _tail(agg, z1, w1_1, r2_Wih, r2_b, f_Wih, f_Whh, f_b):
    nb = 5
    rb = _N // nb
    return pl.pallas_call(
        _tail_body,
        grid=(nb,),
        in_specs=[
            pl.BlockSpec((1, rb, _D), lambda i: (0, i, 0)),
            pl.BlockSpec((1, rb, _D), lambda i: (1, i, 0)),
            pl.BlockSpec((1, rb, _D), lambda i: (0, i, 0)),
            pl.BlockSpec((1, rb, _D), lambda i: (1, i, 0)),
            pl.BlockSpec((_H, _H), lambda i: (0, 0)),
            pl.BlockSpec((_H, 4 * _H), lambda i: (0, 0)),
            pl.BlockSpec((1, 4 * _H), lambda i: (0, 0)),
            pl.BlockSpec((_H, 4 * _H), lambda i: (0, 0)),
            pl.BlockSpec((_H, 4 * _H), lambda i: (0, 0)),
            pl.BlockSpec((1, 4 * _H), lambda i: (0, 0)),
        ],
        out_specs=pl.BlockSpec((3, rb, _D), lambda i: (0, i, 0)),
        out_shape=jax.ShapeDtypeStruct((3, _N, _D), jnp.float32),
    )(agg, agg, z1, z1, w1_1, r2_Wih.T, r2_b.reshape(1, 4 * _H),
      f_Wih.T, f_Whh.T, f_b.reshape(1, 4 * _H))


_NC, _NS = 2, 16
_CHP = 2560
_CPT = _CHP // _NS
_EPAD = _CHP * 128 - _E
_NPAD = 10240
_RPT = _NPAD // _NS

_sc_mesh = plsc.VectorSubcoreMesh(
    core_axis_name="c", subcore_axis_name="s", num_cores=_NC, num_subcores=_NS)


_SLAB = 40
_NSLAB = _CPT // _SLAB


@functools.partial(
    pl.kernel,
    out_type=jax.ShapeDtypeStruct((2 * _NPAD, _D), jnp.float32),
    mesh=_sc_mesh,
    scratch_types=[
        pltpu.VMEM((_SLAB, 128), jnp.int32),
        pltpu.VMEM((_SLAB, 128), jnp.int32),
        pltpu.VMEM((128, _D), jnp.float32),
        pltpu.VMEM((128, _D), jnp.float32),
        pltpu.VMEM_SHARED((_NPAD, _D), jnp.float32),
        pltpu.SemaphoreType.DMA,
        pltpu.SemaphoreType.DMA,
    ],
)
def _sc_seg_kernel(table01, src2, dst2, zeros, out, src_v, dst_v,
                   rows_a, rows_b, acc, sem_a, sem_b):
    c = lax.axis_index("c")
    s = lax.axis_index("s")

    pltpu.sync_copy(zeros, rows_a)
    for k in range(_RPT // 128):
        pltpu.sync_copy(rows_a, acc.at[pl.ds(s * _RPT + k * 128, 128)])

    plsc.subcore_barrier()

    base = c * _CHP + s * _CPT

    def slab(t, _):
        pltpu.sync_copy(src2.at[pl.ds(base + t * _SLAB, _SLAB)], src_v)
        pltpu.sync_copy(dst2.at[pl.ds(base + t * _SLAB, _SLAB)], dst_v)
        pltpu.async_copy(table01.at[src_v.at[0]], rows_a, sem_a)

        def pair(i, _):
            j = 2 * i
            pltpu.async_copy(table01.at[src_v.at[j + 1]], rows_b, sem_b)
            pltpu.make_async_copy(table01.at[src_v.at[j]], rows_a, sem_a).wait()
            pltpu.sync_copy(rows_a, acc.at[dst_v.at[j]], add=True)

            @pl.when(i < _SLAB // 2 - 1)
            def _next():
                pltpu.async_copy(table01.at[src_v.at[j + 2]], rows_a, sem_a)

            pltpu.make_async_copy(table01.at[src_v.at[j + 1]], rows_b,
                                  sem_b).wait()
            pltpu.sync_copy(rows_b, acc.at[dst_v.at[j + 1]], add=True)
            return ()

        lax.fori_loop(0, _SLAB // 2, pair, ())
        return ()

    lax.fori_loop(0, _NSLAB, slab, ())

    plsc.subcore_barrier()

    pltpu.sync_copy(acc.at[pl.ds(s * _RPT, _RPT)],
                    out.at[pl.ds(c * _NPAD + s * _RPT, _RPT)])


def _seg_rows(table01_flat, src2, dst2, zeros_nd):
    return _sc_seg_kernel(table01_flat, src2, dst2, zeros_nd) \
        .reshape(2, _NPAD, _D)


@functools.partial(
    pl.kernel,
    out_type=jax.ShapeDtypeStruct((2 * _NPAD,), jnp.float32),
    mesh=_sc_mesh,
    scratch_types=[
        pltpu.VMEM((_CPT, 128), jnp.int32),
        pltpu.VMEM((128,), jnp.float32),
        pltpu.VMEM_SHARED((_NPAD,), jnp.float32),
        pltpu.SemaphoreType.DMA,
    ],
)
def _sc_deg_kernel(dst2, zeros_n, out, dst_v, ones_v, acc, sem):
    c = lax.axis_index("c")
    s = lax.axis_index("s")

    for k in range(8):
        ones_v[pl.ds(16 * k, 16)] = jnp.full((16,), 1.0, jnp.float32)

    @pl.when(s == 0)
    def _init():
        pltpu.sync_copy(zeros_n, acc)

    pltpu.sync_copy(dst2.at[pl.ds(c * _CHP + s * _CPT, _CPT)], dst_v)

    plsc.subcore_barrier()

    def batch(i, _):
        for b in range(8):
            pltpu.async_copy(ones_v, acc.at[dst_v.at[8 * i + b]], sem,
                             add=True)
        for b in range(8):
            pltpu.make_async_copy(ones_v, acc.at[dst_v.at[0]], sem).wait()
        return ()

    lax.fori_loop(0, _CPT // 8, batch, ())

    plsc.subcore_barrier()

    @pl.when(s == 0)
    def _writeout():
        pltpu.sync_copy(acc, out.at[pl.ds(c * _NPAD, _NPAD)])


def _seg_counts(dst01_2d, zeros_n):
    return _sc_deg_kernel(dst01_2d, zeros_n).reshape(2, _NPAD, 1)


def kernel(x_seq, edge_index_seq, W_gcn, b_gcn, w1_0, w1_1,
           r0_Wih, r0_Whh, r0_bih, r0_bhh,
           r1_Wih, r1_Whh, r1_bih, r1_bhh,
           r2_Wih, r2_Whh, r2_bih, r2_bhh,
           f_Wih, f_Whh, f_bih, f_bhh, bn_gamma, bn_beta):
    zeros_nd = jnp.zeros((128, _D), jnp.float32)
    zeros_n = jnp.zeros((_NPAD,), jnp.float32)
    pad_src = (jnp.arange(_EPAD, dtype=jnp.int32) * 37) % _N
    pad_dst = _N + (jnp.arange(_EPAD, dtype=jnp.int32) % (_NPAD - _N))

    src01_2d = jnp.concatenate([
        edge_index_seq[0, 0], pad_src,
        edge_index_seq[1, 0] + _N, pad_src + _N,
    ]).reshape(2 * _CHP, 128)
    dst01_2d = jnp.concatenate([
        edge_index_seq[0, 1], pad_dst,
        edge_index_seq[1, 1], pad_dst,
    ]).reshape(2 * _CHP, 128)

    deg = _seg_counts(dst01_2d, zeros_n)

    hp, dinv = _prep(x_seq[:2], W_gcn, deg)
    agg = _seg_rows(hp.reshape(2 * _N, _D), src01_2d, dst01_2d, zeros_nd)
    z1 = _conv1_finish(agg, hp, dinv, b_gcn)
    agg = _seg_rows(z1.reshape(2 * _N, _D), src01_2d, dst01_2d, zeros_nd)
    z2 = _conv2a(agg, z1, w1_0, r1_Wih, r1_bih + r1_bhh, bn_gamma, bn_beta)
    agg = _seg_rows(z2.reshape(2 * _N, _D), src01_2d, dst01_2d, zeros_nd)
    return _tail(agg, z1, w1_1, r2_Wih, r2_bih + r2_bhh,
                 f_Wih, f_Whh, f_bih + f_bhh)

# --- scband reference (transcript-rebuilt; emitter-appended) ---
"""Pipeline reference for scband-evolve-gcniio-16106127360502 (READ-ONLY COPY).

The authoritative reference and input builder live on the scoring server;
editing this copy changes nothing except your own understanding.
"""

import jax, jax.numpy as jnp
import numpy as np

N = 10000
E = 320000
T = 4
D = 128
H = 128
ALPHA = 0.1
THETA = 0.5

def _lstm_step(x, h, c, Wih, Whh, bih, bhh):
    g = x @ Wih.T + h @ Whh.T + bih + bhh
    i, f, gg, o = jnp.split(g, 4, axis=-1)
    i = jax.nn.sigmoid(i)
    f = jax.nn.sigmoid(f)
    gg = jnp.tanh(gg)
    o = jax.nn.sigmoid(o)
    c_new = f * c + i * gg
    h_new = o * jnp.tanh(c_new)
    return h_new, c_new

def _gcn_conv(x, edge_index, W, b):
    # PyG GCNConv: symmetric gcn_norm with added self-loops, then scatter-add
    h = x @ W
    loops = jnp.arange(N)
    src = jnp.concatenate([edge_index[0], loops])
    dst = jnp.concatenate([edge_index[1], loops])
    deg = jax.ops.segment_sum(jnp.ones(src.shape[0], dtype=h.dtype), dst, num_segments=N)
    dinv = jnp.where(deg > 0, 1.0 / jnp.sqrt(deg), 0.0)
    norm = dinv[src] * dinv[dst]
    out = jax.ops.segment_sum(norm[:, None] * h[src], dst, num_segments=N)
    return out + b

def _gcn2_conv(z, x0, edge_index, w1, layer):
    # PyG GCN2Conv with normalize=False, shared_weights=True
    agg = jax.ops.segment_sum(z[edge_index[0]], edge_index[1], num_segments=N)
    x = agg * (1.0 - ALPHA)
    out = x + ALPHA * x0
    beta = float(np.log(THETA / layer + 1.0))
    return (1.0 - beta) * out + beta * (out @ w1)

def _batchnorm(z, gamma, beta_p):
    mu = z.mean(axis=0)
    var = ((z - mu) ** 2).mean(axis=0)
    return (z - mu) / jnp.sqrt(var + 1e-5) * gamma + beta_p

def _forward(x_seq, W_gcn, b_gcn, w1_0, w1_1,
             r0_Wih, r0_Whh, r0_bih, r0_bhh,
             r1_Wih, r1_Whh, r1_bih, r1_bhh,
             r2_Wih, r2_Whh, r2_bih, r2_bhh,
             f_Wih, f_Whh, f_bih, f_bhh,
             bn_gamma, bn_beta, edge_index_seq):
    xs = x_seq[:-1]  # future_prediction drops last snapshot
    es = edge_index_seq[:-1]
    Tp = xs.shape[0]
    rec = [(r0_Wih, r0_Whh, r0_bih, r0_bhh),
           (r1_Wih, r1_Whh, r1_bih, r1_bhh),
           (r2_Wih, r2_Whh, r2_bih, r2_bhh)]
    c0 = jnp.zeros((D, H), dtype=x_seq.dtype)
    w1 = [w1_0, w1_1]
    c_conv = [jnp.zeros((H, H), dtype=x_seq.dtype) for _ in range(2)]
    z_seq = []
    for t in range(Tp):
        # LSTM over first-layer weight; torch code assigns result to unused attr 'weight1',
        # so the GCNConv keeps using the original weight -- reproduced faithfully
        _, c0 = _lstm_step(W_gcn, jnp.zeros((D, H), dtype=x_seq.dtype), c0, *rec[0])
        z = _gcn_conv(xs[t], es[t], W_gcn, b_gcn)
        x0 = z
        for i in range(2):
            w_new, c_new = _lstm_step(w1[i], jnp.zeros((H, H), dtype=x_seq.dtype), c_conv[i], *rec[i + 1])
            w1[i] = w_new
            c_conv[i] = c_new
            z = _gcn2_conv(z, x0, es[t], w1[i], i + 1)
            if i < 1:
                z = _batchnorm(z, bn_gamma, bn_beta)
                z = jax.nn.relu(z)
        z_seq.append(z)
    # future prediction via feature LSTM
    zt = jnp.stack(z_seq[:-1], axis=0)
    h = jnp.zeros((N, H), dtype=x_seq.dtype)
    c = jnp.zeros((N, H), dtype=x_seq.dtype)
    outs = []
    for s in range(zt.shape[0]):
        h, c = _lstm_step(zt[s], h, c, f_Wih, f_Whh, f_bih, f_bhh)
        outs.append(h)
    h2, _ = _lstm_step(outs[-1], jnp.zeros((N, H), dtype=x_seq.dtype), c, f_Wih, f_Whh, f_bih, f_bhh)
    z_seq[-1] = h2
    return jnp.stack(z_seq, axis=0)

def setup_inputs(seed: int = 0):
    key = jax.random.key(seed)
    ks = jax.random.split(key, 24)
    d = {}
    d['x_seq'] = jax.random.normal(ks[0], (T, N, D), dtype=jnp.float32)
    d['edge_index_seq'] = jax.random.randint(ks[1], (T, 2, E), 0, N, dtype=jnp.int32)
    d['W_gcn'] = jax.random.normal(ks[2], (D, H), dtype=jnp.float32) * 0.05
    d['b_gcn'] = jnp.zeros((H,), dtype=jnp.float32)
    d['w1_0'] = jax.random.normal(ks[3], (H, H), dtype=jnp.float32) * 0.05
    d['w1_1'] = jax.random.normal(ks[4], (H, H), dtype=jnp.float32) * 0.05
    idx = 5
    for l in range(3):
        d['r%d_Wih' % l] = jax.random.normal(ks[idx], (4 * H, H), dtype=jnp.float32) * 0.05; idx += 1
        d['r%d_Whh' % l] = jax.random.normal(ks[idx], (4 * H, H), dtype=jnp.float32) * 0.05; idx += 1
        d['r%d_bih' % l] = jnp.zeros((4 * H,), dtype=jnp.float32)
        d['r%d_bhh' % l] = jnp.zeros((4 * H,), dtype=jnp.float32)
    d['f_Wih'] = jax.random.normal(ks[idx], (4 * H, H), dtype=jnp.float32) * 0.05; idx += 1
    d['f_Whh'] = jax.random.normal(ks[idx], (4 * H, H), dtype=jnp.float32) * 0.05; idx += 1
    d['f_bih'] = jnp.zeros((4 * H,), dtype=jnp.float32)
    d['f_bhh'] = jnp.zeros((4 * H,), dtype=jnp.float32)
    d['bn_gamma'] = jnp.ones((H,), dtype=jnp.float32)
    d['bn_beta'] = jnp.zeros((H,), dtype=jnp.float32)
    return d

def reference(x_seq, edge_index_seq, W_gcn, b_gcn, w1_0, w1_1,
              r0_Wih, r0_Whh, r0_bih, r0_bhh,
              r1_Wih, r1_Whh, r1_bih, r1_bhh,
              r2_Wih, r2_Whh, r2_bih, r2_bhh,
              f_Wih, f_Whh, f_bih, f_bhh, bn_gamma, bn_beta):
    return _forward(x_seq, W_gcn, b_gcn, w1_0, w1_1,
                    r0_Wih, r0_Whh, r0_bih, r0_bhh,
                    r1_Wih, r1_Whh, r1_bih, r1_bhh,
                    r2_Wih, r2_Whh, r2_bih, r2_bhh,
                    f_Wih, f_Whh, f_bih, f_bhh,
                    bn_gamma, bn_beta, edge_index_seq)

if __name__ == "__main__":
    import jax
    _d = setup_inputs()
    print(jax.jit(kernel)(*tuple(_d.values())))

</pallas_src>

<mosaic_0001>
#map = affine_map<(d0, d1) -> (0, 0)>
module attributes {stable_mosaic.version = 14 : i64} {
  func.func @_sc_seg_kernel(%arg0: i32, %arg1: i32, %arg2: memref<20000x128xf32, #tpu.memory_space<hbm>>, %arg3: memref<5120x128xi32, #tpu.memory_space<hbm>>, %arg4: memref<5120x128xi32, #tpu.memory_space<hbm>>, %arg5: memref<128x128xf32, #tpu.memory_space<hbm>>, %arg6: memref<20480x128xf32, #tpu.memory_space<hbm>>, %arg7: memref<40x128xi32, #tpu.memory_space<vmem>>, %arg8: memref<40x128xi32, #tpu.memory_space<vmem>>, %arg9: memref<128x128xf32, #tpu.memory_space<vmem>>, %arg10: memref<128x128xf32, #tpu.memory_space<vmem>>, %arg11: memref<10240x128xf32, #tpu.memory_space<vmem_shared>>, %arg12: memref<!tpu.dma_semaphore, #tpu.memory_space<semaphore_mem>>, %arg13: memref<!tpu.dma_semaphore, #tpu.memory_space<semaphore_mem>>) attributes {dimension_semantics = [#tpu.dimension_semantics<core_parallel>, #tpu.dimension_semantics<subcore_parallel>], iteration_bounds = array<i64: 2, 16>, scalar_prefetch = 0 : i64, scratch_operands = 7 : i64, tpu.core_type = #tpu.core_type<sc_vector_subcore>, window_params = [{transform_indices = #map}, {transform_indices = #map}, {transform_indices = #map}, {transform_indices = #map}, {transform_indices = #map}]} {
    "tpu.region"() ({
      %run_scoped3A = tpu.sem_alloc : memref<!tpu.dma_semaphore, #tpu.memory_space<semaphore_mem>>
      tpu.enqueue_dma source(%arg5 : memref<128x128xf32, #tpu.memory_space<hbm>>) target(%arg9 : memref<128x128xf32, #tpu.memory_space<vmem>>) target_semaphore(%run_scoped3A : memref<!tpu.dma_semaphore, #tpu.memory_space<semaphore_mem>>)
      tpu.wait_dma2 semaphore(%run_scoped3A : memref<!tpu.dma_semaphore, #tpu.memory_space<semaphore_mem>>) src(%arg5 : memref<128x128xf32, #tpu.memory_space<hbm>>) dst(%arg9 : memref<128x128xf32, #tpu.memory_space<vmem>>)
      tpu.yield
    }) : () -> ()
    %mul3A = arith.constant 640 : i32
    %mul3A_0 = arith.muli %arg1, %mul3A : i32
    %add3A = arith.constant 0 : i32
    %add3A_1 = arith.addi %mul3A_0, %add3A : i32
    "tpu.region"() ({
      %run_scoped3A = tpu.sem_alloc : memref<!tpu.dma_semaphore, #tpu.memory_space<semaphore_mem>>
      %dma_start3A = arith.constant 0 : i32
      %dma_start3A_35 = tpu.memref_slice %arg11[%add3A_1, %dma_start3A] : memref<10240x128xf32, #tpu.memory_space<vmem_shared>> -> memref<128x128xf32, #tpu.memory_space<vmem_shared>>
      %dma_start3A_36 = arith.constant 0 : i32
      %dma_start3A_37 = tpu.memref_slice %arg11[%add3A_1, %dma_start3A_36] : memref<10240x128xf32, #tpu.memory_space<vmem_shared>> -> memref<128x128xf32, #tpu.memory_space<vmem_shared>>
      tpu.enqueue_dma source(%arg9 : memref<128x128xf32, #tpu.memory_space<vmem>>) target(%dma_start3A_37 : memref<128x128xf32, #tpu.memory_space<vmem_shared>>) target_semaphore(%run_scoped3A : memref<!tpu.dma_semaphore, #tpu.memory_space<semaphore_mem>>)
      %dma_wait3A = arith.constant 0 : i32
      %dma_wait3A_38 = tpu.memref_slice %arg11[%add3A_1, %dma_wait3A] : memref<10240x128xf32, #tpu.memory_space<vmem_shared>> -> memref<128x128xf32, #tpu.memory_space<vmem_shared>>
      %dma_wait3A_39 = arith.constant 0 : i32
      %dma_wait3A_40 = tpu.memref_slice %arg11[%add3A_1, %dma_wait3A_39] : memref<10240x128xf32, #tpu.memory_space<vmem_shared>> -> memref<128x128xf32, #tpu.memory_space<vmem_shared>>
      tpu.wait_dma2 semaphore(%run_scoped3A : memref<!tpu.dma_semaphore, #tpu.memory_space<semaphore_mem>>) src(%arg9 : memref<128x128xf32, #tpu.memory_space<vmem>>) dst(%dma_wait3A_40 : memref<128x128xf32, #tpu.memory_space<vmem_shared>>)
      tpu.yield
    }) : () -> ()
    %mul3A_2 = arith.constant 640 : i32
    %mul3A_3 = arith.muli %arg1, %mul3A_2 : i32
    %add3A_4 = arith.constant 128 : i32
    %add3A_5 = arith.addi %mul3A_3, %add3A_4 : i32
    "tpu.region"() ({
      %run_scoped3A = tpu.sem_alloc : memref<!tpu.dma_semaphore, #tpu.memory_space<semaphore_mem>>
      %dma_start3A = arith.constant 0 : i32
      %dma_start3A_35 = tpu.memref_slice %arg11[%add3A_5, %dma_start3A] : memref<10240x128xf32, #tpu.memory_space<vmem_shared>> -> memref<128x128xf32, #tpu.memory_space<vmem_shared>>
      %dma_start3A_36 = arith.constant 0 : i32
      %dma_start3A_37 = tpu.memref_slice %arg11[%add3A_5, %dma_start3A_36] : memref<10240x128xf32, #tpu.memory_space<vmem_shared>> -> memref<128x128xf32, #tpu.memory_space<vmem_shared>>
      tpu.enqueue_dma source(%arg9 : memref<128x128xf32, #tpu.memory_space<vmem>>) target(%dma_start3A_37 : memref<128x128xf32, #tpu.memory_space<vmem_shared>>) target_semaphore(%run_scoped3A : memref<!tpu.dma_semaphore, #tpu.memory_space<semaphore_mem>>)
      %dma_wait3A = arith.constant 0 : i32
      %dma_wait3A_38 = tpu.memref_slice %arg11[%add3A_5, %dma_wait3A] : memref<10240x128xf32, #tpu.memory_space<vmem_shared>> -> memref<128x128xf32, #tpu.memory_space<vmem_shared>>
      %dma_wait3A_39 = arith.constant 0 : i32
      %dma_wait3A_40 = tpu.memref_slice %arg11[%add3A_5, %dma_wait3A_39] : memref<10240x128xf32, #tpu.memory_space<vmem_shared>> -> memref<128x128xf32, #tpu.memory_space<vmem_shared>>
      tpu.wait_dma2 semaphore(%run_scoped3A : memref<!tpu.dma_semaphore, #tpu.memory_space<semaphore_mem>>) src(%arg9 : memref<128x128xf32, #tpu.memory_space<vmem>>) dst(%dma_wait3A_40 : memref<128x128xf32, #tpu.memory_space<vmem_shared>>)
      tpu.yield
    }) : () -> ()
    %mul3A_6 = arith.constant 640 : i32
    %mul3A_7 = arith.muli %arg1, %mul3A_6 : i32
    %add3A_8 = arith.constant 256 : i32
    %add3A_9 = arith.addi %mul3A_7, %add3A_8 : i32
    "tpu.region"() ({
      %run_scoped3A = tpu.sem_alloc : memref<!tpu.dma_semaphore, #tpu.memory_space<semaphore_mem>>
      %dma_start3A = arith.constant 0 : i32
      %dma_start3A_35 = tpu.memref_slice %arg11[%add3A_9, %dma_start3A] : memref<10240x128xf32, #tpu.memory_space<vmem_shared>> -> memref<128x128xf32, #tpu.memory_space<vmem_shared>>
      %dma_start3A_36 = arith.constant 0 : i32
      %dma_start3A_37 = tpu.memref_slice %arg11[%add3A_9, %dma_start3A_36] : memref<10240x128xf32, #tpu.memory_space<vmem_shared>> -> memref<128x128xf32, #tpu.memory_space<vmem_shared>>
      tpu.enqueue_dma source(%arg9 : memref<128x128xf32, #tpu.memory_space<vmem>>) target(%dma_start3A_37 : memref<128x128xf32, #tpu.memory_space<vmem_shared>>) target_semaphore(%run_scoped3A : memref<!tpu.dma_semaphore, #tpu.memory_space<semaphore_mem>>)
      %dma_wait3A = arith.constant 0 : i32
      %dma_wait3A_38 = tpu.memref_slice %arg11[%add3A_9, %dma_wait3A] : memref<10240x128xf32, #tpu.memory_space<vmem_shared>> -> memref<128x128xf32, #tpu.memory_space<vmem_shared>>
      %dma_wait3A_39 = arith.constant 0 : i32
      %dma_wait3A_40 = tpu.memref_slice %arg11[%add3A_9, %dma_wait3A_39] : memref<10240x128xf32, #tpu.memory_space<vmem_shared>> -> memref<128x128xf32, #tpu.memory_space<vmem_shared>>
      tpu.wait_dma2 semaphore(%run_scoped3A : memref<!tpu.dma_semaphore, #tpu.memory_space<semaphore_mem>>) src(%arg9 : memref<128x128xf32, #tpu.memory_space<vmem>>) dst(%dma_wait3A_40 : memref<128x128xf32, #tpu.memory_space<vmem_shared>>)
      tpu.yield
    }) : () -> ()
    %mul3A_10 = arith.constant 640 : i32
    %mul3A_11 = arith.muli %arg1, %mul3A_10 : i32
    %add3A_12 = arith.constant 384 : i32
    %add3A_13 = arith.addi %mul3A_11, %add3A_12 : i32
    "tpu.region"() ({
      %run_scoped3A = tpu.sem_alloc : memref<!tpu.dma_semaphore, #tpu.memory_space<semaphore_mem>>
      %dma_start3A = arith.constant 0 : i32
      %dma_start3A_35 = tpu.memref_slice %arg11[%add3A_13, %dma_start3A] : memref<10240x128xf32, #tpu.memory_space<vmem_shared>> -> memref<128x128xf32, #tpu.memory_space<vmem_shared>>
      %dma_start3A_36 = arith.constant 0 : i32
      %dma_start3A_37 = tpu.memref_slice %arg11[%add3A_13, %dma_start3A_36] : memref<10240x128xf32, #tpu.memory_space<vmem_shared>> -> memref<128x128xf32, #tpu.memory_space<vmem_shared>>
      tpu.enqueue_dma source(%arg9 : memref<128x128xf32, #tpu.memory_space<vmem>>) target(%dma_start3A_37 : memref<128x128xf32, #tpu.memory_space<vmem_shared>>) target_semaphore(%run_scoped3A : memref<!tpu.dma_semaphore, #tpu.memory_space<semaphore_mem>>)
      %dma_wait3A = arith.constant 0 : i32
      %dma_wait3A_38 = tpu.memref_slice %arg11[%add3A_13, %dma_wait3A] : memref<10240x128xf32, #tpu.memory_space<vmem_shared>> -> memref<128x128xf32, #tpu.memory_space<vmem_shared>>
      %dma_wait3A_39 = arith.constant 0 : i32
      %dma_wait3A_40 = tpu.memref_slice %arg11[%add3A_13, %dma_wait3A_39] : memref<10240x128xf32, #tpu.memory_space<vmem_shared>> -> memref<128x128xf32, #tpu.memory_space<vmem_shared>>
      tpu.wait_dma2 semaphore(%run_scoped3A : memref<!tpu.dma_semaphore, #tpu.memory_space<semaphore_mem>>) src(%arg9 : memref<128x128xf32, #tpu.memory_space<vmem>>) dst(%dma_wait3A_40 : memref<128x128xf32, #tpu.memory_space<vmem_shared>>)
      tpu.yield
    }) : () -> ()
    %mul3A_14 = arith.constant 640 : i32
    %mul3A_15 = arith.muli %arg1, %mul3A_14 : i32
    %add3A_16 = arith.constant 512 : i32
    %add3A_17 = arith.addi %mul3A_15, %add3A_16 : i32
    "tpu.region"() ({
      %run_scoped3A = tpu.sem_alloc : memref<!tpu.dma_semaphore, #tpu.memory_space<semaphore_mem>>
      %dma_start3A = arith.constant 0 : i32
      %dma_start3A_35 = tpu.memref_slice %arg11[%add3A_17, %dma_start3A] : memref<10240x128xf32, #tpu.memory_space<vmem_shared>> -> memref<128x128xf32, #tpu.memory_space<vmem_shared>>
      %dma_start3A_36 = arith.constant 0 : i32
      %dma_start3A_37 = tpu.memref_slice %arg11[%add3A_17, %dma_start3A_36] : memref<10240x128xf32, #tpu.memory_space<vmem_shared>> -> memref<128x128xf32, #tpu.memory_space<vmem_shared>>
      tpu.enqueue_dma source(%arg9 : memref<128x128xf32, #tpu.memory_space<vmem>>) target(%dma_start3A_37 : memref<128x128xf32, #tpu.memory_space<vmem_shared>>) target_semaphore(%run_scoped3A : memref<!tpu.dma_semaphore, #tpu.memory_space<semaphore_mem>>)
      %dma_wait3A = arith.constant 0 : i32
      %dma_wait3A_38 = tpu.memref_slice %arg11[%add3A_17, %dma_wait3A] : memref<10240x128xf32, #tpu.memory_space<vmem_shared>> -> memref<128x128xf32, #tpu.memory_space<vmem_shared>>
      %dma_wait3A_39 = arith.constant 0 : i32
      %dma_wait3A_40 = tpu.memref_slice %arg11[%add3A_17, %dma_wait3A_39] : memref<10240x128xf32, #tpu.memory_space<vmem_shared>> -> memref<128x128xf32, #tpu.memory_space<vmem_shared>>
      tpu.wait_dma2 semaphore(%run_scoped3A : memref<!tpu.dma_semaphore, #tpu.memory_space<semaphore_mem>>) src(%arg9 : memref<128x128xf32, #tpu.memory_space<vmem>>) dst(%dma_wait3A_40 : memref<128x128xf32, #tpu.memory_space<vmem_shared>>)
      tpu.yield
    }) : () -> ()
    %barrier3A = arith.constant 0 : index
    tpu.barrier barrier_id(%barrier3A)
    %mul3A_18 = arith.constant 2560 : i32
    %mul3A_19 = arith.muli %arg0, %mul3A_18 : i32
    %mul3A_20 = arith.constant 160 : i32
    %mul3A_21 = arith.muli %arg1, %mul3A_20 : i32
    %add3A_22 = arith.addi %mul3A_19, %mul3A_21 : i32
    %scan3A = arith.constant 0 : i32
    %scan3A_23 = arith.constant 4 : i32
    %scan3A_24 = arith.addi %scan3A, %scan3A_23 : i32
    %scan3A_25 = arith.constant 1 : i32
    scf.for %scan3A_35 = %scan3A to %scan3A_24 step %scan3A_25  : i32 {
      %mul3A_36 = arith.constant 40 : i32
      %mul3A_37 = arith.muli %scan3A_35, %mul3A_36 : i32
      %add3A_38 = arith.addi %add3A_22, %mul3A_37 : i32
      "tpu.region"() ({
        %run_scoped3A = tpu.sem_alloc : memref<!tpu.dma_semaphore, #tpu.memory_space<semaphore_mem>>
        %dma_start3A_53 = arith.constant 0 : i32
        %dma_start3A_54 = tpu.memref_slice %arg3[%add3A_38, %dma_start3A_53] : memref<5120x128xi32, #tpu.memory_space<hbm>> -> memref<40x128xi32, #tpu.memory_space<hbm>>
        %dma_start3A_55 = arith.constant 0 : i32
        %dma_start3A_56 = tpu.memref_slice %arg3[%add3A_38, %dma_start3A_55] : memref<5120x128xi32, #tpu.memory_space<hbm>> -> memref<40x128xi32, #tpu.memory_space<hbm>>
        tpu.enqueue_dma source(%dma_start3A_56 : memref<40x128xi32, #tpu.memory_space<hbm>>) target(%arg7 : memref<40x128xi32, #tpu.memory_space<vmem>>) target_semaphore(%run_scoped3A : memref<!tpu.dma_semaphore, #tpu.memory_space<semaphore_mem>>)
        %dma_wait3A = arith.constant 0 : i32
        %dma_wait3A_57 = tpu.memref_slice %arg3[%add3A_38, %dma_wait3A] : memref<5120x128xi32, #tpu.memory_space<hbm>> -> memref<40x128xi32, #tpu.memory_space<hbm>>
        %dma_wait3A_58 = arith.constant 0 : i32
        %dma_wait3A_59 = tpu.memref_slice %arg3[%add3A_38, %dma_wait3A_58] : memref<5120x128xi32, #tpu.memory_space<hbm>> -> memref<40x128xi32, #tpu.memory_space<hbm>>
        tpu.wait_dma2 semaphore(%run_scoped3A : memref<!tpu.dma_semaphore, #tpu.memory_space<semaphore_mem>>) src(%dma_wait3A_59 : memref<40x128xi32, #tpu.memory_space<hbm>>) dst(%arg7 : memref<40x128xi32, #tpu.memory_space<vmem>>)
        tpu.yield
      }) : () -> ()
      %mul3A_39 = arith.constant 40 : i32
      %mul3A_40 = arith.muli %scan3A_35, %mul3A_39 : i32
      %add3A_41 = arith.addi %add3A_22, %mul3A_40 : i32
      "tpu.region"() ({
        %run_scoped3A = tpu.sem_alloc : memref<!tpu.dma_semaphore, #tpu.memory_space<semaphore_mem>>
        %dma_start3A_53 = arith.constant 0 : i32
        %dma_start3A_54 = tpu.memref_slice %arg4[%add3A_41, %dma_start3A_53] : memref<5120x128xi32, #tpu.memory_space<hbm>> -> memref<40x128xi32, #tpu.memory_space<hbm>>
        %dma_start3A_55 = arith.constant 0 : i32
        %dma_start3A_56 = tpu.memref_slice %arg4[%add3A_41, %dma_start3A_55] : memref<5120x128xi32, #tpu.memory_space<hbm>> -> memref<40x128xi32, #tpu.memory_space<hbm>>
        tpu.enqueue_dma source(%dma_start3A_56 : memref<40x128xi32, #tpu.memory_space<hbm>>) target(%arg8 : memref<40x128xi32, #tpu.memory_space<vmem>>) target_semaphore(%run_scoped3A : memref<!tpu.dma_semaphore, #tpu.memory_space<semaphore_mem>>)
        %dma_wait3A = arith.constant 0 : i32
        %dma_wait3A_57 = tpu.memref_slice %arg4[%add3A_41, %dma_wait3A] : memref<5120x128xi32, #tpu.memory_space<hbm>> -> memref<40x128xi32, #tpu.memory_space<hbm>>
        %dma_wait3A_58 = arith.constant 0 : i32
        %dma_wait3A_59 = tpu.memref_slice %arg4[%add3A_41, %dma_wait3A_58] : memref<5120x128xi32, #tpu.memory_space<hbm>> -> memref<40x128xi32, #tpu.memory_space<hbm>>
        tpu.wait_dma2 semaphore(%run_scoped3A : memref<!tpu.dma_semaphore, #tpu.memory_space<semaphore_mem>>) src(%dma_wait3A_59 : memref<40x128xi32, #tpu.memory_space<hbm>>) dst(%arg8 : memref<40x128xi32, #tpu.memory_space<vmem>>)
        tpu.yield
      }) : () -> ()
      %dma_start3A = arith.constant 0 : i32
      %dma_start3A_42 = arith.constant 0 : i32
      %dma_start3A_43 = tpu.memref_slice %arg7[%dma_start3A, %dma_start3A_42] : memref<40x128xi32, #tpu.memory_space<vmem>> -> memref<1x128xi32, #tpu.memory_space<vmem>>
      %dma_start3A_44 = tpu.memref_squeeze %dma_start3A_43 : memref<1x128xi32, #tpu.memory_space<vmem>> -> memref<128xi32, #tpu.memory_space<vmem>>
      %dma_start3A_45 = arith.constant 0 : i32
      %dma_start3A_46 = arith.constant 0 : i32
      %dma_start3A_47 = tpu.memref_slice %arg2[%dma_start3A_45, %dma_start3A_46] : memref<20000x128xf32, #tpu.memory_space<hbm>> -> memref<20000x128xf32, #tpu.memory_space<hbm>>
      tpu.enqueue_indirect_dma source(%dma_start3A_47 : memref<20000x128xf32, #tpu.memory_space<hbm>>) target(%arg9 : memref<128x128xf32, #tpu.memory_space<vmem>>) offsets(%dma_start3A_44 : memref<128xi32, #tpu.memory_space<vmem>>) semaphore(%arg12 : memref<!tpu.dma_semaphore, #tpu.memory_space<semaphore_mem>>)
      %scan3A_48 = arith.constant 0 : i32
      %scan3A_49 = arith.constant 20 : i32
      %scan3A_50 = arith.addi %scan3A_48, %scan3A_49 : i32
      %scan3A_51 = arith.constant 1 : i32
      scf.for %scan3A_53 = %scan3A_48 to %scan3A_50 step %scan3A_51  : i32 {
        %mul3A_54 = arith.constant 2 : i32
        %mul3A_55 = arith.muli %mul3A_54, %scan3A_53 : i32
        %add3A_56 = arith.constant 1 : i32
        %add3A_57 = arith.addi %mul3A_55, %add3A_56 : i32
        %dma_start3A_58 = arith.constant 0 : i32
        %dma_start3A_59 = tpu.memref_slice %arg7[%add3A_57, %dma_start3A_58] : memref<40x128xi32, #tpu.memory_space<vmem>> -> memref<1x128xi32, #tpu.memory_space<vmem>>
        %dma_start3A_60 = tpu.memref_squeeze %dma_start3A_59 : memref<1x128xi32, #tpu.memory_space<vmem>> -> memref<128xi32, #tpu.memory_space<vmem>>
        %dma_start3A_61 = arith.constant 0 : i32
        %dma_start3A_62 = arith.constant 0 : i32
        %dma_start3A_63 = tpu.memref_slice %arg2[%dma_start3A_61, %dma_start3A_62] : memref<20000x128xf32, #tpu.memory_space<hbm>> -> memref<20000x128xf32, #tpu.memory_space<hbm>>
        tpu.enqueue_indirect_dma source(%dma_start3A_63 : memref<20000x128xf32, #tpu.memory_space<hbm>>) target(%arg10 : memref<128x128xf32, #tpu.memory_space<vmem>>) offsets(%dma_start3A_60 : memref<128xi32, #tpu.memory_space<vmem>>) semaphore(%arg13 : memref<!tpu.dma_semaphore, #tpu.memory_space<semaphore_mem>>)
        %dma_wait3A = arith.constant 0 : i32
        %dma_wait3A_64 = tpu.memref_slice %arg7[%mul3A_55, %dma_wait3A] : memref<40x128xi32, #tpu.memory_space<vmem>> -> memref<1x128xi32, #tpu.memory_space<vmem>>
        %dma_wait3A_65 = tpu.memref_squeeze %dma_wait3A_64 : memref<1x128xi32, #tpu.memory_space<vmem>> -> memref<128xi32, #tpu.memory_space<vmem>>
        %dma_wait3A_66 = arith.constant 0 : i32
        %dma_wait3A_67 = arith.constant 0 : i32
        %dma_wait3A_68 = tpu.memref_slice %arg2[%dma_wait3A_66, %dma_wait3A_67] : memref<20000x128xf32, #tpu.memory_space<hbm>> -> memref<20000x128xf32, #tpu.memory_space<hbm>>
        tpu.wait_indirect_dma semaphore(%arg12 : memref<!tpu.dma_semaphore, #tpu.memory_space<semaphore_mem>>) src(%dma_wait3A_68 : memref<20000x128xf32, #tpu.memory_space<hbm>>) dst(%arg9 : memref<128x128xf32, #tpu.memory_space<vmem>>)
        "tpu.region"() ({
          %run_scoped3A = tpu.sem_alloc : memref<!tpu.dma_semaphore, #tpu.memory_space<semaphore_mem>>
          %dma_start3A_81 = arith.constant 0 : i32
          %dma_start3A_82 = tpu.memref_slice %arg8[%mul3A_55, %dma_start3A_81] : memref<40x128xi32, #tpu.memory_space<vmem>> -> memref<1x128xi32, #tpu.memory_space<vmem>>
          %dma_start3A_83 = tpu.memref_squeeze %dma_start3A_82 : memref<1x128xi32, #tpu.memory_space<vmem>> -> memref<128xi32, #tpu.memory_space<vmem>>
          %dma_start3A_84 = arith.constant 0 : i32
          %dma_start3A_85 = arith.constant 0 : i32
          %dma_start3A_86 = tpu.memref_slice %arg11[%dma_start3A_84, %dma_start3A_85] : memref<10240x128xf32, #tpu.memory_space<vmem_shared>> -> memref<10240x128xf32, #tpu.memory_space<vmem_shared>>
          tpu.enqueue_indirect_dma source(%arg9 : memref<128x128xf32, #tpu.memory_space<vmem>>) target(%dma_start3A_86 : memref<10240x128xf32, #tpu.memory_space<vmem_shared>>) offsets(%dma_start3A_83 : memref<128xi32, #tpu.memory_space<vmem>>) semaphore(%run_scoped3A : memref<!tpu.dma_semaphore, #tpu.memory_space<semaphore_mem>>) {add = true}
          %dma_wait3A_87 = arith.constant 0 : i32
          %dma_wait3A_88 = tpu.memref_slice %arg8[%mul3A_55, %dma_wait3A_87] : memref<40x128xi32, #tpu.memory_space<vmem>> -> memref<1x128xi32, #tpu.memory_space<vmem>>
          %dma_wait3A_89 = tpu.memref_squeeze %dma_wait3A_88 : memref<1x128xi32, #tpu.memory_space<vmem>> -> memref<128xi32, #tpu.memory_space<vmem>>
          %dma_wait3A_90 = arith.constant 0 : i32
          %dma_wait3A_91 = arith.constant 0 : i32
          %dma_wait3A_92 = tpu.memref_slice %arg11[%dma_wait3A_90, %dma_wait3A_91] : memref<10240x128xf32, #tpu.memory_space<vmem_shared>> -> memref<10240x128xf32, #tpu.memory_space<vmem_shared>>
          tpu.wait_indirect_dma semaphore(%run_scoped3A : memref<!tpu.dma_semaphore, #tpu.memory_space<semaphore_mem>>) src(%arg9 : memref<128x128xf32, #tpu.memory_space<vmem>>) dst(%dma_wait3A_92 : memref<10240x128xf32, #tpu.memory_space<vmem_shared>>)
          tpu.yield
        }) : () -> ()
        %lt3A = arith.constant 19 : i32
        %lt3A_69 = arith.cmpi slt, %scan3A_53, %lt3A : i32
        %convert_element_type3A = arith.extui %lt3A_69 : i1 to i32
        %cond3A = arith.constant 0 : i32
        %cond3A_70 = arith.cmpi ne, %convert_element_type3A, %cond3A : i32
        scf.if %cond3A_70 {
          %add3A_81 = arith.constant 2 : i32
          %add3A_82 = arith.addi %mul3A_55, %add3A_81 : i32
          %dma_start3A_83 = arith.constant 0 : i32
          %dma_start3A_84 = tpu.memref_slice %arg7[%add3A_82, %dma_start3A_83] : memref<40x128xi32, #tpu.memory_space<vmem>> -> memref<1x128xi32, #tpu.memory_space<vmem>>
          %dma_start3A_85 = tpu.memref_squeeze %dma_start3A_84 : memref<1x128xi32, #tpu.memory_space<vmem>> -> memref<128xi32, #tpu.memory_space<vmem>>
          %dma_start3A_86 = arith.constant 0 : i32
          %dma_start3A_87 = arith.constant 0 : i32
          %dma_start3A_88 = tpu.memref_slice %arg2[%dma_start3A_86, %dma_start3A_87] : memref<20000x128xf32, #tpu.memory_space<hbm>> -> memref<20000x128xf32, #tpu.memory_space<hbm>>
          tpu.enqueue_indirect_dma source(%dma_start3A_88 : memref<20000x128xf32, #tpu.memory_space<hbm>>) target(%arg9 : memref<128x128xf32, #tpu.memory_space<vmem>>) offsets(%dma_start3A_85 : memref<128xi32, #tpu.memory_space<vmem>>) semaphore(%arg12 : memref<!tpu.dma_semaphore, #tpu.memory_space<semaphore_mem>>)
        } else {
        }
        %add3A_71 = arith.constant 1 : i32
        %add3A_72 = arith.addi %mul3A_55, %add3A_71 : i32
        %dma_wait3A_73 = arith.constant 0 : i32
        %dma_wait3A_74 = tpu.memref_slice %arg7[%add3A_72, %dma_wait3A_73] : memref<40x128xi32, #tpu.memory_space<vmem>> -> memref<1x128xi32, #tpu.memory_space<vmem>>
        %dma_wait3A_75 = tpu.memref_squeeze %dma_wait3A_74 : memref<1x128xi32, #tpu.memory_space<vmem>> -> memref<128xi32, #tpu.memory_space<vmem>>
        %dma_wait3A_76 = arith.constant 0 : i32
        %dma_wait3A_77 = arith.constant 0 : i32
        %dma_wait3A_78 = tpu.memref_slice %arg2[%dma_wait3A_76, %dma_wait3A_77] : memref<20000x128xf32, #tpu.memory_space<hbm>> -> memref<20000x128xf32, #tpu.memory_space<hbm>>
        tpu.wait_indirect_dma semaphore(%arg13 : memref<!tpu.dma_semaphore, #tpu.memory_space<semaphore_mem>>) src(%dma_wait3A_78 : memref<20000x128xf32, #tpu.memory_space<hbm>>) dst(%arg10 : memref<128x128xf32, #tpu.memory_space<vmem>>)
        %add3A_79 = arith.constant 1 : i32
        %add3A_80 = arith.addi %mul3A_55, %add3A_79 : i32
        "tpu.region"() ({
          %run_scoped3A = tpu.sem_alloc : memref<!tpu.dma_semaphore, #tpu.memory_space<semaphore_mem>>
          %dma_start3A_81 = arith.constant 0 : i32
          %dma_start3A_82 = tpu.memref_slice %arg8[%add3A_80, %dma_start3A_81] : memref<40x128xi32, #tpu.memory_space<vmem>> -> memref<1x128xi32, #tpu.memory_space<vmem>>
          %dma_start3A_83 = tpu.memref_squeeze %dma_start3A_82 : memref<1x128xi32, #tpu.memory_space<vmem>> -> memref<128xi32, #tpu.memory_space<vmem>>
          %dma_start3A_84 = arith.constant 0 : i32
          %dma_start3A_85 = arith.constant 0 : i32
          %dma_start3A_86 = tpu.memref_slice %arg11[%dma_start3A_84, %dma_start3A_85] : memref<10240x128xf32, #tpu.memory_space<vmem_shared>> -> memref<10240x128xf32, #tpu.memory_space<vmem_shared>>
          tpu.enqueue_indirect_dma source(%arg10 : memref<128x128xf32, #tpu.memory_space<vmem>>) target(%dma_start3A_86 : memref<10240x128xf32, #tpu.memory_space<vmem_shared>>) offsets(%dma_start3A_83 : memref<128xi32, #tpu.memory_space<vmem>>) semaphore(%run_scoped3A : memref<!tpu.dma_semaphore, #tpu.memory_space<semaphore_mem>>) {add = true}
          %dma_wait3A_87 = arith.constant 0 : i32
          %dma_wait3A_88 = tpu.memref_slice %arg8[%add3A_80, %dma_wait3A_87] : memref<40x128xi32, #tpu.memory_space<vmem>> -> memref<1x128xi32, #tpu.memory_space<vmem>>
          %dma_wait3A_89 = tpu.memref_squeeze %dma_wait3A_88 : memref<1x128xi32, #tpu.memory_space<vmem>> -> memref<128xi32, #tpu.memory_space<vmem>>
          %dma_wait3A_90 = arith.constant 0 : i32
          %dma_wait3A_91 = arith.constant 0 : i32
          %dma_wait3A_92 = tpu.memref_slice %arg11[%dma_wait3A_90, %dma_wait3A_91] : memref<10240x128xf32, #tpu.memory_space<vmem_shared>> -> memref<10240x128xf32, #tpu.memory_space<vmem_shared>>
          tpu.wait_indirect_dma semaphore(%run_scoped3A : memref<!tpu.dma_semaphore, #tpu.memory_space<semaphore_mem>>) src(%arg10 : memref<128x128xf32, #tpu.memory_space<vmem>>) dst(%dma_wait3A_92 : memref<10240x128xf32, #tpu.memory_space<vmem_shared>>)
          tpu.yield
        }) : () -> ()
      }
      %scan3A_52 = arith.constant 20 : i32
    }
    %scan3A_26 = arith.constant 4 : i32
    %barrier3A_27 = arith.constant 0 : index
    tpu.barrier barrier_id(%barrier3A_27)
    %mul3A_28 = arith.constant 640 : i32
    %mul3A_29 = arith.muli %arg1, %mul3A_28 : i32
    %mul3A_30 = arith.constant 10240 : i32
    %mul3A_31 = arith.muli %arg0, %mul3A_30 : i32
    %mul3A_32 = arith.constant 640 : i32
    %mul3A_33 = arith.muli %arg1, %mul3A_32 : i32
    %add3A_34 = arith.addi %mul3A_31, %mul3A_33 : i32
    "tpu.region"() ({
      %run_scoped3A = tpu.sem_alloc : memref<!tpu.dma_semaphore, #tpu.memory_space<semaphore_mem>>
      %dma_start3A = arith.constant 0 : i32
      %dma_start3A_35 = tpu.memref_slice %arg6[%add3A_34, %dma_start3A] : memref<20480x128xf32, #tpu.memory_space<hbm>> -> memref<640x128xf32, #tpu.memory_space<hbm>>
      %dma_start3A_36 = arith.constant 0 : i32
      %dma_start3A_37 = tpu.memref_slice %arg11[%mul3A_29, %dma_start3A_36] : memref<10240x128xf32, #tpu.memory_space<vmem_shared>> -> memref<640x128xf32, #tpu.memory_space<vmem_shared>>
      tpu.enqueue_dma source(%dma_start3A_37 : memref<640x128xf32, #tpu.memory_space<vmem_shared>>) target(%dma_start3A_35 : memref<640x128xf32, #tpu.memory_space<hbm>>) target_semaphore(%run_scoped3A : memref<!tpu.dma_semaphore, #tpu.memory_space<semaphore_mem>>)
      %dma_wait3A = arith.constant 0 : i32
      %dma_wait3A_38 = tpu.memref_slice %arg6[%add3A_34, %dma_wait3A] : memref<20480x128xf32, #tpu.memory_space<hbm>> -> memref<640x128xf32, #tpu.memory_space<hbm>>
      %dma_wait3A_39 = arith.constant 0 : i32
      %dma_wait3A_40 = tpu.memref_slice %arg11[%mul3A_29, %dma_wait3A_39] : memref<10240x128xf32, #tpu.memory_space<vmem_shared>> -> memref<640x128xf32, #tpu.memory_space<vmem_shared>>
      tpu.wait_dma2 semaphore(%run_scoped3A : memref<!tpu.dma_semaphore, #tpu.memory_space<semaphore_mem>>) src(%dma_wait3A_40 : memref<640x128xf32, #tpu.memory_space<vmem_shared>>) dst(%dma_wait3A_38 : memref<640x128xf32, #tpu.memory_space<hbm>>)
      tpu.yield
    }) : () -> ()
    return
  }
}

#map = affine_map<(d0, d1) -> (0, 0)>
module attributes {stable_mosaic.version = 14 : i64} {
  func.func @_sc_seg_kernel(%arg0: i32, %arg1: i32, %arg2: memref<20000x128xf32, #tpu.memory_space<hbm>>, %arg3: memref<5120x128xi32, #tpu.memory_space<hbm>>, %arg4: memref<5120x128xi32, #tpu.memory_space<hbm>>, %arg5: memref<128x128xf32, #tpu.memory_space<hbm>>, %arg6: memref<20480x128xf32, #tpu.memory_space<hbm>>, %arg7: memref<40x128xi32, #tpu.memory_space<vmem>>, %arg8: memref<40x128xi32, #tpu.memory_space<vmem>>, %arg9: memref<128x128xf32, #tpu.memory_space<vmem>>, %arg10: memref<128x128xf32, #tpu.memory_space<vmem>>, %arg11: memref<10240x128xf32, #tpu.memory_space<vmem_shared>>, %arg12: memref<!tpu.dma_semaphore, #tpu.memory_space<semaphore_mem>>, %arg13: memref<!tpu.dma_semaphore, #tpu.memory_space<semaphore_mem>>) attributes {dimension_semantics = [#tpu.dimension_semantics<core_parallel>, #tpu.dimension_semantics<subcore_parallel>], iteration_bounds = array<i64: 2, 16>, scalar_prefetch = 0 : i64, scratch_operands = 7 : i64, tpu.core_type = #tpu.core_type<sc_vector_subcore>, window_params = [{transform_indices = #map}, {transform_indices = #map}, {transform_indices = #map}, {transform_indices = #map}, {transform_indices = #map}]} {
    "tpu.region"() ({
      %run_scoped3A = tpu.sem_alloc : memref<!tpu.dma_semaphore, #tpu.memory_space<semaphore_mem>>
      tpu.enqueue_dma source(%arg5 : memref<128x128xf32, #tpu.memory_space<hbm>>) target(%arg9 : memref<128x128xf32, #tpu.memory_space<vmem>>) target_semaphore(%run_scoped3A : memref<!tpu.dma_semaphore, #tpu.memory_space<semaphore_mem>>)
      tpu.wait_dma2 semaphore(%run_scoped3A : memref<!tpu.dma_semaphore, #tpu.memory_space<semaphore_mem>>) src(%arg5 : memref<128x128xf32, #tpu.memory_space<hbm>>) dst(%arg9 : memref<128x128xf32, #tpu.memory_space<vmem>>)
      tpu.yield
    }) : () -> ()
    %mul3A = arith.constant 640 : i32
    %mul3A_0 = arith.muli %arg1, %mul3A : i32
    %add3A = arith.constant 0 : i32
    %add3A_1 = arith.addi %mul3A_0, %add3A : i32
    "tpu.region"() ({
      %run_scoped3A = tpu.sem_alloc : memref<!tpu.dma_semaphore, #tpu.memory_space<semaphore_mem>>
      %dma_start3A = arith.constant 0 : i32
      %dma_start3A_35 = tpu.memref_slice %arg11[%add3A_1, %dma_start3A] : memref<10240x128xf32, #tpu.memory_space<vmem_shared>> -> memref<128x128xf32, #tpu.memory_space<vmem_shared>>
      %dma_start3A_36 = arith.constant 0 : i32
      %dma_start3A_37 = tpu.memref_slice %arg11[%add3A_1, %dma_start3A_36] : memref<10240x128xf32, #tpu.memory_space<vmem_shared>> -> memref<128x128xf32, #tpu.memory_space<vmem_shared>>
      tpu.enqueue_dma source(%arg9 : memref<128x128xf32, #tpu.memory_space<vmem>>) target(%dma_start3A_37 : memref<128x128xf32, #tpu.memory_space<vmem_shared>>) target_semaphore(%run_scoped3A : memref<!tpu.dma_semaphore, #tpu.memory_space<semaphore_mem>>)
      %dma_wait3A = arith.constant 0 : i32
      %dma_wait3A_38 = tpu.memref_slice %arg11[%add3A_1, %dma_wait3A] : memref<10240x128xf32, #tpu.memory_space<vmem_shared>> -> memref<128x128xf32, #tpu.memory_space<vmem_shared>>
      %dma_wait3A_39 = arith.constant 0 : i32
      %dma_wait3A_40 = tpu.memref_slice %arg11[%add3A_1, %dma_wait3A_39] : memref<10240x128xf32, #tpu.memory_space<vmem_shared>> -> memref<128x128xf32, #tpu.memory_space<vmem_shared>>
      tpu.wait_dma2 semaphore(%run_scoped3A : memref<!tpu.dma_semaphore, #tpu.memory_space<semaphore_mem>>) src(%arg9 : memref<128x128xf32, #tpu.memory_space<vmem>>) dst(%dma_wait3A_40 : memref<128x128xf32, #tpu.memory_space<vmem_shared>>)
      tpu.yield
    }) : () -> ()
    %mul3A_2 = arith.constant 640 : i32
    %mul3A_3 = arith.muli %arg1, %mul3A_2 : i32
    %add3A_4 = arith.constant 128 : i32
    %add3A_5 = arith.addi %mul3A_3, %add3A_4 : i32
    "tpu.region"() ({
      %run_scoped3A = tpu.sem_alloc : memref<!tpu.dma_semaphore, #tpu.memory_space<semaphore_mem>>
      %dma_start3A = arith.constant 0 : i32
      %dma_start3A_35 = tpu.memref_slice %arg11[%add3A_5, %dma_start3A] : memref<10240x128xf32, #tpu.memory_space<vmem_shared>> -> memref<128x128xf32, #tpu.memory_space<vmem_shared>>
      %dma_start3A_36 = arith.constant 0 : i32
      %dma_start3A_37 = tpu.memref_slice %arg11[%add3A_5, %dma_start3A_36] : memref<10240x128xf32, #tpu.memory_space<vmem_shared>> -> memref<128x128xf32, #tpu.memory_space<vmem_shared>>
      tpu.enqueue_dma source(%arg9 : memref<128x128xf32, #tpu.memory_space<vmem>>) target(%dma_start3A_37 : memref<128x128xf32, #tpu.memory_space<vmem_shared>>) target_semaphore(%run_scoped3A : memref<!tpu.dma_semaphore, #tpu.memory_space<semaphore_mem>>)
      %dma_wait3A = arith.constant 0 : i32
      %dma_wait3A_38 = tpu.memref_slice %arg11[%add3A_5, %dma_wait3A] : memref<10240x128xf32, #tpu.memory_space<vmem_shared>> -> memref<128x128xf32, #tpu.memory_space<vmem_shared>>
      %dma_wait3A_39 = arith.constant 0 : i32
      %dma_wait3A_40 = tpu.memref_slice %arg11[%add3A_5, %dma_wait3A_39] : memref<10240x128xf32, #tpu.memory_space<vmem_shared>> -> memref<128x128xf32, #tpu.memory_space<vmem_shared>>
      tpu.wait_dma2 semaphore(%run_scoped3A : memref<!tpu.dma_semaphore, #tpu.memory_space<semaphore_mem>>) src(%arg9 : memref<128x128xf32, #tpu.memory_space<vmem>>) dst(%dma_wait3A_40 : memref<128x128xf32, #tpu.memory_space<vmem_shared>>)
      tpu.yield
    }) : () -> ()
    %mul3A_6 = arith.constant 640 : i32
    %mul3A_7 = arith.muli %arg1, %mul3A_6 : i32
    %add3A_8 = arith.constant 256 : i32
    %add3A_9 = arith.addi %mul3A_7, %add3A_8 : i32
    "tpu.region"() ({
      %run_scoped3A = tpu.sem_alloc : memref<!tpu.dma_semaphore, #tpu.memory_space<semaphore_mem>>
      %dma_start3A = arith.constant 0 : i32
      %dma_start3A_35 = tpu.memref_slice %arg11[%add3A_9, %dma_start3A] : memref<10240x128xf32, #tpu.memory_space<vmem_shared>> -> memref<128x128xf32, #tpu.memory_space<vmem_shared>>
      %dma_start3A_36 = arith.constant 0 : i32
      %dma_start3A_37 = tpu.memref_slice %arg11[%add3A_9, %dma_start3A_36] : memref<10240x128xf32, #tpu.memory_space<vmem_shared>> -> memref<128x128xf32, #tpu.memory_space<vmem_shared>>
      tpu.enqueue_dma source(%arg9 : memref<128x128xf32, #tpu.memory_space<vmem>>) target(%dma_start3A_37 : memref<128x128xf32, #tpu.memory_space<vmem_shared>>) target_semaphore(%run_scoped3A : memref<!tpu.dma_semaphore, #tpu.memory_space<semaphore_mem>>)
      %dma_wait3A = arith.constant 0 : i32
      %dma_wait3A_38 = tpu.memref_slice %arg11[%add3A_9, %dma_wait3A] : memref<10240x128xf32, #tpu.memory_space<vmem_shared>> -> memref<128x128xf32, #tpu.memory_space<vmem_shared>>
      %dma_wait3A_39 = arith.constant 0 : i32
      %dma_wait3A_40 = tpu.memref_slice %arg11[%add3A_9, %dma_wait3A_39] : memref<10240x128xf32, #tpu.memory_space<vmem_shared>> -> memref<128x128xf32, #tpu.memory_space<vmem_shared>>
      tpu.wait_dma2 semaphore(%run_scoped3A : memref<!tpu.dma_semaphore, #tpu.memory_space<semaphore_mem>>) src(%arg9 : memref<128x128xf32, #tpu.memory_space<vmem>>) dst(%dma_wait3A_40 : memref<128x128xf32, #tpu.memory_space<vmem_shared>>)
      tpu.yield
    }) : () -> ()
    %mul3A_10 = arith.constant 640 : i32
    %mul3A_11 = arith.muli %arg1, %mul3A_10 : i32
    %add3A_12 = arith.constant 384 : i32
    %add3A_13 = arith.addi %mul3A_11, %add3A_12 : i32
    "tpu.region"() ({
      %run_scoped3A = tpu.sem_alloc : memref<!tpu.dma_semaphore, #tpu.memory_space<semaphore_mem>>
      %dma_start3A = arith.constant 0 : i32
      %dma_start3A_35 = tpu.memref_slice %arg11[%add3A_13, %dma_start3A] : memref<10240x128xf32, #tpu.memory_space<vmem_shared>> -> memref<128x128xf32, #tpu.memory_space<vmem_shared>>
      %dma_start3A_36 = arith.constant 0 : i32
      %dma_start3A_37 = tpu.memref_slice %arg11[%add3A_13, %dma_start3A_36] : memref<10240x128xf32, #tpu.memory_space<vmem_shared>> -> memref<128x128xf32, #tpu.memory_space<vmem_shared>>
      tpu.enqueue_dma source(%arg9 : memref<128x128xf32, #tpu.memory_space<vmem>>) target(%dma_start3A_37 : memref<128x128xf32, #tpu.memory_space<vmem_shared>>) target_semaphore(%run_scoped3A : memref<!tpu.dma_semaphore, #tpu.memory_space<semaphore_mem>>)
      %dma_wait3A = arith.constant 0 : i32
      %dma_wait3A_38 = tpu.memref_slice %arg11[%add3A_13, %dma_wait3A] : memref<10240x128xf32, #tpu.memory_space<vmem_shared>> -> memref<128x128xf32, #tpu.memory_space<vmem_shared>>
      %dma_wait3A_39 = arith.constant 0 : i32
      %dma_wait3A_40 = tpu.memref_slice %arg11[%add3A_13, %dma_wait3A_39] : memref<10240x128xf32, #tpu.memory_space<vmem_shared>> -> memref<128x128xf32, #tpu.memory_space<vmem_shared>>
      tpu.wait_dma2 semaphore(%run_scoped3A : memref<!tpu.dma_semaphore, #tpu.memory_space<semaphore_mem>>) src(%arg9 : memref<128x128xf32, #tpu.memory_space<vmem>>) dst(%dma_wait3A_40 : memref<128x128xf32, #tpu.memory_space<vmem_shared>>)
      tpu.yield
    }) : () -> ()
    %mul3A_14 = arith.constant 640 : i32
    %mul3A_15 = arith.muli %arg1, %mul3A_14 : i32
    %add3A_16 = arith.constant 512 : i32
    %add3A_17 = arith.addi %mul3A_15, %add3A_16 : i32
    "tpu.region"() ({
      %run_scoped3A = tpu.sem_alloc : memref<!tpu.dma_semaphore, #tpu.memory_space<semaphore_mem>>
      %dma_start3A = arith.constant 0 : i32
      %dma_start3A_35 = tpu.memref_slice %arg11[%add3A_17, %dma_start3A] : memref<10240x128xf32, #tpu.memory_space<vmem_shared>> -> memref<128x128xf32, #tpu.memory_space<vmem_shared>>
      %dma_start3A_36 = arith.constant 0 : i32
      %dma_start3A_37 = tpu.memref_slice %arg11[%add3A_17, %dma_start3A_36] : memref<10240x128xf32, #tpu.memory_space<vmem_shared>> -> memref<128x128xf32, #tpu.memory_space<vmem_shared>>
      tpu.enqueue_dma source(%arg9 : memref<128x128xf32, #tpu.memory_space<vmem>>) target(%dma_start3A_37 : memref<128x128xf32, #tpu.memory_space<vmem_shared>>) target_semaphore(%run_scoped3A : memref<!tpu.dma_semaphore, #tpu.memory_space<semaphore_mem>>)
      %dma_wait3A = arith.constant 0 : i32
      %dma_wait3A_38 = tpu.memref_slice %arg11[%add3A_17, %dma_wait3A] : memref<10240x128xf32, #tpu.memory_space<vmem_shared>> -> memref<128x128xf32, #tpu.memory_space<vmem_shared>>
      %dma_wait3A_39 = arith.constant 0 : i32
      %dma_wait3A_40 = tpu.memref_slice %arg11[%add3A_17, %dma_wait3A_39] : memref<10240x128xf32, #tpu.memory_space<vmem_shared>> -> memref<128x128xf32, #tpu.memory_space<vmem_shared>>
      tpu.wait_dma2 semaphore(%run_scoped3A : memref<!tpu.dma_semaphore, #tpu.memory_space<semaphore_mem>>) src(%arg9 : memref<128x128xf32, #tpu.memory_space<vmem>>) dst(%dma_wait3A_40 : memref<128x128xf32, #tpu.memory_space<vmem_shared>>)
      tpu.yield
    }) : () -> ()
    %barrier3A = arith.constant 0 : index
    tpu.barrier barrier_id(%barrier3A)
    %mul3A_18 = arith.constant 2560 : i32
    %mul3A_19 = arith.muli %arg0, %mul3A_18 : i32
    %mul3A_20 = arith.constant 160 : i32
    %mul3A_21 = arith.muli %arg1, %mul3A_20 : i32
    %add3A_22 = arith.addi %mul3A_19, %mul3A_21 : i32
    %scan3A = arith.constant 0 : i32
    %scan3A_23 = arith.constant 4 : i32
    %scan3A_24 = arith.addi %scan3A, %scan3A_23 : i32
    %scan3A_25 = arith.constant 1 : i32
    scf.for %scan3A_35 = %scan3A to %scan3A_24 step %scan3A_25  : i32 {
      %mul3A_36 = arith.constant 40 : i32
      %mul3A_37 = arith.muli %scan3A_35, %mul3A_36 : i32
      %add3A_38 = arith.addi %add3A_22, %mul3A_37 : i32
      "tpu.region"() ({
        %run_scoped3A = tpu.sem_alloc : memref<!tpu.dma_semaphore, #tpu.memory_space<semaphore_mem>>
        %dma_start3A_53 = arith.constant 0 : i32
        %dma_start3A_54 = tpu.memref_slice %arg3[%add3A_38, %dma_start3A_53] : memref<5120x128xi32, #tpu.memory_space<hbm>> -> memref<40x128xi32, #tpu.memory_space<hbm>>
        %dma_start3A_55 = arith.constant 0 : i32
        %dma_start3A_56 = tpu.memref_slice %arg3[%add3A_38, %dma_start3A_55] : memref<5120x128xi32, #tpu.memory_space<hbm>> -> memref<40x128xi32, #tpu.memory_space<hbm>>
        tpu.enqueue_dma source(%dma_start3A_56 : memref<40x128xi32, #tpu.memory_space<hbm>>) target(%arg7 : memref<40x128xi32, #tpu.memory_space<vmem>>) target_semaphore(%run_scoped3A : memref<!tpu.dma_semaphore, #tpu.memory_space<semaphore_mem>>)
        %dma_wait3A = arith.constant 0 : i32
        %dma_wait3A_57 = tpu.memref_slice %arg3[%add3A_38, %dma_wait3A] : memref<5120x128xi32, #tpu.memory_space<hbm>> -> memref<40x128xi32, #tpu.memory_space<hbm>>
        %dma_wait3A_58 = arith.constant 0 : i32
        %dma_wait3A_59 = tpu.memref_slice %arg3[%add3A_38, %dma_wait3A_58] : memref<5120x128xi32, #tpu.memory_space<hbm>> -> memref<40x128xi32, #tpu.memory_space<hbm>>
        tpu.wait_dma2 semaphore(%run_scoped3A : memref<!tpu.dma_semaphore, #tpu.memory_space<semaphore_mem>>) src(%dma_wait3A_59 : memref<40x128xi32, #tpu.memory_space<hbm>>) dst(%arg7 : memref<40x128xi32, #tpu.memory_space<vmem>>)
        tpu.yield
      }) : () -> ()
      %mul3A_39 = arith.constant 40 : i32
      %mul3A_40 = arith.muli %scan3A_35, %mul3A_39 : i32
      %add3A_41 = arith.addi %add3A_22, %mul3A_40 : i32
      "tpu.region"() ({
        %run_scoped3A = tpu.sem_alloc : memref<!tpu.dma_semaphore, #tpu.memory_space<semaphore_mem>>
        %dma_start3A_53 = arith.constant 0 : i32
        %dma_start3A_54 = tpu.memref_slice %arg4[%add3A_41, %dma_start3A_53] : memref<5120x128xi32, #tpu.memory_space<hbm>> -> memref<40x128xi32, #tpu.memory_space<hbm>>
        %dma_start3A_55 = arith.constant 0 : i32
        %dma_start3A_56 = tpu.memref_slice %arg4[%add3A_41, %dma_start3A_55] : memref<5120x128xi32, #tpu.memory_space<hbm>> -> memref<40x128xi32, #tpu.memory_space<hbm>>
        tpu.enqueue_dma source(%dma_start3A_56 : memref<40x128xi32, #tpu.memory_space<hbm>>) target(%arg8 : memref<40x128xi32, #tpu.memory_space<vmem>>) target_semaphore(%run_scoped3A : memref<!tpu.dma_semaphore, #tpu.memory_space<semaphore_mem>>)
        %dma_wait3A = arith.constant 0 : i32
        %dma_wait3A_57 = tpu.memref_slice %arg4[%add3A_41, %dma_wait3A] : memref<5120x128xi32, #tpu.memory_space<hbm>> -> memref<40x128xi32, #tpu.memory_space<hbm>>
        %dma_wait3A_58 = arith.constant 0 : i32
        %dma_wait3A_59 = tpu.memref_slice %arg4[%add3A_41, %dma_wait3A_58] : memref<5120x128xi32, #tpu.memory_space<hbm>> -> memref<40x128xi32, #tpu.memory_space<hbm>>
        tpu.wait_dma2 semaphore(%run_scoped3A : memref<!tpu.dma_semaphore, #tpu.memory_space<semaphore_mem>>) src(%dma_wait3A_59 : memref<40x128xi32, #tpu.memory_space<hbm>>) dst(%arg8 : memref<40x128xi32, #tpu.memory_space<vmem>>)
        tpu.yield
      }) : () -> ()
      %dma_start3A = arith.constant 0 : i32
      %dma_start3A_42 = arith.constant 0 : i32
      %dma_start3A_43 = tpu.memref_slice %arg7[%dma_start3A, %dma_start3A_42] : memref<40x128xi32, #tpu.memory_space<vmem>> -> memref<1x128xi32, #tpu.memory_space<vmem>>
      %dma_start3A_44 = tpu.memref_squeeze %dma_start3A_43 : memref<1x128xi32, #tpu.memory_space<vmem>> -> memref<128xi32, #tpu.memory_space<vmem>>
      %dma_start3A_45 = arith.constant 0 : i32
      %dma_start3A_46 = arith.constant 0 : i32
      %dma_start3A_47 = tpu.memref_slice %arg2[%dma_start3A_45, %dma_start3A_46] : memref<20000x128xf32, #tpu.memory_space<hbm>> -> memref<20000x128xf32, #tpu.memory_space<hbm>>
      tpu.enqueue_indirect_dma source(%dma_start3A_47 : memref<20000x128xf32, #tpu.memory_space<hbm>>) target(%arg9 : memref<128x128xf32, #tpu.memory_space<vmem>>) offsets(%dma_start3A_44 : memref<128xi32, #tpu.memory_space<vmem>>) semaphore(%arg12 : memref<!tpu.dma_semaphore, #tpu.memory_space<semaphore_mem>>)
      %scan3A_48 = arith.constant 0 : i32
      %scan3A_49 = arith.constant 20 : i32
      %scan3A_50 = arith.addi %scan3A_48, %scan3A_49 : i32
      %scan3A_51 = arith.constant 1 : i32
      scf.for %scan3A_53 = %scan3A_48 to %scan3A_50 step %scan3A_51  : i32 {
        %mul3A_54 = arith.constant 2 : i32
        %mul3A_55 = arith.muli %mul3A_54, %scan3A_53 : i32
        %add3A_56 = arith.constant 1 : i32
        %add3A_57 = arith.addi %mul3A_55, %add3A_56 : i32
        %dma_start3A_58 = arith.constant 0 : i32
        %dma_start3A_59 = tpu.memref_slice %arg7[%add3A_57, %dma_start3A_58] : memref<40x128xi32, #tpu.memory_space<vmem>> -> memref<1x128xi32, #tpu.memory_space<vmem>>
        %dma_start3A_60 = tpu.memref_squeeze %dma_start3A_59 : memref<1x128xi32, #tpu.memory_space<vmem>> -> memref<128xi32, #tpu.memory_space<vmem>>
        %dma_start3A_61 = arith.constant 0 : i32
        %dma_start3A_62 = arith.constant 0 : i32
        %dma_start3A_63 = tpu.memref_slice %arg2[%dma_start3A_61, %dma_start3A_62] : memref<20000x128xf32, #tpu.memory_space<hbm>> -> memref<20000x128xf32, #tpu.memory_space<hbm>>
        tpu.enqueue_indirect_dma source(%dma_start3A_63 : memref<20000x128xf32, #tpu.memory_space<hbm>>) target(%arg10 : memref<128x128xf32, #tpu.memory_space<vmem>>) offsets(%dma_start3A_60 : memref<128xi32, #tpu.memory_space<vmem>>) semaphore(%arg13 : memref<!tpu.dma_semaphore, #tpu.memory_space<semaphore_mem>>)
        %dma_wait3A = arith.constant 0 : i32
        %dma_wait3A_64 = tpu.memref_slice %arg7[%mul3A_55, %dma_wait3A] : memref<40x128xi32, #tpu.memory_space<vmem>> -> memref<1x128xi32, #tpu.memory_space<vmem>>
        %dma_wait3A_65 = tpu.memref_squeeze %dma_wait3A_64 : memref<1x128xi32, #tpu.memory_space<vmem>> -> memref<128xi32, #tpu.memory_space<vmem>>
        %dma_wait3A_66 = arith.constant 0 : i32
        %dma_wait3A_67 = arith.constant 0 : i32
        %dma_wait3A_68 = tpu.memref_slice %arg2[%dma_wait3A_66, %dma_wait3A_67] : memref<20000x128xf32, #tpu.memory_space<hbm>> -> memref<20000x128xf32, #tpu.memory_space<hbm>>
        tpu.wait_indirect_dma semaphore(%arg12 : memref<!tpu.dma_semaphore, #tpu.memory_space<semaphore_mem>>) src(%dma_wait3A_68 : memref<20000x128xf32, #tpu.memory_space<hbm>>) dst(%arg9 : memref<128x128xf32, #tpu.memory_space<vmem>>)
        "tpu.region"() ({
          %run_scoped3A = tpu.sem_alloc : memref<!tpu.dma_semaphore, #tpu.memory_space<semaphore_mem>>
          %dma_start3A_81 = arith.constant 0 : i32
          %dma_start3A_82 = tpu.memref_slice %arg8[%mul3A_55, %dma_start3A_81] : memref<40x128xi32, #tpu.memory_space<vmem>> -> memref<1x128xi32, #tpu.memory_space<vmem>>
          %dma_start3A_83 = tpu.memref_squeeze %dma_start3A_82 : memref<1x128xi32, #tpu.memory_space<vmem>> -> memref<128xi32, #tpu.memory_space<vmem>>
          %dma_start3A_84 = arith.constant 0 : i32
          %dma_start3A_85 = arith.constant 0 : i32
          %dma_start3A_86 = tpu.memref_slice %arg11[%dma_start3A_84, %dma_start3A_85] : memref<10240x128xf32, #tpu.memory_space<vmem_shared>> -> memref<10240x128xf32, #tpu.memory_space<vmem_shared>>
          tpu.enqueue_indirect_dma source(%arg9 : memref<128x128xf32, #tpu.memory_space<vmem>>) target(%dma_start3A_86 : memref<10240x128xf32, #tpu.memory_space<vmem_shared>>) offsets(%dma_start3A_83 : memref<128xi32, #tpu.memory_space<vmem>>) semaphore(%run_scoped3A : memref<!tpu.dma_semaphore, #tpu.memory_space<semaphore_mem>>) {add = true}
          %dma_wait3A_87 = arith.constant 0 : i32
          %dma_wait3A_88 = tpu.memref_slice %arg8[%mul3A_55, %dma_wait3A_87] : memref<40x128xi32, #tpu.memory_space<vmem>> -> memref<1x128xi32, #tpu.memory_space<vmem>>
          %dma_wait3A_89 = tpu.memref_squeeze %dma_wait3A_88 : memref<1x128xi32, #tpu.memory_space<vmem>> -> memref<128xi32, #tpu.memory_space<vmem>>
          %dma_wait3A_90 = arith.constant 0 : i32
          %dma_wait3A_91 = arith.constant 0 : i32
          %dma_wait3A_92 = tpu.memref_slice %arg11[%dma_wait3A_90, %dma_wait3A_91] : memref<10240x128xf32, #tpu.memory_space<vmem_shared>> -> memref<10240x128xf32, #tpu.memory_space<vmem_shared>>
          tpu.wait_indirect_dma semaphore(%run_scoped3A : memref<!tpu.dma_semaphore, #tpu.memory_space<semaphore_mem>>) src(%arg9 : memref<128x128xf32, #tpu.memory_space<vmem>>) dst(%dma_wait3A_92 : memref<10240x128xf32, #tpu.memory_space<vmem_shared>>)
          tpu.yield
        }) : () -> ()
        %lt3A = arith.constant 19 : i32
        %lt3A_69 = arith.cmpi slt, %scan3A_53, %lt3A : i32
        %convert_element_type3A = arith.extui %lt3A_69 : i1 to i32
        %cond3A = arith.constant 0 : i32
        %cond3A_70 = arith.cmpi ne, %convert_element_type3A, %cond3A : i32
        scf.if %cond3A_70 {
          %add3A_81 = arith.constant 2 : i32
          %add3A_82 = arith.addi %mul3A_55, %add3A_81 : i32
          %dma_start3A_83 = arith.constant 0 : i32
          %dma_start3A_84 = tpu.memref_slice %arg7[%add3A_82, %dma_start3A_83] : memref<40x128xi32, #tpu.memory_space<vmem>> -> memref<1x128xi32, #tpu.memory_space<vmem>>
          %dma_start3A_85 = tpu.memref_squeeze %dma_start3A_84 : memref<1x128xi32, #tpu.memory_space<vmem>> -> memref<128xi32, #tpu.memory_space<vmem>>
          %dma_start3A_86 = arith.constant 0 : i32
          %dma_start3A_87 = arith.constant 0 : i32
          %dma_start3A_88 = tpu.memref_slice %arg2[%dma_start3A_86, %dma_start3A_87] : memref<20000x128xf32, #tpu.memory_space<hbm>> -> memref<20000x128xf32, #tpu.memory_space<hbm>>
          tpu.enqueue_indirect_dma source(%dma_start3A_88 : memref<20000x128xf32, #tpu.memory_space<hbm>>) target(%arg9 : memref<128x128xf32, #tpu.memory_space<vmem>>) offsets(%dma_start3A_85 : memref<128xi32, #tpu.memory_space<vmem>>) semaphore(%arg12 : memref<!tpu.dma_semaphore, #tpu.memory_space<semaphore_mem>>)
        } else {
        }
        %add3A_71 = arith.constant 1 : i32
        %add3A_72 = arith.addi %mul3A_55, %add3A_71 : i32
        %dma_wait3A_73 = arith.constant 0 : i32
        %dma_wait3A_74 = tpu.memref_slice %arg7[%add3A_72, %dma_wait3A_73] : memref<40x128xi32, #tpu.memory_space<vmem>> -> memref<1x128xi32, #tpu.memory_space<vmem>>
        %dma_wait3A_75 = tpu.memref_squeeze %dma_wait3A_74 : memref<1x128xi32, #tpu.memory_space<vmem>> -> memref<128xi32, #tpu.memory_space<vmem>>
        %dma_wait3A_76 = arith.constant 0 : i32
        %dma_wait3A_77 = arith.constant 0 : i32
        %dma_wait3A_78 = tpu.memref_slice %arg2[%dma_wait3A_76, %dma_wait3A_77] : memref<20000x128xf32, #tpu.memory_space<hbm>> -> memref<20000x128xf32, #tpu.memory_space<hbm>>
        tpu.wait_indirect_dma semaphore(%arg13 : memref<!tpu.dma_semaphore, #tpu.memory_space<semaphore_mem>>) src(%dma_wait3A_78 : memref<20000x128xf32, #tpu.memory_space<hbm>>) dst(%arg10 : memref<128x128xf32, #tpu.memory_space<vmem>>)
        %add3A_79 = arith.constant 1 : i32
        %add3A_80 = arith.addi %mul3A_55, %add3A_79 : i32
        "tpu.region"() ({
          %run_scoped3A = tpu.sem_alloc : memref<!tpu.dma_semaphore, #tpu.memory_space<semaphore_mem>>
          %dma_start3A_81 = arith.constant 0 : i32
          %dma_start3A_82 = tpu.memref_slice %arg8[%add3A_80, %dma_start3A_81] : memref<40x128xi32, #tpu.memory_space<vmem>> -> memref<1x128xi32, #tpu.memory_space<vmem>>
          %dma_start3A_83 = tpu.memref_squeeze %dma_start3A_82 : memref<1x128xi32, #tpu.memory_space<vmem>> -> memref<128xi32, #tpu.memory_space<vmem>>
          %dma_start3A_84 = arith.constant 0 : i32
          %dma_start3A_85 = arith.constant 0 : i32
          %dma_start3A_86 = tpu.memref_slice %arg11[%dma_start3A_84, %dma_start3A_85] : memref<10240x128xf32, #tpu.memory_space<vmem_shared>> -> memref<10240x128xf32, #tpu.memory_space<vmem_shared>>
          tpu.enqueue_indirect_dma source(%arg10 : memref<128x128xf32, #tpu.memory_space<vmem>>) target(%dma_start3A_86 : memref<10240x128xf32, #tpu.memory_space<vmem_shared>>) offsets(%dma_start3A_83 : memref<128xi32, #tpu.memory_space<vmem>>) semaphore(%run_scoped3A : memref<!tpu.dma_semaphore, #tpu.memory_space<semaphore_mem>>) {add = true}
          %dma_wait3A_87 = arith.constant 0 : i32
          %dma_wait3A_88 = tpu.memref_slice %arg8[%add3A_80, %dma_wait3A_87] : memref<40x128xi32, #tpu.memory_space<vmem>> -> memref<1x128xi32, #tpu.memory_space<vmem>>
          %dma_wait3A_89 = tpu.memref_squeeze %dma_wait3A_88 : memref<1x128xi32, #tpu.memory_space<vmem>> -> memref<128xi32, #tpu.memory_space<vmem>>
          %dma_wait3A_90 = arith.constant 0 : i32
          %dma_wait3A_91 = arith.constant 0 : i32
          %dma_wait3A_92 = tpu.memref_slice %arg11[%dma_wait3A_90, %dma_wait3A_91] : memref<10240x128xf32, #tpu.memory_space<vmem_shared>> -> memref<10240x128xf32, #tpu.memory_space<vmem_shared>>
          tpu.wait_indirect_dma semaphore(%run_scoped3A : memref<!tpu.dma_semaphore, #tpu.memory_space<semaphore_mem>>) src(%arg10 : memref<128x128xf32, #tpu.memory_space<vmem>>) dst(%dma_wait3A_92 : memref<10240x128xf32, #tpu.memory_space<vmem_shared>>)
          tpu.yield
        }) : () -> ()
      }
      %scan3A_52 = arith.constant 20 : i32
    }
    %scan3A_26 = arith.constant 4 : i32
    %barrier3A_27 = arith.constant 0 : index
    tpu.barrier barrier_id(%barrier3A_27)
    %mul3A_28 = arith.constant 640 : i32
    %mul3A_29 = arith.muli %arg1, %mul3A_28 : i32
    %mul3A_30 = arith.constant 10240 : i32
    %mul3A_31 = arith.muli %arg0, %mul3A_30 : i32
    %mul3A_32 = arith.constant 640 : i32
    %mul3A_33 = arith.muli %arg1, %mul3A_32 : i32
    %add3A_34 = arith.addi %mul3A_31, %mul3A_33 : i32
    "tpu.region"() ({
      %run_scoped3A = tpu.sem_alloc : memref<!tpu.dma_semaphore, #tpu.memory_space<semaphore_mem>>
      %dma_start3A = arith.constant 0 : i32
      %dma_start3A_35 = tpu.memref_slice %arg6[%add3A_34, %dma_start3A] : memref<20480x128xf32, #tpu.memory_space<hbm>> -> memref<640x128xf32, #tpu.memory_space<hbm>>
      %dma_start3A_36 = arith.constant 0 : i32
      %dma_start3A_37 = tpu.memref_slice %arg11[%mul3A_29, %dma_start3A_36] : memref<10240x128xf32, #tpu.memory_space<vmem_shared>> -> memref<640x128xf32, #tpu.memory_space<vmem_shared>>
      tpu.enqueue_dma source(%dma_start3A_37 : memref<640x128xf32, #tpu.memory_space<vmem_shared>>) target(%dma_start3A_35 : memref<640x128xf32, #tpu.memory_space<hbm>>) target_semaphore(%run_scoped3A : memref<!tpu.dma_semaphore, #tpu.memory_space<semaphore_mem>>)
      %dma_wait3A = arith.constant 0 : i32
      %dma_wait3A_38 = tpu.memref_slice %arg6[%add3A_34, %dma_wait3A] : memref<20480x128xf32, #tpu.memory_space<hbm>> -> memref<640x128xf32, #tpu.memory_space<hbm>>
      %dma_wait3A_39 = arith.constant 0 : i32
      %dma_wait3A_40 = tpu.memref_slice %arg11[%mul3A_29, %dma_wait3A_39] : memref<10240x128xf32, #tpu.memory_space<vmem_shared>> -> memref<640x128xf32, #tpu.memory_space<vmem_shared>>
      tpu.wait_dma2 semaphore(%run_scoped3A : memref<!tpu.dma_semaphore, #tpu.memory_space<semaphore_mem>>) src(%dma_wait3A_40 : memref<640x128xf32, #tpu.memory_space<vmem_shared>>) dst(%dma_wait3A_38 : memref<640x128xf32, #tpu.memory_space<hbm>>)
      tpu.yield
    }) : () -> ()
    return
  }
}

#map = affine_map<(d0, d1) -> (0, 0)>
module attributes {stable_mosaic.version = 14 : i64} {
  func.func @_sc_seg_kernel(%arg0: i32, %arg1: i32, %arg2: memref<20000x128xf32, #tpu.memory_space<hbm>>, %arg3: memref<5120x128xi32, #tpu.memory_space<hbm>>, %arg4: memref<5120x128xi32, #tpu.memory_space<hbm>>, %arg5: memref<128x128xf32, #tpu.memory_space<hbm>>, %arg6: memref<20480x128xf32, #tpu.memory_space<hbm>>, %arg7: memref<40x128xi32, #tpu.memory_space<vmem>>, %arg8: memref<40x128xi32, #tpu.memory_space<vmem>>, %arg9: memref<128x128xf32, #tpu.memory_space<vmem>>, %arg10: memref<128x128xf32, #tpu.memory_space<vmem>>, %arg11: memref<10240x128xf32, #tpu.memory_space<vmem_shared>>, %arg12: memref<!tpu.dma_semaphore, #tpu.memory_space<semaphore_mem>>, %arg13: memref<!tpu.dma_semaphore, #tpu.memory_space<semaphore_mem>>) attributes {dimension_semantics = [#tpu.dimension_semantics<core_parallel>, #tpu.dimension_semantics<subcore_parallel>], iteration_bounds = array<i64: 2, 16>, scalar_prefetch = 0 : i64, scratch_operands = 7 : i64, tpu.core_type = #tpu.core_type<sc_vector_subcore>, window_params = [{transform_indices = #map}, {transform_indices = #map}, {transform_indices = #map}, {transform_indices = #map}, {transform_indices = #map}]} {
    "tpu.region"() ({
      %run_scoped3A = tpu.sem_alloc : memref<!tpu.dma_semaphore, #tpu.memory_space<semaphore_mem>>
      tpu.enqueue_dma source(%arg5 : memref<128x128xf32, #tpu.memory_space<hbm>>) target(%arg9 : memref<128x128xf32, #tpu.memory_space<vmem>>) target_semaphore(%run_scoped3A : memref<!tpu.dma_semaphore, #tpu.memory_space<semaphore_mem>>)
      tpu.wait_dma2 semaphore(%run_scoped3A : memref<!tpu.dma_semaphore, #tpu.memory_space<semaphore_mem>>) src(%arg5 : memref<128x128xf32, #tpu.memory_space<hbm>>) dst(%arg9 : memref<128x128xf32, #tpu.memory_space<vmem>>)
      tpu.yield
    }) : () -> ()
    %mul3A = arith.constant 640 : i32
    %mul3A_0 = arith.muli %arg1, %mul3A : i32
    %add3A = arith.constant 0 : i32
    %add3A_1 = arith.addi %mul3A_0, %add3A : i32
    "tpu.region"() ({
      %run_scoped3A = tpu.sem_alloc : memref<!tpu.dma_semaphore, #tpu.memory_space<semaphore_mem>>
      %dma_start3A = arith.constant 0 : i32
      %dma_start3A_35 = tpu.memref_slice %arg11[%add3A_1, %dma_start3A] : memref<10240x128xf32, #tpu.memory_space<vmem_shared>> -> memref<128x128xf32, #tpu.memory_space<vmem_shared>>
      %dma_start3A_36 = arith.constant 0 : i32
      %dma_start3A_37 = tpu.memref_slice %arg11[%add3A_1, %dma_start3A_36] : memref<10240x128xf32, #tpu.memory_space<vmem_shared>> -> memref<128x128xf32, #tpu.memory_space<vmem_shared>>
      tpu.enqueue_dma source(%arg9 : memref<128x128xf32, #tpu.memory_space<vmem>>) target(%dma_start3A_37 : memref<128x128xf32, #tpu.memory_space<vmem_shared>>) target_semaphore(%run_scoped3A : memref<!tpu.dma_semaphore, #tpu.memory_space<semaphore_mem>>)
      %dma_wait3A = arith.constant 0 : i32
      %dma_wait3A_38 = tpu.memref_slice %arg11[%add3A_1, %dma_wait3A] : memref<10240x128xf32, #tpu.memory_space<vmem_shared>> -> memref<128x128xf32, #tpu.memory_space<vmem_shared>>
      %dma_wait3A_39 = arith.constant 0 : i32
      %dma_wait3A_40 = tpu.memref_slice %arg11[%add3A_1, %dma_wait3A_39] : memref<10240x128xf32, #tpu.memory_space<vmem_shared>> -> memref<128x128xf32, #tpu.memory_space<vmem_shared>>
      tpu.wait_dma2 semaphore(%run_scoped3A : memref<!tpu.dma_semaphore, #tpu.memory_space<semaphore_mem>>) src(%arg9 : memref<128x128xf32, #tpu.memory_space<vmem>>) dst(%dma_wait3A_40 : memref<128x128xf32, #tpu.memory_space<vmem_shared>>)
      tpu.yield
    }) : () -> ()
    %mul3A_2 = arith.constant 640 : i32
    %mul3A_3 = arith.muli %arg1, %mul3A_2 : i32
    %add3A_4 = arith.constant 128 : i32
    %add3A_5 = arith.addi %mul3A_3, %add3A_4 : i32
    "tpu.region"() ({
      %run_scoped3A = tpu.sem_alloc : memref<!tpu.dma_semaphore, #tpu.memory_space<semaphore_mem>>
      %dma_start3A = arith.constant 0 : i32
      %dma_start3A_35 = tpu.memref_slice %arg11[%add3A_5, %dma_start3A] : memref<10240x128xf32, #tpu.memory_space<vmem_shared>> -> memref<128x128xf32, #tpu.memory_space<vmem_shared>>
      %dma_start3A_36 = arith.constant 0 : i32
      %dma_start3A_37 = tpu.memref_slice %arg11[%add3A_5, %dma_start3A_36] : memref<10240x128xf32, #tpu.memory_space<vmem_shared>> -> memref<128x128xf32, #tpu.memory_space<vmem_shared>>
      tpu.enqueue_dma source(%arg9 : memref<128x128xf32, #tpu.memory_space<vmem>>) target(%dma_start3A_37 : memref<128x128xf32, #tpu.memory_space<vmem_shared>>) target_semaphore(%run_scoped3A : memref<!tpu.dma_semaphore, #tpu.memory_space<semaphore_mem>>)
      %dma_wait3A = arith.constant 0 : i32
      %dma_wait3A_38 = tpu.memref_slice %arg11[%add3A_5, %dma_wait3A] : memref<10240x128xf32, #tpu.memory_space<vmem_shared>> -> memref<128x128xf32, #tpu.memory_space<vmem_shared>>
      %dma_wait3A_39 = arith.constant 0 : i32
      %dma_wait3A_40 = tpu.memref_slice %arg11[%add3A_5, %dma_wait3A_39] : memref<10240x128xf32, #tpu.memory_space<vmem_shared>> -> memref<128x128xf32, #tpu.memory_space<vmem_shared>>
      tpu.wait_dma2 semaphore(%run_scoped3A : memref<!tpu.dma_semaphore, #tpu.memory_space<semaphore_mem>>) src(%arg9 : memref<128x128xf32, #tpu.memory_space<vmem>>) dst(%dma_wait3A_40 : memref<128x128xf32, #tpu.memory_space<vmem_shared>>)
      tpu.yield
    }) : () -> ()
    %mul3A_6 = arith.constant 640 : i32
    %mul3A_7 = arith.muli %arg1, %mul3A_6 : i32
    %add3A_8 = arith.constant 256 : i32
    %add3A_9 = arith.addi %mul3A_7, %add3A_8 : i32
    "tpu.region"() ({
      %run_scoped3A = tpu.sem_alloc : memref<!tpu.dma_semaphore, #tpu.memory_space<semaphore_mem>>
      %dma_start3A = arith.constant 0 : i32
      %dma_start3A_35 = tpu.memref_slice %arg11[%add3A_9, %dma_start3A] : memref<10240x128xf32, #tpu.memory_space<vmem_shared>> -> memref<128x128xf32, #tpu.memory_space<vmem_shared>>
      %dma_start3A_36 = arith.constant 0 : i32
      %dma_start3A_37 = tpu.memref_slice %arg11[%add3A_9, %dma_start3A_36] : memref<10240x128xf32, #tpu.memory_space<vmem_shared>> -> memref<128x128xf32, #tpu.memory_space<vmem_shared>>
      tpu.enqueue_dma source(%arg9 : memref<128x128xf32, #tpu.memory_space<vmem>>) target(%dma_start3A_37 : memref<128x128xf32, #tpu.memory_space<vmem_shared>>) target_semaphore(%run_scoped3A : memref<!tpu.dma_semaphore, #tpu.memory_space<semaphore_mem>>)
      %dma_wait3A = arith.constant 0 : i32
      %dma_wait3A_38 = tpu.memref_slice %arg11[%add3A_9, %dma_wait3A] : memref<10240x128xf32, #tpu.memory_space<vmem_shared>> -> memref<128x128xf32, #tpu.memory_space<vmem_shared>>
      %dma_wait3A_39 = arith.constant 0 : i32
      %dma_wait3A_40 = tpu.memref_slice %arg11[%add3A_9, %dma_wait3A_39] : memref<10240x128xf32, #tpu.memory_space<vmem_shared>> -> memref<128x128xf32, #tpu.memory_space<vmem_shared>>
      tpu.wait_dma2 semaphore(%run_scoped3A : memref<!tpu.dma_semaphore, #tpu.memory_space<semaphore_mem>>) src(%arg9 : memref<128x128xf32, #tpu.memory_space<vmem>>) dst(%dma_wait3A_40 : memref<128x128xf32, #tpu.memory_space<vmem_shared>>)
      tpu.yield
    }) : () -> ()
    %mul3A_10 = arith.constant 640 : i32
    %mul3A_11 = arith.muli %arg1, %mul3A_10 : i32
    %add3A_12 = arith.constant 384 : i32
    %add3A_13 = arith.addi %mul3A_11, %add3A_12 : i32
    "tpu.region"() ({
      %run_scoped3A = tpu.sem_alloc : memref<!tpu.dma_semaphore, #tpu.memory_space<semaphore_mem>>
      %dma_start3A = arith.constant 0 : i32
      %dma_start3A_35 = tpu.memref_slice %arg11[%add3A_13, %dma_start3A] : memref<10240x128xf32, #tpu.memory_space<vmem_shared>> -> memref<128x128xf32, #tpu.memory_space<vmem_shared>>
      %dma_start3A_36 = arith.constant 0 : i32
      %dma_start3A_37 = tpu.memref_slice %arg11[%add3A_13, %dma_start3A_36] : memref<10240x128xf32, #tpu.memory_space<vmem_shared>> -> memref<128x128xf32, #tpu.memory_space<vmem_shared>>
      tpu.enqueue_dma source(%arg9 : memref<128x128xf32, #tpu.memory_space<vmem>>) target(%dma_start3A_37 : memref<128x128xf32, #tpu.memory_space<vmem_shared>>) target_semaphore(%run_scoped3A : memref<!tpu.dma_semaphore, #tpu.memory_space<semaphore_mem>>)
      %dma_wait3A = arith.constant 0 : i32
      %dma_wait3A_38 = tpu.memref_slice %arg11[%add3A_13, %dma_wait3A] : memref<10240x128xf32, #tpu.memory_space<vmem_shared>> -> memref<128x128xf32, #tpu.memory_space<vmem_shared>>
      %dma_wait3A_39 = arith.constant 0 : i32
      %dma_wait3A_40 = tpu.memref_slice %arg11[%add3A_13, %dma_wait3A_39] : memref<10240x128xf32, #tpu.memory_space<vmem_shared>> -> memref<128x128xf32, #tpu.memory_space<vmem_shared>>
      tpu.wait_dma2 semaphore(%run_scoped3A : memref<!tpu.dma_semaphore, #tpu.memory_space<semaphore_mem>>) src(%arg9 : memref<128x128xf32, #tpu.memory_space<vmem>>) dst(%dma_wait3A_40 : memref<128x128xf32, #tpu.memory_space<vmem_shared>>)
      tpu.yield
    }) : () -> ()
    %mul3A_14 = arith.constant 640 : i32
    %mul3A_15 = arith.muli %arg1, %mul3A_14 : i32
    %add3A_16 = arith.constant 512 : i32
    %add3A_17 = arith.addi %mul3A_15, %add3A_16 : i32
    "tpu.region"() ({
      %run_scoped3A = tpu.sem_alloc : memref<!tpu.dma_semaphore, #tpu.memory_space<semaphore_mem>>
      %dma_start3A = arith.constant 0 : i32
      %dma_start3A_35 = tpu.memref_slice %arg11[%add3A_17, %dma_start3A] : memref<10240x128xf32, #tpu.memory_space<vmem_shared>> -> memref<128x128xf32, #tpu.memory_space<vmem_shared>>
      %dma_start3A_36 = arith.constant 0 : i32
      %dma_start3A_37 = tpu.memref_slice %arg11[%add3A_17, %dma_start3A_36] : memref<10240x128xf32, #tpu.memory_space<vmem_shared>> -> memref<128x128xf32, #tpu.memory_space<vmem_shared>>
      tpu.enqueue_dma source(%arg9 : memref<128x128xf32, #tpu.memory_space<vmem>>) target(%dma_start3A_37 : memref<128x128xf32, #tpu.memory_space<vmem_shared>>) target_semaphore(%run_scoped3A : memref<!tpu.dma_semaphore, #tpu.memory_space<semaphore_mem>>)
      %dma_wait3A = arith.constant 0 : i32
      %dma_wait3A_38 = tpu.memref_slice %arg11[%add3A_17, %dma_wait3A] : memref<10240x128xf32, #tpu.memory_space<vmem_shared>> -> memref<128x128xf32, #tpu.memory_space<vmem_shared>>
      %dma_wait3A_39 = arith.constant 0 : i32
      %dma_wait3A_40 = tpu.memref_slice %arg11[%add3A_17, %dma_wait3A_39] : memref<10240x128xf32, #tpu.memory_space<vmem_shared>> -> memref<128x128xf32, #tpu.memory_space<vmem_shared>>
      tpu.wait_dma2 semaphore(%run_scoped3A : memref<!tpu.dma_semaphore, #tpu.memory_space<semaphore_mem>>) src(%arg9 : memref<128x128xf32, #tpu.memory_space<vmem>>) dst(%dma_wait3A_40 : memref<128x128xf32, #tpu.memory_space<vmem_shared>>)
      tpu.yield
    }) : () -> ()
    %barrier3A = arith.constant 0 : index
    tpu.barrier barrier_id(%barrier3A)
    %mul3A_18 = arith.constant 2560 : i32
    %mul3A_19 = arith.muli %arg0, %mul3A_18 : i32
    %mul3A_20 = arith.constant 160 : i32
    %mul3A_21 = arith.muli %arg1, %mul3A_20 : i32
    %add3A_22 = arith.addi %mul3A_19, %mul3A_21 : i32
    %scan3A = arith.constant 0 : i32
    %scan3A_23 = arith.constant 4 : i32
    %scan3A_24 = arith.addi %scan3A, %scan3A_23 : i32
    %scan3A_25 = arith.constant 1 : i32
    scf.for %scan3A_35 = %scan3A to %scan3A_24 step %scan3A_25  : i32 {
      %mul3A_36 = arith.constant 40 : i32
      %mul3A_37 = arith.muli %scan3A_35, %mul3A_36 : i32
      %add3A_38 = arith.addi %add3A_22, %mul3A_37 : i32
      "tpu.region"() ({
        %run_scoped3A = tpu.sem_alloc : memref<!tpu.dma_semaphore, #tpu.memory_space<semaphore_mem>>
        %dma_start3A_53 = arith.constant 0 : i32
        %dma_start3A_54 = tpu.memref_slice %arg3[%add3A_38, %dma_start3A_53] : memref<5120x128xi32, #tpu.memory_space<hbm>> -> memref<40x128xi32, #tpu.memory_space<hbm>>
        %dma_start3A_55 = arith.constant 0 : i32
        %dma_start3A_56 = tpu.memref_slice %arg3[%add3A_38, %dma_start3A_55] : memref<5120x128xi32, #tpu.memory_space<hbm>> -> memref<40x128xi32, #tpu.memory_space<hbm>>
        tpu.enqueue_dma source(%dma_start3A_56 : memref<40x128xi32, #tpu.memory_space<hbm>>) target(%arg7 : memref<40x128xi32, #tpu.memory_space<vmem>>) target_semaphore(%run_scoped3A : memref<!tpu.dma_semaphore, #tpu.memory_space<semaphore_mem>>)
        %dma_wait3A = arith.constant 0 : i32
        %dma_wait3A_57 = tpu.memref_slice %arg3[%add3A_38, %dma_wait3A] : memref<5120x128xi32, #tpu.memory_space<hbm>> -> memref<40x128xi32, #tpu.memory_space<hbm>>
        %dma_wait3A_58 = arith.constant 0 : i32
        %dma_wait3A_59 = tpu.memref_slice %arg3[%add3A_38, %dma_wait3A_58] : memref<5120x128xi32, #tpu.memory_space<hbm>> -> memref<40x128xi32, #tpu.memory_space<hbm>>
        tpu.wait_dma2 semaphore(%run_scoped3A : memref<!tpu.dma_semaphore, #tpu.memory_space<semaphore_mem>>) src(%dma_wait3A_59 : memref<40x128xi32, #tpu.memory_space<hbm>>) dst(%arg7 : memref<40x128xi32, #tpu.memory_space<vmem>>)
        tpu.yield
      }) : () -> ()
      %mul3A_39 = arith.constant 40 : i32
      %mul3A_40 = arith.muli %scan3A_35, %mul3A_39 : i32
      %add3A_41 = arith.addi %add3A_22, %mul3A_40 : i32
      "tpu.region"() ({
        %run_scoped3A = tpu.sem_alloc : memref<!tpu.dma_semaphore, #tpu.memory_space<semaphore_mem>>
        %dma_start3A_53 = arith.constant 0 : i32
        %dma_start3A_54 = tpu.memref_slice %arg4[%add3A_41, %dma_start3A_53] : memref<5120x128xi32, #tpu.memory_space<hbm>> -> memref<40x128xi32, #tpu.memory_space<hbm>>
        %dma_start3A_55 = arith.constant 0 : i32
        %dma_start3A_56 = tpu.memref_slice %arg4[%add3A_41, %dma_start3A_55] : memref<5120x128xi32, #tpu.memory_space<hbm>> -> memref<40x128xi32, #tpu.memory_space<hbm>>
        tpu.enqueue_dma source(%dma_start3A_56 : memref<40x128xi32, #tpu.memory_space<hbm>>) target(%arg8 : memref<40x128xi32, #tpu.memory_space<vmem>>) target_semaphore(%run_scoped3A : memref<!tpu.dma_semaphore, #tpu.memory_space<semaphore_mem>>)
        %dma_wait3A = arith.constant 0 : i32
        %dma_wait3A_57 = tpu.memref_slice %arg4[%add3A_41, %dma_wait3A] : memref<5120x128xi32, #tpu.memory_space<hbm>> -> memref<40x128xi32, #tpu.memory_space<hbm>>
        %dma_wait3A_58 = arith.constant 0 : i32
        %dma_wait3A_59 = tpu.memref_slice %arg4[%add3A_41, %dma_wait3A_58] : memref<5120x128xi32, #tpu.memory_space<hbm>> -> memref<40x128xi32, #tpu.memory_space<hbm>>
        tpu.wait_dma2 semaphore(%run_scoped3A : memref<!tpu.dma_semaphore, #tpu.memory_space<semaphore_mem>>) src(%dma_wait3A_59 : memref<40x128xi32, #tpu.memory_space<hbm>>) dst(%arg8 : memref<40x128xi32, #tpu.memory_space<vmem>>)
        tpu.yield
      }) : () -> ()
      %dma_start3A = arith.constant 0 : i32
      %dma_start3A_42 = arith.constant 0 : i32
      %dma_start3A_43 = tpu.memref_slice %arg7[%dma_start3A, %dma_start3A_42] : memref<40x128xi32, #tpu.memory_space<vmem>> -> memref<1x128xi32, #tpu.memory_space<vmem>>
      %dma_start3A_44 = tpu.memref_squeeze %dma_start3A_43 : memref<1x128xi32, #tpu.memory_space<vmem>> -> memref<128xi32, #tpu.memory_space<vmem>>
      %dma_start3A_45 = arith.constant 0 : i32
      %dma_start3A_46 = arith.constant 0 : i32
      %dma_start3A_47 = tpu.memref_slice %arg2[%dma_start3A_45, %dma_start3A_46] : memref<20000x128xf32, #tpu.memory_space<hbm>> -> memref<20000x128xf32, #tpu.memory_space<hbm>>
      tpu.enqueue_indirect_dma source(%dma_start3A_47 : memref<20000x128xf32, #tpu.memory_space<hbm>>) target(%arg9 : memref<128x128xf32, #tpu.memory_space<vmem>>) offsets(%dma_start3A_44 : memref<128xi32, #tpu.memory_space<vmem>>) semaphore(%arg12 : memref<!tpu.dma_semaphore, #tpu.memory_space<semaphore_mem>>)
      %scan3A_48 = arith.constant 0 : i32
      %scan3A_49 = arith.constant 20 : i32
      %scan3A_50 = arith.addi %scan3A_48, %scan3A_49 : i32
      %scan3A_51 = arith.constant 1 : i32
      scf.for %scan3A_53 = %scan3A_48 to %scan3A_50 step %scan3A_51  : i32 {
        %mul3A_54 = arith.constant 2 : i32
        %mul3A_55 = arith.muli %mul3A_54, %scan3A_53 : i32
        %add3A_56 = arith.constant 1 : i32
        %add3A_57 = arith.addi %mul3A_55, %add3A_56 : i32
        %dma_start3A_58 = arith.constant 0 : i32
        %dma_start3A_59 = tpu.memref_slice %arg7[%add3A_57, %dma_start3A_58] : memref<40x128xi32, #tpu.memory_space<vmem>> -> memref<1x128xi32, #tpu.memory_space<vmem>>
        %dma_start3A_60 = tpu.memref_squeeze %dma_start3A_59 : memref<1x128xi32, #tpu.memory_space<vmem>> -> memref<128xi32, #tpu.memory_space<vmem>>
        %dma_start3A_61 = arith.constant 0 : i32
        %dma_start3A_62 = arith.constant 0 : i32
        %dma_start3A_63 = tpu.memref_slice %arg2[%dma_start3A_61, %dma_start3A_62] : memref<20000x128xf32, #tpu.memory_space<hbm>> -> memref<20000x128xf32, #tpu.memory_space<hbm>>
        tpu.enqueue_indirect_dma source(%dma_start3A_63 : memref<20000x128xf32, #tpu.memory_space<hbm>>) target(%arg10 : memref<128x128xf32, #tpu.memory_space<vmem>>) offsets(%dma_start3A_60 : memref<128xi32, #tpu.memory_space<vmem>>) semaphore(%arg13 : memref<!tpu.dma_semaphore, #tpu.memory_space<semaphore_mem>>)
        %dma_wait3A = arith.constant 0 : i32
        %dma_wait3A_64 = tpu.memref_slice %arg7[%mul3A_55, %dma_wait3A] : memref<40x128xi32, #tpu.memory_space<vmem>> -> memref<1x128xi32, #tpu.memory_space<vmem>>
        %dma_wait3A_65 = tpu.memref_squeeze %dma_wait3A_64 : memref<1x128xi32, #tpu.memory_space<vmem>> -> memref<128xi32, #tpu.memory_space<vmem>>
        %dma_wait3A_66 = arith.constant 0 : i32
        %dma_wait3A_67 = arith.constant 0 : i32
        %dma_wait3A_68 = tpu.memref_slice %arg2[%dma_wait3A_66, %dma_wait3A_67] : memref<20000x128xf32, #tpu.memory_space<hbm>> -> memref<20000x128xf32, #tpu.memory_space<hbm>>
        tpu.wait_indirect_dma semaphore(%arg12 : memref<!tpu.dma_semaphore, #tpu.memory_space<semaphore_mem>>) src(%dma_wait3A_68 : memref<20000x128xf32, #tpu.memory_space<hbm>>) dst(%arg9 : memref<128x128xf32, #tpu.memory_space<vmem>>)
        "tpu.region"() ({
          %run_scoped3A = tpu.sem_alloc : memref<!tpu.dma_semaphore, #tpu.memory_space<semaphore_mem>>
          %dma_start3A_81 = arith.constant 0 : i32
          %dma_start3A_82 = tpu.memref_slice %arg8[%mul3A_55, %dma_start3A_81] : memref<40x128xi32, #tpu.memory_space<vmem>> -> memref<1x128xi32, #tpu.memory_space<vmem>>
          %dma_start3A_83 = tpu.memref_squeeze %dma_start3A_82 : memref<1x128xi32, #tpu.memory_space<vmem>> -> memref<128xi32, #tpu.memory_space<vmem>>
          %dma_start3A_84 = arith.constant 0 : i32
          %dma_start3A_85 = arith.constant 0 : i32
          %dma_start3A_86 = tpu.memref_slice %arg11[%dma_start3A_84, %dma_start3A_85] : memref<10240x128xf32, #tpu.memory_space<vmem_shared>> -> memref<10240x128xf32, #tpu.memory_space<vmem_shared>>
          tpu.enqueue_indirect_dma source(%arg9 : memref<128x128xf32, #tpu.memory_space<vmem>>) target(%dma_start3A_86 : memref<10240x128xf32, #tpu.memory_space<vmem_shared>>) offsets(%dma_start3A_83 : memref<128xi32, #tpu.memory_space<vmem>>) semaphore(%run_scoped3A : memref<!tpu.dma_semaphore, #tpu.memory_space<semaphore_mem>>) {add = true}
          %dma_wait3A_87 = arith.constant 0 : i32
          %dma_wait3A_88 = tpu.memref_slice %arg8[%mul3A_55, %dma_wait3A_87] : memref<40x128xi32, #tpu.memory_space<vmem>> -> memref<1x128xi32, #tpu.memory_space<vmem>>
          %dma_wait3A_89 = tpu.memref_squeeze %dma_wait3A_88 : memref<1x128xi32, #tpu.memory_space<vmem>> -> memref<128xi32, #tpu.memory_space<vmem>>
          %dma_wait3A_90 = arith.constant 0 : i32
          %dma_wait3A_91 = arith.constant 0 : i32
          %dma_wait3A_92 = tpu.memref_slice %arg11[%dma_wait3A_90, %dma_wait3A_91] : memref<10240x128xf32, #tpu.memory_space<vmem_shared>> -> memref<10240x128xf32, #tpu.memory_space<vmem_shared>>
          tpu.wait_indirect_dma semaphore(%run_scoped3A : memref<!tpu.dma_semaphore, #tpu.memory_space<semaphore_mem>>) src(%arg9 : memref<128x128xf32, #tpu.memory_space<vmem>>) dst(%dma_wait3A_92 : memref<10240x128xf32, #tpu.memory_space<vmem_shared>>)
          tpu.yield
        }) : () -> ()
        %lt3A = arith.constant 19 : i32
        %lt3A_69 = arith.cmpi slt, %scan3A_53, %lt3A : i32
        %convert_element_type3A = arith.extui %lt3A_69 : i1 to i32
        %cond3A = arith.constant 0 : i32
        %cond3A_70 = arith.cmpi ne, %convert_element_type3A, %cond3A : i32
        scf.if %cond3A_70 {
          %add3A_81 = arith.constant 2 : i32
          %add3A_82 = arith.addi %mul3A_55, %add3A_81 : i32
          %dma_start3A_83 = arith.constant 0 : i32
          %dma_start3A_84 = tpu.memref_slice %arg7[%add3A_82, %dma_start3A_83] : memref<40x128xi32, #tpu.memory_space<vmem>> -> memref<1x128xi32, #tpu.memory_space<vmem>>
          %dma_start3A_85 = tpu.memref_squeeze %dma_start3A_84 : memref<1x128xi32, #tpu.memory_space<vmem>> -> memref<128xi32, #tpu.memory_space<vmem>>
          %dma_start3A_86 = arith.constant 0 : i32
          %dma_start3A_87 = arith.constant 0 : i32
          %dma_start3A_88 = tpu.memref_slice %arg2[%dma_start3A_86, %dma_start3A_87] : memref<20000x128xf32, #tpu.memory_space<hbm>> -> memref<20000x128xf32, #tpu.memory_space<hbm>>
          tpu.enqueue_indirect_dma source(%dma_start3A_88 : memref<20000x128xf32, #tpu.memory_space<hbm>>) target(%arg9 : memref<128x128xf32, #tpu.memory_space<vmem>>) offsets(%dma_start3A_85 : memref<128xi32, #tpu.memory_space<vmem>>) semaphore(%arg12 : memref<!tpu.dma_semaphore, #tpu.memory_space<semaphore_mem>>)
        } else {
        }
        %add3A_71 = arith.constant 1 : i32
        %add3A_72 = arith.addi %mul3A_55, %add3A_71 : i32
        %dma_wait3A_73 = arith.constant 0 : i32
        %dma_wait3A_74 = tpu.memref_slice %arg7[%add3A_72, %dma_wait3A_73] : memref<40x128xi32, #tpu.memory_space<vmem>> -> memref<1x128xi32, #tpu.memory_space<vmem>>
        %dma_wait3A_75 = tpu.memref_squeeze %dma_wait3A_74 : memref<1x128xi32, #tpu.memory_space<vmem>> -> memref<128xi32, #tpu.memory_space<vmem>>
        %dma_wait3A_76 = arith.constant 0 : i32
        %dma_wait3A_77 = arith.constant 0 : i32
        %dma_wait3A_78 = tpu.memref_slice %arg2[%dma_wait3A_76, %dma_wait3A_77] : memref<20000x128xf32, #tpu.memory_space<hbm>> -> memref<20000x128xf32, #tpu.memory_space<hbm>>
        tpu.wait_indirect_dma semaphore(%arg13 : memref<!tpu.dma_semaphore, #tpu.memory_space<semaphore_mem>>) src(%dma_wait3A_78 : memref<20000x128xf32, #tpu.memory_space<hbm>>) dst(%arg10 : memref<128x128xf32, #tpu.memory_space<vmem>>)
        %add3A_79 = arith.constant 1 : i32
        %add3A_80 = arith.addi %mul3A_55, %add3A_79 : i32
        "tpu.region"() ({
          %run_scoped3A = tpu.sem_alloc : memref<!tpu.dma_semaphore, #tpu.memory_space<semaphore_mem>>
          %dma_start3A_81 = arith.constant 0 : i32
          %dma_start3A_82 = tpu.memref_slice %arg8[%add3A_80, %dma_start3A_81] : memref<40x128xi32, #tpu.memory_space<vmem>> -> memref<1x128xi32, #tpu.memory_space<vmem>>
          %dma_start3A_83 = tpu.memref_squeeze %dma_start3A_82 : memref<1x128xi32, #tpu.memory_space<vmem>> -> memref<128xi32, #tpu.memory_space<vmem>>
          %dma_start3A_84 = arith.constant 0 : i32
          %dma_start3A_85 = arith.constant 0 : i32
          %dma_start3A_86 = tpu.memref_slice %arg11[%dma_start3A_84, %dma_start3A_85] : memref<10240x128xf32, #tpu.memory_space<vmem_shared>> -> memref<10240x128xf32, #tpu.memory_space<vmem_shared>>
          tpu.enqueue_indirect_dma source(%arg10 : memref<128x128xf32, #tpu.memory_space<vmem>>) target(%dma_start3A_86 : memref<10240x128xf32, #tpu.memory_space<vmem_shared>>) offsets(%dma_start3A_83 : memref<128xi32, #tpu.memory_space<vmem>>) semaphore(%run_scoped3A : memref<!tpu.dma_semaphore, #tpu.memory_space<semaphore_mem>>) {add = true}
          %dma_wait3A_87 = arith.constant 0 : i32
          %dma_wait3A_88 = tpu.memref_slice %arg8[%add3A_80, %dma_wait3A_87] : memref<40x128xi32, #tpu.memory_space<vmem>> -> memref<1x128xi32, #tpu.memory_space<vmem>>
          %dma_wait3A_89 = tpu.memref_squeeze %dma_wait3A_88 : memref<1x128xi32, #tpu.memory_space<vmem>> -> memref<128xi32, #tpu.memory_space<vmem>>
          %dma_wait3A_90 = arith.constant 0 : i32
          %dma_wait3A_91 = arith.constant 0 : i32
          %dma_wait3A_92 = tpu.memref_slice %arg11[%dma_wait3A_90, %dma_wait3A_91] : memref<10240x128xf32, #tpu.memory_space<vmem_shared>> -> memref<10240x128xf32, #tpu.memory_space<vmem_shared>>
          tpu.wait_indirect_dma semaphore(%run_scoped3A : memref<!tpu.dma_semaphore, #tpu.memory_space<semaphore_mem>>) src(%arg10 : memref<128x128xf32, #tpu.memory_space<vmem>>) dst(%dma_wait3A_92 : memref<10240x128xf32, #tpu.memory_space<vmem_shared>>)
          tpu.yield
        }) : () -> ()
      }
      %scan3A_52 = arith.constant 20 : i32
    }
    %scan3A_26 = arith.constant 4 : i32
    %barrier3A_27 = arith.constant 0 : index
    tpu.barrier barrier_id(%barrier3A_27)
    %mul3A_28 = arith.constant 640 : i32
    %mul3A_29 = arith.muli %arg1, %mul3A_28 : i32
    %mul3A_30 = arith.constant 10240 : i32
    %mul3A_31 = arith.muli %arg0, %mul3A_30 : i32
    %mul3A_32 = arith.constant 640 : i32
    %mul3A_33 = arith.muli %arg1, %mul3A_32 : i32
    %add3A_34 = arith.addi %mul3A_31, %mul3A_33 : i32
    "tpu.region"() ({
      %run_scoped3A = tpu.sem_alloc : memref<!tpu.dma_semaphore, #tpu.memory_space<semaphore_mem>>
      %dma_start3A = arith.constant 0 : i32
      %dma_start3A_35 = tpu.memref_slice %arg6[%add3A_34, %dma_start3A] : memref<20480x128xf32, #tpu.memory_space<hbm>> -> memref<640x128xf32, #tpu.memory_space<hbm>>
      %dma_start3A_36 = arith.constant 0 : i32
      %dma_start3A_37 = tpu.memref_slice %arg11[%mul3A_29, %dma_start3A_36] : memref<10240x128xf32, #tpu.memory_space<vmem_shared>> -> memref<640x128xf32, #tpu.memory_space<vmem_shared>>
      tpu.enqueue_dma source(%dma_start3A_37 : memref<640x128xf32, #tpu.memory_space<vmem_shared>>) target(%dma_start3A_35 : memref<640x128xf32, #tpu.memory_space<hbm>>) target_semaphore(%run_scoped3A : memref<!tpu.dma_semaphore, #tpu.memory_space<semaphore_mem>>)
      %dma_wait3A = arith.constant 0 : i32
      %dma_wait3A_38 = tpu.memref_slice %arg6[%add3A_34, %dma_wait3A] : memref<20480x128xf32, #tpu.memory_space<hbm>> -> memref<640x128xf32, #tpu.memory_space<hbm>>
      %dma_wait3A_39 = arith.constant 0 : i32
      %dma_wait3A_40 = tpu.memref_slice %arg11[%mul3A_29, %dma_wait3A_39] : memref<10240x128xf32, #tpu.memory_space<vmem_shared>> -> memref<640x128xf32, #tpu.memory_space<vmem_shared>>
      tpu.wait_dma2 semaphore(%run_scoped3A : memref<!tpu.dma_semaphore, #tpu.memory_space<semaphore_mem>>) src(%dma_wait3A_40 : memref<640x128xf32, #tpu.memory_space<vmem_shared>>) dst(%dma_wait3A_38 : memref<640x128xf32, #tpu.memory_space<hbm>>)
      tpu.yield
    }) : () -> ()
    return
  }
}

#map = affine_map<(d0, d1) -> (0, 0)>
#map1 = affine_map<(d0, d1) -> (0)>
module attributes {stable_mosaic.version = 14 : i64} {
  func.func @_sc_deg_kernel(%arg0: i32, %arg1: i32, %arg2: memref<5120x128xi32, #tpu.memory_space<hbm>>, %arg3: memref<10240xf32, #tpu.memory_space<hbm>>, %arg4: memref<20480xf32, #tpu.memory_space<hbm>>, %arg5: memref<160x128xi32, #tpu.memory_space<vmem>>, %arg6: memref<128xf32, #tpu.memory_space<vmem>>, %arg7: memref<10240xf32, #tpu.memory_space<vmem_shared>>, %arg8: memref<!tpu.dma_semaphore, #tpu.memory_space<semaphore_mem>>) attributes {dimension_semantics = [#tpu.dimension_semantics<core_parallel>, #tpu.dimension_semantics<subcore_parallel>], iteration_bounds = array<i64: 2, 16>, scalar_prefetch = 0 : i64, scratch_operands = 4 : i64, tpu.core_type = #tpu.core_type<sc_vector_subcore>, window_params = [{transform_indices = #map}, {transform_indices = #map1}, {transform_indices = #map1}]} {
    %broadcast_in_dim3A = arith.constant 1.000000e+00 : f32
    %broadcast_in_dim3A_0 = vector.broadcast %broadcast_in_dim3A : f32 to vector<16xf32>
    %swap3A = arith.constant 0 : index
    %swap3A_1 = tpu.vector_load %arg6[%swap3A] {strides = array<i32>} : memref<128xf32, #tpu.memory_space<vmem>>, vector<16xf32>,
    %swap3A_2 = vector.shape_cast %swap3A_1 : vector<16xf32> to vector<16xf32>
    %swap3A_3 = vector.shape_cast %broadcast_in_dim3A_0 : vector<16xf32> to vector<16xf32>
    tpu.vector_store %arg6[%swap3A], %swap3A_3 {strides = array<i32>} : memref<128xf32, #tpu.memory_space<vmem>>, vector<16xf32>,
    %broadcast_in_dim3A_4 = arith.constant 1.000000e+00 : f32
    %broadcast_in_dim3A_5 = vector.broadcast %broadcast_in_dim3A_4 : f32 to vector<16xf32>
    %swap3A_6 = arith.constant 16 : index
    %swap3A_7 = tpu.vector_load %arg6[%swap3A_6] {strides = array<i32>} : memref<128xf32, #tpu.memory_space<vmem>>, vector<16xf32>,
    %swap3A_8 = vector.shape_cast %swap3A_7 : vector<16xf32> to vector<16xf32>
    %swap3A_9 = vector.shape_cast %broadcast_in_dim3A_5 : vector<16xf32> to vector<16xf32>
    tpu.vector_store %arg6[%swap3A_6], %swap3A_9 {strides = array<i32>} : memref<128xf32, #tpu.memory_space<vmem>>, vector<16xf32>,
    %broadcast_in_dim3A_10 = arith.constant 1.000000e+00 : f32
    %broadcast_in_dim3A_11 = vector.broadcast %broadcast_in_dim3A_10 : f32 to vector<16xf32>
    %swap3A_12 = arith.constant 32 : index
    %swap3A_13 = tpu.vector_load %arg6[%swap3A_12] {strides = array<i32>} : memref<128xf32, #tpu.memory_space<vmem>>, vector<16xf32>,
    %swap3A_14 = vector.shape_cast %swap3A_13 : vector<16xf32> to vector<16xf32>
    %swap3A_15 = vector.shape_cast %broadcast_in_dim3A_11 : vector<16xf32> to vector<16xf32>
    tpu.vector_store %arg6[%swap3A_12], %swap3A_15 {strides = array<i32>} : memref<128xf32, #tpu.memory_space<vmem>>, vector<16xf32>,
    %broadcast_in_dim3A_16 = arith.constant 1.000000e+00 : f32
    %broadcast_in_dim3A_17 = vector.broadcast %broadcast_in_dim3A_16 : f32 to vector<16xf32>
    %swap3A_18 = arith.constant 48 : index
    %swap3A_19 = tpu.vector_load %arg6[%swap3A_18] {strides = array<i32>} : memref<128xf32, #tpu.memory_space<vmem>>, vector<16xf32>,
    %swap3A_20 = vector.shape_cast %swap3A_19 : vector<16xf32> to vector<16xf32>
    %swap3A_21 = vector.shape_cast %broadcast_in_dim3A_17 : vector<16xf32> to vector<16xf32>
    tpu.vector_store %arg6[%swap3A_18], %swap3A_21 {strides = array<i32>} : memref<128xf32, #tpu.memory_space<vmem>>, vector<16xf32>,
    %broadcast_in_dim3A_22 = arith.constant 1.000000e+00 : f32
    %broadcast_in_dim3A_23 = vector.broadcast %broadcast_in_dim3A_22 : f32 to vector<16xf32>
    %swap3A_24 = arith.constant 64 : index
    %swap3A_25 = tpu.vector_load %arg6[%swap3A_24] {strides = array<i32>} : memref<128xf32, #tpu.memory_space<vmem>>, vector<16xf32>,
    %swap3A_26 = vector.shape_cast %swap3A_25 : vector<16xf32> to vector<16xf32>
    %swap3A_27 = vector.shape_cast %broadcast_in_dim3A_23 : vector<16xf32> to vector<16xf32>
    tpu.vector_store %arg6[%swap3A_24], %swap3A_27 {strides = array<i32>} : memref<128xf32, #tpu.memory_space<vmem>>, vector<16xf32>,
    %broadcast_in_dim3A_28 = arith.constant 1.000000e+00 : f32
    %broadcast_in_dim3A_29 = vector.broadcast %broadcast_in_dim3A_28 : f32 to vector<16xf32>
    %swap3A_30 = arith.constant 80 : index
    %swap3A_31 = tpu.vector_load %arg6[%swap3A_30] {strides = array<i32>} : memref<128xf32, #tpu.memory_space<vmem>>, vector<16xf32>,
    %swap3A_32 = vector.shape_cast %swap3A_31 : vector<16xf32> to vector<16xf32>
    %swap3A_33 = vector.shape_cast %broadcast_in_dim3A_29 : vector<16xf32> to vector<16xf32>
    tpu.vector_store %arg6[%swap3A_30], %swap3A_33 {strides = array<i32>} : memref<128xf32, #tpu.memory_space<vmem>>, vector<16xf32>,
    %broadcast_in_dim3A_34 = arith.constant 1.000000e+00 : f32
    %broadcast_in_dim3A_35 = vector.broadcast %broadcast_in_dim3A_34 : f32 to vector<16xf32>
    %swap3A_36 = arith.constant 96 : index
    %swap3A_37 = tpu.vector_load %arg6[%swap3A_36] {strides = array<i32>} : memref<128xf32, #tpu.memory_space<vmem>>, vector<16xf32>,
    %swap3A_38 = vector.shape_cast %swap3A_37 : vector<16xf32> to vector<16xf32>
    %swap3A_39 = vector.shape_cast %broadcast_in_dim3A_35 : vector<16xf32> to vector<16xf32>
    tpu.vector_store %arg6[%swap3A_36], %swap3A_39 {strides = array<i32>} : memref<128xf32, #tpu.memory_space<vmem>>, vector<16xf32>,
    %broadcast_in_dim3A_40 = arith.constant 1.000000e+00 : f32
    %broadcast_in_dim3A_41 = vector.broadcast %broadcast_in_dim3A_40 : f32 to vector<16xf32>
    %swap3A_42 = arith.constant 112 : index
    %swap3A_43 = tpu.vector_load %arg6[%swap3A_42] {strides = array<i32>} : memref<128xf32, #tpu.memory_space<vmem>>, vector<16xf32>,
    %swap3A_44 = vector.shape_cast %swap3A_43 : vector<16xf32> to vector<16xf32>
    %swap3A_45 = vector.shape_cast %broadcast_in_dim3A_41 : vector<16xf32> to vector<16xf32>
    tpu.vector_store %arg6[%swap3A_42], %swap3A_45 {strides = array<i32>} : memref<128xf32, #tpu.memory_space<vmem>>, vector<16xf32>,
    %eq3A = arith.constant 0 : i32
    %eq3A_46 = arith.cmpi eq, %arg1, %eq3A : i32
    %convert_element_type3A = arith.extui %eq3A_46 : i1 to i32
    %cond3A = arith.constant 0 : i32
    %cond3A_47 = arith.cmpi ne, %convert_element_type3A, %cond3A : i32
    scf.if %cond3A_47 {
      "tpu.region"() ({
        %run_scoped3A = tpu.sem_alloc : memref<!tpu.dma_semaphore, #tpu.memory_space<semaphore_mem>>
        tpu.enqueue_dma source(%arg3 : memref<10240xf32, #tpu.memory_space<hbm>>) target(%arg7 : memref<10240xf32, #tpu.memory_space<vmem_shared>>) target_semaphore(%run_scoped3A : memref<!tpu.dma_semaphore, #tpu.memory_space<semaphore_mem>>)
        tpu.wait_dma2 semaphore(%run_scoped3A : memref<!tpu.dma_semaphore, #tpu.memory_space<semaphore_mem>>) src(%arg3 : memref<10240xf32, #tpu.memory_space<hbm>>) dst(%arg7 : memref<10240xf32, #tpu.memory_space<vmem_shared>>)
        tpu.yield
      }) : () -> ()
    } else {
    }
    %mul3A = arith.constant 2560 : i32
    %mul3A_48 = arith.muli %arg0, %mul3A : i32
    %mul3A_49 = arith.constant 160 : i32
    %mul3A_50 = arith.muli %arg1, %mul3A_49 : i32
    %add3A = arith.addi %mul3A_48, %mul3A_50 : i32
    "tpu.region"() ({
      %run_scoped3A = tpu.sem_alloc : memref<!tpu.dma_semaphore, #tpu.memory_space<semaphore_mem>>
      %dma_start3A = arith.constant 0 : i32
      %dma_start3A_61 = tpu.memref_slice %arg2[%add3A, %dma_start3A] : memref<5120x128xi32, #tpu.memory_space<hbm>> -> memref<160x128xi32, #tpu.memory_space<hbm>>
      %dma_start3A_62 = arith.constant 0 : i32
      %dma_start3A_63 = tpu.memref_slice %arg2[%add3A, %dma_start3A_62] : memref<5120x128xi32, #tpu.memory_space<hbm>> -> memref<160x128xi32, #tpu.memory_space<hbm>>
      tpu.enqueue_dma source(%dma_start3A_63 : memref<160x128xi32, #tpu.memory_space<hbm>>) target(%arg5 : memref<160x128xi32, #tpu.memory_space<vmem>>) target_semaphore(%run_scoped3A : memref<!tpu.dma_semaphore, #tpu.memory_space<semaphore_mem>>)
      %dma_wait3A = arith.constant 0 : i32
      %dma_wait3A_64 = tpu.memref_slice %arg2[%add3A, %dma_wait3A] : memref<5120x128xi32, #tpu.memory_space<hbm>> -> memref<160x128xi32, #tpu.memory_space<hbm>>
      %dma_wait3A_65 = arith.constant 0 : i32
      %dma_wait3A_66 = tpu.memref_slice %arg2[%add3A, %dma_wait3A_65] : memref<5120x128xi32, #tpu.memory_space<hbm>> -> memref<160x128xi32, #tpu.memory_space<hbm>>
      tpu.wait_dma2 semaphore(%run_scoped3A : memref<!tpu.dma_semaphore, #tpu.memory_space<semaphore_mem>>) src(%dma_wait3A_66 : memref<160x128xi32, #tpu.memory_space<hbm>>) dst(%arg5 : memref<160x128xi32, #tpu.memory_space<vmem>>)
      tpu.yield
    }) : () -> ()
    %barrier3A = arith.constant 0 : index
    tpu.barrier barrier_id(%barrier3A)
    %scan3A = arith.constant 0 : i32
    %scan3A_51 = arith.constant 20 : i32
    %scan3A_52 = arith.addi %scan3A, %scan3A_51 : i32
    %scan3A_53 = arith.constant 1 : i32
    scf.for %scan3A_61 = %scan3A to %scan3A_52 step %scan3A_53  : i32 {
      %mul3A_62 = arith.constant 8 : i32
      %mul3A_63 = arith.muli %mul3A_62, %scan3A_61 : i32
      %add3A_64 = arith.constant 0 : i32
      %add3A_65 = arith.addi %mul3A_63, %add3A_64 : i32
      %dma_start3A = arith.constant 0 : i32
      %dma_start3A_66 = tpu.memref_slice %arg5[%add3A_65, %dma_start3A] : memref<160x128xi32, #tpu.memory_space<vmem>> -> memref<1x128xi32, #tpu.memory_space<vmem>>
      %dma_start3A_67 = tpu.memref_squeeze %dma_start3A_66 : memref<1x128xi32, #tpu.memory_space<vmem>> -> memref<128xi32, #tpu.memory_space<vmem>>
      %dma_start3A_68 = arith.constant 0 : i32
      %dma_start3A_69 = tpu.memref_slice %arg7[%dma_start3A_68] : memref<10240xf32, #tpu.memory_space<vmem_shared>> -> memref<10240xf32, #tpu.memory_space<vmem_shared>>
      tpu.enqueue_indirect_dma source(%arg6 : memref<128xf32, #tpu.memory_space<vmem>>) target(%dma_start3A_69 : memref<10240xf32, #tpu.memory_space<vmem_shared>>) offsets(%dma_start3A_67 : memref<128xi32, #tpu.memory_space<vmem>>) semaphore(%arg8 : memref<!tpu.dma_semaphore, #tpu.memory_space<semaphore_mem>>) {add = true}
      %mul3A_70 = arith.constant 8 : i32
      %mul3A_71 = arith.muli %mul3A_70, %scan3A_61 : i32
      %add3A_72 = arith.constant 1 : i32
      %add3A_73 = arith.addi %mul3A_71, %add3A_72 : i32
      %dma_start3A_74 = arith.constant 0 : i32
      %dma_start3A_75 = tpu.memref_slice %arg5[%add3A_73, %dma_start3A_74] : memref<160x128xi32, #tpu.memory_space<vmem>> -> memref<1x128xi32, #tpu.memory_space<vmem>>
      %dma_start3A_76 = tpu.memref_squeeze %dma_start3A_75 : memref<1x128xi32, #tpu.memory_space<vmem>> -> memref<128xi32, #tpu.memory_space<vmem>>
      %dma_start3A_77 = arith.constant 0 : i32
      %dma_start3A_78 = tpu.memref_slice %arg7[%dma_start3A_77] : memref<10240xf32, #tpu.memory_space<vmem_shared>> -> memref<10240xf32, #tpu.memory_space<vmem_shared>>
      tpu.enqueue_indirect_dma source(%arg6 : memref<128xf32, #tpu.memory_space<vmem>>) target(%dma_start3A_78 : memref<10240xf32, #tpu.memory_space<vmem_shared>>) offsets(%dma_start3A_76 : memref<128xi32, #tpu.memory_space<vmem>>) semaphore(%arg8 : memref<!tpu.dma_semaphore, #tpu.memory_space<semaphore_mem>>) {add = true}
      %mul3A_79 = arith.constant 8 : i32
      %mul3A_80 = arith.muli %mul3A_79, %scan3A_61 : i32
      %add3A_81 = arith.constant 2 : i32
      %add3A_82 = arith.addi %mul3A_80, %add3A_81 : i32
      %dma_start3A_83 = arith.constant 0 : i32
      %dma_start3A_84 = tpu.memref_slice %arg5[%add3A_82, %dma_start3A_83] : memref<160x128xi32, #tpu.memory_space<vmem>> -> memref<1x128xi32, #tpu.memory_space<vmem>>
      %dma_start3A_85 = tpu.memref_squeeze %dma_start3A_84 : memref<1x128xi32, #tpu.memory_space<vmem>> -> memref<128xi32, #tpu.memory_space<vmem>>
      %dma_start3A_86 = arith.constant 0 : i32
      %dma_start3A_87 = tpu.memref_slice %arg7[%dma_start3A_86] : memref<10240xf32, #tpu.memory_space<vmem_shared>> -> memref<10240xf32, #tpu.memory_space<vmem_shared>>
      tpu.enqueue_indirect_dma source(%arg6 : memref<128xf32, #tpu.memory_space<vmem>>) target(%dma_start3A_87 : memref<10240xf32, #tpu.memory_space<vmem_shared>>) offsets(%dma_start3A_85 : memref<128xi32, #tpu.memory_space<vmem>>) semaphore(%arg8 : memref<!tpu.dma_semaphore, #tpu.memory_space<semaphore_mem>>) {add = true}
      %mul3A_88 = arith.constant 8 : i32
      %mul3A_89 = arith.muli %mul3A_88, %scan3A_61 : i32
      %add3A_90 = arith.constant 3 : i32
      %add3A_91 = arith.addi %mul3A_89, %add3A_90 : i32
      %dma_start3A_92 = arith.constant 0 : i32
      %dma_start3A_93 = tpu.memref_slice %arg5[%add3A_91, %dma_start3A_92] : memref<160x128xi32, #tpu.memory_space<vmem>> -> memref<1x128xi32, #tpu.memory_space<vmem>>
      %dma_start3A_94 = tpu.memref_squeeze %dma_start3A_93 : memref<1x128xi32, #tpu.memory_space<vmem>> -> memref<128xi32, #tpu.memory_space<vmem>>
      %dma_start3A_95 = arith.constant 0 : i32
      %dma_start3A_96 = tpu.memref_slice %arg7[%dma_start3A_95] : memref<10240xf32, #tpu.memory_space<vmem_shared>> -> memref<10240xf32, #tpu.memory_space<vmem_shared>>
      tpu.enqueue_indirect_dma source(%arg6 : memref<128xf32, #tpu.memory_space<vmem>>) target(%dma_start3A_96 : memref<10240xf32, #tpu.memory_space<vmem_shared>>) offsets(%dma_start3A_94 : memref<128xi32, #tpu.memory_space<vmem>>) semaphore(%arg8 : memref<!tpu.dma_semaphore, #tpu.memory_space<semaphore_mem>>) {add = true}
      %mul3A_97 = arith.constant 8 : i32
      %mul3A_98 = arith.muli %mul3A_97, %scan3A_61 : i32
      %add3A_99 = arith.constant 4 : i32
      %add3A_100 = arith.addi %mul3A_98, %add3A_99 : i32
      %dma_start3A_101 = arith.constant 0 : i32
      %dma_start3A_102 = tpu.memref_slice %arg5[%add3A_100, %dma_start3A_101] : memref<160x128xi32, #tpu.memory_space<vmem>> -> memref<1x128xi32, #tpu.memory_space<vmem>>
      %dma_start3A_103 = tpu.memref_squeeze %dma_start3A_102 : memref<1x128xi32, #tpu.memory_space<vmem>> -> memref<128xi32, #tpu.memory_space<vmem>>
      %dma_start3A_104 = arith.constant 0 : i32
      %dma_start3A_105 = tpu.memref_slice %arg7[%dma_start3A_104] : memref<10240xf32, #tpu.memory_space<vmem_shared>> -> memref<10240xf32, #tpu.memory_space<vmem_shared>>
      tpu.enqueue_indirect_dma source(%arg6 : memref<128xf32, #tpu.memory_space<vmem>>) target(%dma_start3A_105 : memref<10240xf32, #tpu.memory_space<vmem_shared>>) offsets(%dma_start3A_103 : memref<128xi32, #tpu.memory_space<vmem>>) semaphore(%arg8 : memref<!tpu.dma_semaphore, #tpu.memory_space<semaphore_mem>>) {add = true}
      %mul3A_106 = arith.constant 8 : i32
      %mul3A_107 = arith.muli %mul3A_106, %scan3A_61 : i32
      %add3A_108 = arith.constant 5 : i32
      %add3A_109 = arith.addi %mul3A_107, %add3A_108 : i32
      %dma_start3A_110 = arith.constant 0 : i32
      %dma_start3A_111 = tpu.memref_slice %arg5[%add3A_109, %dma_start3A_110] : memref<160x128xi32, #tpu.memory_space<vmem>> -> memref<1x128xi32, #tpu.memory_space<vmem>>
      %dma_start3A_112 = tpu.memref_squeeze %dma_start3A_111 : memref<1x128xi32, #tpu.memory_space<vmem>> -> memref<128xi32, #tpu.memory_space<vmem>>
      %dma_start3A_113 = arith.constant 0 : i32
      %dma_start3A_114 = tpu.memref_slice %arg7[%dma_start3A_113] : memref<10240xf32, #tpu.memory_space<vmem_shared>> -> memref<10240xf32, #tpu.memory_space<vmem_shared>>
      tpu.enqueue_indirect_dma source(%arg6 : memref<128xf32, #tpu.memory_space<vmem>>) target(%dma_start3A_114 : memref<10240xf32, #tpu.memory_space<vmem_shared>>) offsets(%dma_start3A_112 : memref<128xi32, #tpu.memory_space<vmem>>) semaphore(%arg8 : memref<!tpu.dma_semaphore, #tpu.memory_space<semaphore_mem>>) {add = true}
      %mul3A_115 = arith.constant 8 : i32
      %mul3A_116 = arith.muli %mul3A_115, %scan3A_61 : i32
      %add3A_117 = arith.constant 6 : i32
      %add3A_118 = arith.addi %mul3A_116, %add3A_117 : i32
      %dma_start3A_119 = arith.constant 0 : i32
      %dma_start3A_120 = tpu.memref_slice %arg5[%add3A_118, %dma_start3A_119] : memref<160x128xi32, #tpu.memory_space<vmem>> -> memref<1x128xi32, #tpu.memory_space<vmem>>
      %dma_start3A_121 = tpu.memref_squeeze %dma_start3A_120 : memref<1x128xi32, #tpu.memory_space<vmem>> -> memref<128xi32, #tpu.memory_space<vmem>>
      %dma_start3A_122 = arith.constant 0 : i32
      %dma_start3A_123 = tpu.memref_slice %arg7[%dma_start3A_122] : memref<10240xf32, #tpu.memory_space<vmem_shared>> -> memref<10240xf32, #tpu.memory_space<vmem_shared>>
      tpu.enqueue_indirect_dma source(%arg6 : memref<128xf32, #tpu.memory_space<vmem>>) target(%dma_start3A_123 : memref<10240xf32, #tpu.memory_space<vmem_shared>>) offsets(%dma_start3A_121 : memref<128xi32, #tpu.memory_space<vmem>>) semaphore(%arg8 : memref<!tpu.dma_semaphore, #tpu.memory_space<semaphore_mem>>) {add = true}
      %mul3A_124 = arith.constant 8 : i32
      %mul3A_125 = arith.muli %mul3A_124, %scan3A_61 : i32
      %add3A_126 = arith.constant 7 : i32
      %add3A_127 = arith.addi %mul3A_125, %add3A_126 : i32
      %dma_start3A_128 = arith.constant 0 : i32
      %dma_start3A_129 = tpu.memref_slice %arg5[%add3A_127, %dma_start3A_128] : memref<160x128xi32, #tpu.memory_space<vmem>> -> memref<1x128xi32, #tpu.memory_space<vmem>>
      %dma_start3A_130 = tpu.memref_squeeze %dma_start3A_129 : memref<1x128xi32, #tpu.memory_space<vmem>> -> memref<128xi32, #tpu.memory_space<vmem>>
      %dma_start3A_131 = arith.constant 0 : i32
      %dma_start3A_132 = tpu.memref_slice %arg7[%dma_start3A_131] : memref<10240xf32, #tpu.memory_space<vmem_shared>> -> memref<10240xf32, #tpu.memory_space<vmem_shared>>
      tpu.enqueue_indirect_dma source(%arg6 : memref<128xf32, #tpu.memory_space<vmem>>) target(%dma_start3A_132 : memref<10240xf32, #tpu.memory_space<vmem_shared>>) offsets(%dma_start3A_130 : memref<128xi32, #tpu.memory_space<vmem>>) semaphore(%arg8 : memref<!tpu.dma_semaphore, #tpu.memory_space<semaphore_mem>>) {add = true}
      %dma_wait3A = arith.constant 0 : i32
      %dma_wait3A_133 = arith.constant 0 : i32
      %dma_wait3A_134 = tpu.memref_slice %arg5[%dma_wait3A, %dma_wait3A_133] : memref<160x128xi32, #tpu.memory_space<vmem>> -> memref<1x128xi32, #tpu.memory_space<vmem>>
      %dma_wait3A_135 = tpu.memref_squeeze %dma_wait3A_134 : memref<1x128xi32, #tpu.memory_space<vmem>> -> memref<128xi32, #tpu.memory_space<vmem>>
      %dma_wait3A_136 = arith.constant 0 : i32
      %dma_wait3A_137 = tpu.memref_slice %arg7[%dma_wait3A_136] : memref<10240xf32, #tpu.memory_space<vmem_shared>> -> memref<10240xf32, #tpu.memory_space<vmem_shared>>
      tpu.wait_indirect_dma semaphore(%arg8 : memref<!tpu.dma_semaphore, #tpu.memory_space<semaphore_mem>>) src(%arg6 : memref<128xf32, #tpu.memory_space<vmem>>) dst(%dma_wait3A_137 : memref<10240xf32, #tpu.memory_space<vmem_shared>>)
      %dma_wait3A_138 = arith.constant 0 : i32
      %dma_wait3A_139 = arith.constant 0 : i32
      %dma_wait3A_140 = tpu.memref_slice %arg5[%dma_wait3A_138, %dma_wait3A_139] : memref<160x128xi32, #tpu.memory_space<vmem>> -> memref<1x128xi32, #tpu.memory_space<vmem>>
      %dma_wait3A_141 = tpu.memref_squeeze %dma_wait3A_140 : memref<1x128xi32, #tpu.memory_space<vmem>> -> memref<128xi32, #tpu.memory_space<vmem>>
      %dma_wait3A_142 = arith.constant 0 : i32
      %dma_wait3A_143 = tpu.memref_slice %arg7[%dma_wait3A_142] : memref<10240xf32, #tpu.memory_space<vmem_shared>> -> memref<10240xf32, #tpu.memory_space<vmem_shared>>
      tpu.wait_indirect_dma semaphore(%arg8 : memref<!tpu.dma_semaphore, #tpu.memory_space<semaphore_mem>>) src(%arg6 : memref<128xf32, #tpu.memory_space<vmem>>) dst(%dma_wait3A_143 : memref<10240xf32, #tpu.memory_space<vmem_shared>>)
      %dma_wait3A_144 = arith.constant 0 : i32
      %dma_wait3A_145 = arith.constant 0 : i32
      %dma_wait3A_146 = tpu.memref_slice %arg5[%dma_wait3A_144, %dma_wait3A_145] : memref<160x128xi32, #tpu.memory_space<vmem>> -> memref<1x128xi32, #tpu.memory_space<vmem>>
      %dma_wait3A_147 = tpu.memref_squeeze %dma_wait3A_146 : memref<1x128xi32, #tpu.memory_space<vmem>> -> memref<128xi32, #tpu.memory_space<vmem>>
      %dma_wait3A_148 = arith.constant 0 : i32
      %dma_wait3A_149 = tpu.memref_slice %arg7[%dma_wait3A_148] : memref<10240xf32, #tpu.memory_space<vmem_shared>> -> memref<10240xf32, #tpu.memory_space<vmem_shared>>
      tpu.wait_indirect_dma semaphore(%arg8 : memref<!tpu.dma_semaphore, #tpu.memory_space<semaphore_mem>>) src(%arg6 : memref<128xf32, #tpu.memory_space<vmem>>) dst(%dma_wait3A_149 : memref<10240xf32, #tpu.memory_space<vmem_shared>>)
      %dma_wait3A_150 = arith.constant 0 : i32
      %dma_wait3A_151 = arith.constant 0 : i32
      %dma_wait3A_152 = tpu.memref_slice %arg5[%dma_wait3A_150, %dma_wait3A_151] : memref<160x128xi32, #tpu.memory_space<vmem>> -> memref<1x128xi32, #tpu.memory_space<vmem>>
      %dma_wait3A_153 = tpu.memref_squeeze %dma_wait3A_152 : memref<1x128xi32, #tpu.memory_space<vmem>> -> memref<128xi32, #tpu.memory_space<vmem>>
      %dma_wait3A_154 = arith.constant 0 : i32
      %dma_wait3A_155 = tpu.memref_slice %arg7[%dma_wait3A_154] : memref<10240xf32, #tpu.memory_space<vmem_shared>> -> memref<10240xf32, #tpu.memory_space<vmem_shared>>
      tpu.wait_indirect_dma semaphore(%arg8 : memref<!tpu.dma_semaphore, #tpu.memory_space<semaphore_mem>>) src(%arg6 : memref<128xf32, #tpu.memory_space<vmem>>) dst(%dma_wait3A_155 : memref<10240xf32, #tpu.memory_space<vmem_shared>>)
      %dma_wait3A_156 = arith.constant 0 : i32
      %dma_wait3A_157 = arith.constant 0 : i32
      %dma_wait3A_158 = tpu.memref_slice %arg5[%dma_wait3A_156, %dma_wait3A_157] : memref<160x128xi32, #tpu.memory_space<vmem>> -> memref<1x128xi32, #tpu.memory_space<vmem>>
      %dma_wait3A_159 = tpu.memref_squeeze %dma_wait3A_158 : memref<1x128xi32, #tpu.memory_space<vmem>> -> memref<128xi32, #tpu.memory_space<vmem>>
      %dma_wait3A_160 = arith.constant 0 : i32
      %dma_wait3A_161 = tpu.memref_slice %arg7[%dma_wait3A_160] : memref<10240xf32, #tpu.memory_space<vmem_shared>> -> memref<10240xf32, #tpu.memory_space<vmem_shared>>
      tpu.wait_indirect_dma semaphore(%arg8 : memref<!tpu.dma_semaphore, #tpu.memory_space<semaphore_mem>>) src(%arg6 : memref<128xf32, #tpu.memory_space<vmem>>) dst(%dma_wait3A_161 : memref<10240xf32, #tpu.memory_space<vmem_shared>>)
      %dma_wait3A_162 = arith.constant 0 : i32
      %dma_wait3A_163 = arith.constant 0 : i32
      %dma_wait3A_164 = tpu.memref_slice %arg5[%dma_wait3A_162, %dma_wait3A_163] : memref<160x128xi32, #tpu.memory_space<vmem>> -> memref<1x128xi32, #tpu.memory_space<vmem>>
      %dma_wait3A_165 = tpu.memref_squeeze %dma_wait3A_164 : memref<1x128xi32, #tpu.memory_space<vmem>> -> memref<128xi32, #tpu.memory_space<vmem>>
      %dma_wait3A_166 = arith.constant 0 : i32
      %dma_wait3A_167 = tpu.memref_slice %arg7[%dma_wait3A_166] : memref<10240xf32, #tpu.memory_space<vmem_shared>> -> memref<10240xf32, #tpu.memory_space<vmem_shared>>
      tpu.wait_indirect_dma semaphore(%arg8 : memref<!tpu.dma_semaphore, #tpu.memory_space<semaphore_mem>>) src(%arg6 : memref<128xf32, #tpu.memory_space<vmem>>) dst(%dma_wait3A_167 : memref<10240xf32, #tpu.memory_space<vmem_shared>>)
      %dma_wait3A_168 = arith.constant 0 : i32
      %dma_wait3A_169 = arith.constant 0 : i32
      %dma_wait3A_170 = tpu.memref_slice %arg5[%dma_wait3A_168, %dma_wait3A_169] : memref<160x128xi32, #tpu.memory_space<vmem>> -> memref<1x128xi32, #tpu.memory_space<vmem>>
      %dma_wait3A_171 = tpu.memref_squeeze %dma_wait3A_170 : memref<1x128xi32, #tpu.memory_space<vmem>> -> memref<128xi32, #tpu.memory_space<vmem>>
      %dma_wait3A_172 = arith.constant 0 : i32
      %dma_wait3A_173 = tpu.memref_slice %arg7[%dma_wait3A_172] : memref<10240xf32, #tpu.memory_space<vmem_shared>> -> memref<10240xf32, #tpu.memory_space<vmem_shared>>
      tpu.wait_indirect_dma semaphore(%arg8 : memref<!tpu.dma_semaphore, #tpu.memory_space<semaphore_mem>>) src(%arg6 : memref<128xf32, #tpu.memory_space<vmem>>) dst(%dma_wait3A_173 : memref<10240xf32, #tpu.memory_space<vmem_shared>>)
      %dma_wait3A_174 = arith.constant 0 : i32
      %dma_wait3A_175 = arith.constant 0 : i32
      %dma_wait3A_176 = tpu.memref_slice %arg5[%dma_wait3A_174, %dma_wait3A_175] : memref<160x128xi32, #tpu.memory_space<vmem>> -> memref<1x128xi32, #tpu.memory_space<vmem>>
      %dma_wait3A_177 = tpu.memref_squeeze %dma_wait3A_176 : memref<1x128xi32, #tpu.memory_space<vmem>> -> memref<128xi32, #tpu.memory_space<vmem>>
      %dma_wait3A_178 = arith.constant 0 : i32
      %dma_wait3A_179 = tpu.memref_slice %arg7[%dma_wait3A_178] : memref<10240xf32, #tpu.memory_space<vmem_shared>> -> memref<10240xf32, #tpu.memory_space<vmem_shared>>
      tpu.wait_indirect_dma semaphore(%arg8 : memref<!tpu.dma_semaphore, #tpu.memory_space<semaphore_mem>>) src(%arg6 : memref<128xf32, #tpu.memory_space<vmem>>) dst(%dma_wait3A_179 : memref<10240xf32, #tpu.memory_space<vmem_shared>>)
    }
    %scan3A_54 = arith.constant 20 : i32
    %barrier3A_55 = arith.constant 0 : index
    tpu.barrier barrier_id(%barrier3A_55)
    %eq3A_56 = arith.constant 0 : i32
    %eq3A_57 = arith.cmpi eq, %arg1, %eq3A_56 : i32
    %convert_element_type3A_58 = arith.extui %eq3A_57 : i1 to i32
    %cond3A_59 = arith.constant 0 : i32
    %cond3A_60 = arith.cmpi ne, %convert_element_type3A_58, %cond3A_59 : i32
    scf.if %cond3A_60 {
      %mul3A_61 = arith.constant 10240 : i32
      %mul3A_62 = arith.muli %arg0, %mul3A_61 : i32
      "tpu.region"() ({
        %run_scoped3A = tpu.sem_alloc : memref<!tpu.dma_semaphore, #tpu.memory_space<semaphore_mem>>
        %dma_start3A = tpu.memref_slice %arg4[%mul3A_62] : memref<20480xf32, #tpu.memory_space<hbm>> -> memref<10240xf32, #tpu.memory_space<hbm>>
        tpu.enqueue_dma source(%arg7 : memref<10240xf32, #tpu.memory_space<vmem_shared>>) target(%dma_start3A : memref<10240xf32, #tpu.memory_space<hbm>>) target_semaphore(%run_scoped3A : memref<!tpu.dma_semaphore, #tpu.memory_space<semaphore_mem>>)
        %dma_wait3A = tpu.memref_slice %arg4[%mul3A_62] : memref<20480xf32, #tpu.memory_space<hbm>> -> memref<10240xf32, #tpu.memory_space<hbm>>
        tpu.wait_dma2 semaphore(%run_scoped3A : memref<!tpu.dma_semaphore, #tpu.memory_space<semaphore_mem>>) src(%arg7 : memref<10240xf32, #tpu.memory_space<vmem_shared>>) dst(%dma_wait3A : memref<10240xf32, #tpu.memory_space<hbm>>)
        tpu.yield
      }) : () -> ()
    } else {
    }
    return
  }
}

module attributes {stable_mosaic.version = 14 : i64} {
  func.func @_prep_body(%arg0: i32, %arg1: memref<1x10000x128xf32, #tpu.memory_space<vmem>>, %arg2: memref<128x128xf32, #tpu.memory_space<vmem>>, %arg3: memref<1x10240x1xf32, #tpu.memory_space<vmem>>, %arg4: memref<1x10000x128xf32, #tpu.memory_space<vmem>>, %arg5: memref<1x10000x1xf32, #tpu.memory_space<vmem>>) attributes {dimension_semantics = [#tpu.dimension_semantics<arbitrary>], iteration_bounds = array<i64: 2>, scalar_prefetch = 0 : i64, scratch_operands = 0 : i64, tpu.core_type = #tpu.core_type<tc>, window_params = [{transform_indices = @transform_0, window_bounds = array<i64: 1, 10000, 128>}, {pipeline_mode = #tpu.pipeline_mode<synchronous>, transform_indices = @transform_1, window_bounds = array<i64: 128, 128>}, {transform_indices = @transform_2, window_bounds = array<i64: 1, 10240, 1>}, {transform_indices = @transform_3, window_bounds = array<i64: 1, 10000, 128>}, {transform_indices = @transform_4, window_bounds = array<i64: 1, 10000, 1>}]} {
    %get3A = arith.constant 0 : index
    %get3A_0 = arith.constant 0 : index
    %get3A_1 = arith.constant 0 : index
    %get3A_2 = vector.load %arg3[%get3A, %get3A_0, %get3A_1] : memref<1x10240x1xf32, #tpu.memory_space<vmem>>, vector<1x10000x1xf32>
    %get3A_3 = vector.shape_cast %get3A_2 : vector<1x10000x1xf32> to vector<10000x1xf32>
    %add3A = arith.constant 1.000000e+00 : f32
    %add3A_4 = vector.broadcast %add3A : f32 to vector<10000x1xf32>
    %add3A_5 = arith.addf %get3A_3, %add3A_4 : vector<10000x1xf32>
    %rsqrt3A = math.rsqrt %add3A_5 : vector<10000x1xf32>
    %swap3A = arith.constant 0 : index
    %swap3A_6 = arith.constant 0 : index
    %swap3A_7 = arith.constant 0 : index
    %swap3A_8 = vector.load %arg5[%swap3A, %swap3A_6, %swap3A_7] : memref<1x10000x1xf32, #tpu.memory_space<vmem>>, vector<1x10000x1xf32>
    %swap3A_9 = vector.shape_cast %swap3A_8 : vector<1x10000x1xf32> to vector<10000x1xf32>
    %swap3A_10 = vector.shape_cast %rsqrt3A : vector<10000x1xf32> to vector<1x10000x1xf32>
    tpu.vector_store %arg5[%swap3A, %swap3A_6, %swap3A_7], %swap3A_10 {strides = array<i32>} : memref<1x10000x1xf32, #tpu.memory_space<vmem>>, vector<1x10000x1xf32>,
    %get3A_11 = arith.constant 0 : index
    %get3A_12 = arith.constant 0 : index
    %get3A_13 = arith.constant 0 : index
    %get3A_14 = vector.load %arg1[%get3A_11, %get3A_12, %get3A_13] : memref<1x10000x128xf32, #tpu.memory_space<vmem>>, vector<1x10000x128xf32>
    %get3A_15 = vector.shape_cast %get3A_14 : vector<1x10000x128xf32> to vector<10000x128xf32>
    %get3A_16 = arith.constant 0 : index
    %get3A_17 = arith.constant 0 : index
    %get3A_18 = vector.load %arg2[%get3A_16, %get3A_17] : memref<128x128xf32, #tpu.memory_space<vmem>>, vector<128x128xf32>
    %dot_general3A = arith.constant dense<0.000000e+00> : vector<10000x128xf32>
    %dot_general3A_19 = tpu.matmul %get3A_15, %get3A_18, %dot_general3A {dimension_numbers = #tpu.dot_dimension_numbers<[1], [0], [0], [1], [0, 0, 1, 1], [], []>, transpose_lhs_hint = false} : vector<10000x128xf32>, vector<128x128xf32>, vector<10000x128xf32> -> vector<10000x128xf32>
    %mul3A = vector.broadcast %rsqrt3A : vector<10000x1xf32> to vector<10000x128xf32>
    %mul3A_20 = arith.mulf %mul3A, %dot_general3A_19 : vector<10000x128xf32>
    %swap3A_21 = arith.constant 0 : index
    %swap3A_22 = arith.constant 0 : index
    %swap3A_23 = arith.constant 0 : index
    %swap3A_24 = vector.load %arg4[%swap3A_21, %swap3A_22, %swap3A_23] : memref<1x10000x128xf32, #tpu.memory_space<vmem>>, vector<1x10000x128xf32>
    %swap3A_25 = vector.shape_cast %swap3A_24 : vector<1x10000x128xf32> to vector<10000x128xf32>
    %swap3A_26 = vector.shape_cast %mul3A_20 : vector<10000x128xf32> to vector<1x10000x128xf32>
    tpu.vector_store %arg4[%swap3A_21, %swap3A_22, %swap3A_23], %swap3A_26 {strides = array<i32>} : memref<1x10000x128xf32, #tpu.memory_space<vmem>>, vector<1x10000x128xf32>,
    return
  }
  func.func @transform_0(%arg0: i32) -> (i32, i32, i32) {
    %c0_i32 = arith.constant 0 : i32
    %c0_i32_0 = arith.constant 0 : i32
    %c0_i32_1 = arith.constant 0 : i32
    return %arg0, %c0_i32, %c0_i32_0 : i32, i32, i32
  }
  func.func @transform_1(%arg0: i32) -> (i32, i32) {
    %c0_i32 = arith.constant 0 : i32
    %c0_i32_0 = arith.constant 0 : i32
    %c0_i32_1 = arith.constant 0 : i32
    return %c0_i32, %c0_i32_0 : i32, i32
  }
  func.func @transform_2(%arg0: i32) -> (i32, i32, i32) {
    %c0_i32 = arith.constant 0 : i32
    %c0_i32_0 = arith.constant 0 : i32
    %c0_i32_1 = arith.constant 0 : i32
    return %arg0, %c0_i32, %c0_i32_0 : i32, i32, i32
  }
  func.func @transform_3(%arg0: i32) -> (i32, i32, i32) {
    %c0_i32 = arith.constant 0 : i32
    %c0_i32_0 = arith.constant 0 : i32
    %c0_i32_1 = arith.constant 0 : i32
    return %arg0, %c0_i32, %c0_i32_0 : i32, i32, i32
  }
  func.func @transform_4(%arg0: i32) -> (i32, i32, i32) {
    %c0_i32 = arith.constant 0 : i32
    %c0_i32_0 = arith.constant 0 : i32
    %c0_i32_1 = arith.constant 0 : i32
    return %arg0, %c0_i32, %c0_i32_0 : i32, i32, i32
  }
}

module attributes {stable_mosaic.version = 14 : i64} {
  func.func @_conv1_body(%arg0: i32, %arg1: i32, %arg2: memref<1x2000x128xf32, #tpu.memory_space<vmem>>, %arg3: memref<1x2000x128xf32, #tpu.memory_space<vmem>>, %arg4: memref<1x2000x1xf32, #tpu.memory_space<vmem>>, %arg5: memref<1x128xf32, #tpu.memory_space<vmem>>, %arg6: memref<1x2000x128xf32, #tpu.memory_space<vmem>>) attributes {dimension_semantics = [#tpu.dimension_semantics<arbitrary>, #tpu.dimension_semantics<arbitrary>], iteration_bounds = array<i64: 2, 5>, scalar_prefetch = 0 : i64, scratch_operands = 0 : i64, tpu.core_type = #tpu.core_type<tc>, window_params = [{transform_indices = @transform_0, window_bounds = array<i64: 1, 2000, 128>}, {transform_indices = @transform_1, window_bounds = array<i64: 1, 2000, 128>}, {transform_indices = @transform_2, window_bounds = array<i64: 1, 2000, 1>}, {pipeline_mode = #tpu.pipeline_mode<synchronous>, transform_indices = @transform_3, window_bounds = array<i64: 1, 128>}, {transform_indices = @transform_4, window_bounds = array<i64: 1, 2000, 128>}]} {
    %get3A = arith.constant 0 : index
    %get3A_0 = arith.constant 0 : index
    %get3A_1 = arith.constant 0 : index
    %get3A_2 = vector.load %arg4[%get3A, %get3A_0, %get3A_1] : memref<1x2000x1xf32, #tpu.memory_space<vmem>>, vector<1x2000x1xf32>
    %get3A_3 = vector.shape_cast %get3A_2 : vector<1x2000x1xf32> to vector<2000x1xf32>
    %get3A_4 = arith.constant 0 : index
    %get3A_5 = arith.constant 0 : index
    %get3A_6 = arith.constant 0 : index
    %get3A_7 = vector.load %arg2[%get3A_4, %get3A_5, %get3A_6] : memref<1x2000x128xf32, #tpu.memory_space<vmem>>, vector<1x2000x128xf32>
    %get3A_8 = vector.shape_cast %get3A_7 : vector<1x2000x128xf32> to vector<2000x128xf32>
    %get3A_9 = arith.constant 0 : index
    %get3A_10 = arith.constant 0 : index
    %get3A_11 = arith.constant 0 : index
    %get3A_12 = vector.load %arg3[%get3A_9, %get3A_10, %get3A_11] : memref<1x2000x128xf32, #tpu.memory_space<vmem>>, vector<1x2000x128xf32>
    %get3A_13 = vector.shape_cast %get3A_12 : vector<1x2000x128xf32> to vector<2000x128xf32>
    %add3A = arith.addf %get3A_8, %get3A_13 : vector<2000x128xf32>
    %mul3A = vector.broadcast %get3A_3 : vector<2000x1xf32> to vector<2000x128xf32>
    %mul3A_14 = arith.mulf %mul3A, %add3A : vector<2000x128xf32>
    %get3A_15 = arith.constant 0 : index
    %get3A_16 = arith.constant 0 : index
    %get3A_17 = vector.load %arg5[%get3A_15, %get3A_16] : memref<1x128xf32, #tpu.memory_space<vmem>>, vector<1x128xf32>
    %add3A_18 = vector.broadcast %get3A_17 : vector<1x128xf32> to vector<2000x128xf32>
    %add3A_19 = arith.addf %mul3A_14, %add3A_18 : vector<2000x128xf32>
    %swap3A = arith.constant 0 : index
    %swap3A_20 = arith.constant 0 : index
    %swap3A_21 = arith.constant 0 : index
    %swap3A_22 = vector.load %arg6[%swap3A, %swap3A_20, %swap3A_21] : memref<1x2000x128xf32, #tpu.memory_space<vmem>>, vector<1x2000x128xf32>
    %swap3A_23 = vector.shape_cast %swap3A_22 : vector<1x2000x128xf32> to vector<2000x128xf32>
    %swap3A_24 = vector.shape_cast %add3A_19 : vector<2000x128xf32> to vector<1x2000x128xf32>
    tpu.vector_store %arg6[%swap3A, %swap3A_20, %swap3A_21], %swap3A_24 {strides = array<i32>} : memref<1x2000x128xf32, #tpu.memory_space<vmem>>, vector<1x2000x128xf32>,
    return
  }
  func.func @transform_0(%arg0: i32, %arg1: i32) -> (i32, i32, i32) {
    %c0_i32 = arith.constant 0 : i32
    %c0_i32_0 = arith.constant 0 : i32
    return %arg0, %arg1, %c0_i32 : i32, i32, i32
  }
  func.func @transform_1(%arg0: i32, %arg1: i32) -> (i32, i32, i32) {
    %c0_i32 = arith.constant 0 : i32
    %c0_i32_0 = arith.constant 0 : i32
    return %arg0, %arg1, %c0_i32 : i32, i32, i32
  }
  func.func @transform_2(%arg0: i32, %arg1: i32) -> (i32, i32, i32) {
    %c0_i32 = arith.constant 0 : i32
    %c0_i32_0 = arith.constant 0 : i32
    return %arg0, %arg1, %c0_i32 : i32, i32, i32
  }
  func.func @transform_3(%arg0: i32, %arg1: i32) -> (i32, i32) {
    %c0_i32 = arith.constant 0 : i32
    %c0_i32_0 = arith.constant 0 : i32
    %c0_i32_1 = arith.constant 0 : i32
    return %c0_i32, %c0_i32_0 : i32, i32
  }
  func.func @transform_4(%arg0: i32, %arg1: i32) -> (i32, i32, i32) {
    %c0_i32 = arith.constant 0 : i32
    %c0_i32_0 = arith.constant 0 : i32
    return %arg0, %arg1, %c0_i32 : i32, i32, i32
  }
}

module attributes {stable_mosaic.version = 14 : i64} {
  func.func @_conv2a_body(%arg0: i32, %arg1: memref<1x10240x128xf32, #tpu.memory_space<vmem>>, %arg2: memref<1x10000x128xf32, #tpu.memory_space<vmem>>, %arg3: memref<128x128xf32, #tpu.memory_space<vmem>>, %arg4: memref<128x512xf32, #tpu.memory_space<vmem>>, %arg5: memref<1x512xf32, #tpu.memory_space<vmem>>, %arg6: memref<1x128xf32, #tpu.memory_space<vmem>>, %arg7: memref<1x128xf32, #tpu.memory_space<vmem>>, %arg8: memref<1x10000x128xf32, #tpu.memory_space<vmem>>) attributes {dimension_semantics = [#tpu.dimension_semantics<arbitrary>], iteration_bounds = array<i64: 2>, scalar_prefetch = 0 : i64, scratch_operands = 0 : i64, tpu.core_type = #tpu.core_type<tc>, window_params = [{transform_indices = @transform_0, window_bounds = array<i64: 1, 10240, 128>}, {transform_indices = @transform_1, window_bounds = array<i64: 1, 10000, 128>}, {pipeline_mode = #tpu.pipeline_mode<synchronous>, transform_indices = @transform_2, window_bounds = array<i64: 128, 128>}, {pipeline_mode = #tpu.pipeline_mode<synchronous>, transform_indices = @transform_3, window_bounds = array<i64: 128, 512>}, {pipeline_mode = #tpu.pipeline_mode<synchronous>, transform_indices = @transform_4, window_bounds = array<i64: 1, 512>}, {pipeline_mode = #tpu.pipeline_mode<synchronous>, transform_indices = @transform_5, window_bounds = array<i64: 1, 128>}, {pipeline_mode = #tpu.pipeline_mode<synchronous>, transform_indices = @transform_6, window_bounds = array<i64: 1, 128>}, {transform_indices = @transform_7, window_bounds = array<i64: 1, 10000, 128>}]} {
    %get3A = arith.constant 0 : index
    %get3A_0 = arith.constant 0 : index
    %get3A_1 = vector.load %arg3[%get3A, %get3A_0] : memref<128x128xf32, #tpu.memory_space<vmem>>, vector<128x128xf32>
    %broadcast_in_dim3A = arith.constant 0.000000e+00 : f32
    %broadcast_in_dim3A_2 = vector.broadcast %broadcast_in_dim3A : f32 to vector<128x128xf32>
    %get3A_3 = arith.constant 0 : index
    %get3A_4 = arith.constant 0 : index
    %get3A_5 = vector.load %arg4[%get3A_3, %get3A_4] : memref<128x512xf32, #tpu.memory_space<vmem>>, vector<128x512xf32>
    %dot_general3A = arith.constant dense<0.000000e+00> : vector<128x512xf32>
    %dot_general3A_6 = tpu.matmul %get3A_1, %get3A_5, %dot_general3A {dimension_numbers = #tpu.dot_dimension_numbers<[1], [0], [0], [1], [0, 0, 1, 1], [], []>, transpose_lhs_hint = false} : vector<128x128xf32>, vector<128x512xf32>, vector<128x512xf32> -> vector<128x512xf32>
    %get3A_7 = arith.constant 0 : index
    %get3A_8 = arith.constant 0 : index
    %get3A_9 = vector.load %arg5[%get3A_7, %get3A_8] : memref<1x512xf32, #tpu.memory_space<vmem>>, vector<1x512xf32>
    %add3A = vector.broadcast %get3A_9 : vector<1x512xf32> to vector<128x512xf32>
    %add3A_10 = arith.addf %dot_general3A_6, %add3A : vector<128x512xf32>
    %slice3A = vector.extract_strided_slice %add3A_10 {offsets = [0, 0], sizes = [128, 128], strides = [1, 1]} : vector<128x512xf32> to vector<128x128xf32>
    %logistic3A = arith.negf %slice3A : vector<128x128xf32>
    %logistic3A_11 = math.exp %logistic3A : vector<128x128xf32>
    %logistic3A_12 = arith.constant 1.000000e+00 : f32
    %logistic3A_13 = vector.broadcast %logistic3A_12 : f32 to vector<128x128xf32>
    %logistic3A_14 = arith.addf %logistic3A_13, %logistic3A_11 : vector<128x128xf32>
    %logistic3A_15 = arith.divf %logistic3A_13, %logistic3A_14 : vector<128x128xf32>
    %slice3A_16 = vector.extract_strided_slice %add3A_10 {offsets = [0, 128], sizes = [128, 128], strides = [1, 1]} : vector<128x512xf32> to vector<128x128xf32>
    %logistic3A_17 = arith.negf %slice3A_16 : vector<128x128xf32>
    %logistic3A_18 = math.exp %logistic3A_17 : vector<128x128xf32>
    %logistic3A_19 = arith.constant 1.000000e+00 : f32
    %logistic3A_20 = vector.broadcast %logistic3A_19 : f32 to vector<128x128xf32>
    %logistic3A_21 = arith.addf %logistic3A_20, %logistic3A_18 : vector<128x128xf32>
    %logistic3A_22 = arith.divf %logistic3A_20, %logistic3A_21 : vector<128x128xf32>
    %slice3A_23 = vector.extract_strided_slice %add3A_10 {offsets = [0, 256], sizes = [128, 128], strides = [1, 1]} : vector<128x512xf32> to vector<128x128xf32>
    %tanh3A = math.tanh %slice3A_23 : vector<128x128xf32>
    %slice3A_24 = vector.extract_strided_slice %add3A_10 {offsets = [0, 384], sizes = [128, 128], strides = [1, 1]} : vector<128x512xf32> to vector<128x128xf32>
    %logistic3A_25 = arith.negf %slice3A_24 : vector<128x128xf32>
    %logistic3A_26 = math.exp %logistic3A_25 : vector<128x128xf32>
    %logistic3A_27 = arith.constant 1.000000e+00 : f32
    %logistic3A_28 = vector.broadcast %logistic3A_27 : f32 to vector<128x128xf32>
    %logistic3A_29 = arith.addf %logistic3A_28, %logistic3A_26 : vector<128x128xf32>
    %logistic3A_30 = arith.divf %logistic3A_28, %logistic3A_29 : vector<128x128xf32>
    %mul3A = arith.mulf %logistic3A_22, %broadcast_in_dim3A_2 : vector<128x128xf32>
    %mul3A_31 = arith.mulf %logistic3A_15, %tanh3A : vector<128x128xf32>
    %add3A_32 = arith.addf %mul3A, %mul3A_31 : vector<128x128xf32>
    %tanh3A_33 = math.tanh %add3A_32 : vector<128x128xf32>
    %mul3A_34 = arith.mulf %logistic3A_30, %tanh3A_33 : vector<128x128xf32>
    %get3A_35 = arith.constant 0 : index
    %get3A_36 = arith.constant 0 : index
    %get3A_37 = vector.load %arg4[%get3A_35, %get3A_36] : memref<128x512xf32, #tpu.memory_space<vmem>>, vector<128x512xf32>
    %dot_general3A_38 = arith.constant dense<0.000000e+00> : vector<128x512xf32>
    %dot_general3A_39 = tpu.matmul %mul3A_34, %get3A_37, %dot_general3A_38 {dimension_numbers = #tpu.dot_dimension_numbers<[1], [0], [0], [1], [0, 0, 1, 1], [], []>, transpose_lhs_hint = false} : vector<128x128xf32>, vector<128x512xf32>, vector<128x512xf32> -> vector<128x512xf32>
    %get3A_40 = arith.constant 0 : index
    %get3A_41 = arith.constant 0 : index
    %get3A_42 = vector.load %arg5[%get3A_40, %get3A_41] : memref<1x512xf32, #tpu.memory_space<vmem>>, vector<1x512xf32>
    %add3A_43 = vector.broadcast %get3A_42 : vector<1x512xf32> to vector<128x512xf32>
    %add3A_44 = arith.addf %dot_general3A_39, %add3A_43 : vector<128x512xf32>
    %slice3A_45 = vector.extract_strided_slice %add3A_44 {offsets = [0, 0], sizes = [128, 128], strides = [1, 1]} : vector<128x512xf32> to vector<128x128xf32>
    %logistic3A_46 = arith.negf %slice3A_45 : vector<128x128xf32>
    %logistic3A_47 = math.exp %logistic3A_46 : vector<128x128xf32>
    %logistic3A_48 = arith.constant 1.000000e+00 : f32
    %logistic3A_49 = vector.broadcast %logistic3A_48 : f32 to vector<128x128xf32>
    %logistic3A_50 = arith.addf %logistic3A_49, %logistic3A_47 : vector<128x128xf32>
    %logistic3A_51 = arith.divf %logistic3A_49, %logistic3A_50 : vector<128x128xf32>
    %slice3A_52 = vector.extract_strided_slice %add3A_44 {offsets = [0, 128], sizes = [128, 128], strides = [1, 1]} : vector<128x512xf32> to vector<128x128xf32>
    %logistic3A_53 = arith.negf %slice3A_52 : vector<128x128xf32>
    %logistic3A_54 = math.exp %logistic3A_53 : vector<128x128xf32>
    %logistic3A_55 = arith.constant 1.000000e+00 : f32
    %logistic3A_56 = vector.broadcast %logistic3A_55 : f32 to vector<128x128xf32>
    %logistic3A_57 = arith.addf %logistic3A_56, %logistic3A_54 : vector<128x128xf32>
    %logistic3A_58 = arith.divf %logistic3A_56, %logistic3A_57 : vector<128x128xf32>
    %slice3A_59 = vector.extract_strided_slice %add3A_44 {offsets = [0, 256], sizes = [128, 128], strides = [1, 1]} : vector<128x512xf32> to vector<128x128xf32>
    %tanh3A_60 = math.tanh %slice3A_59 : vector<128x128xf32>
    %slice3A_61 = vector.extract_strided_slice %add3A_44 {offsets = [0, 384], sizes = [128, 128], strides = [1, 1]} : vector<128x512xf32> to vector<128x128xf32>
    %logistic3A_62 = arith.negf %slice3A_61 : vector<128x128xf32>
    %logistic3A_63 = math.exp %logistic3A_62 : vector<128x128xf32>
    %logistic3A_64 = arith.constant 1.000000e+00 : f32
    %logistic3A_65 = vector.broadcast %logistic3A_64 : f32 to vector<128x128xf32>
    %logistic3A_66 = arith.addf %logistic3A_65, %logistic3A_63 : vector<128x128xf32>
    %logistic3A_67 = arith.divf %logistic3A_65, %logistic3A_66 : vector<128x128xf32>
    %mul3A_68 = arith.mulf %logistic3A_58, %add3A_32 : vector<128x128xf32>
    %mul3A_69 = arith.mulf %logistic3A_51, %tanh3A_60 : vector<128x128xf32>
    %add3A_70 = arith.addf %mul3A_68, %mul3A_69 : vector<128x128xf32>
    %tanh3A_71 = math.tanh %add3A_70 : vector<128x128xf32>
    %mul3A_72 = arith.mulf %logistic3A_67, %tanh3A_71 : vector<128x128xf32>
    %eq3A = arith.constant 0 : i32
    %eq3A_73 = arith.cmpi eq, %arg0, %eq3A : i32
    %select_n3A = arith.select %eq3A_73, %mul3A_34, %mul3A_72 : vector<128x128xf32>
    %get3A_74 = arith.constant 0 : index
    %get3A_75 = arith.constant 0 : index
    %get3A_76 = arith.constant 0 : index
    %get3A_77 = vector.load %arg1[%get3A_74, %get3A_75, %get3A_76] : memref<1x10240x128xf32, #tpu.memory_space<vmem>>, vector<1x10000x128xf32>
    %get3A_78 = vector.shape_cast %get3A_77 : vector<1x10000x128xf32> to vector<10000x128xf32>
    %mul3A_79 = arith.constant 0.899999976 : f32
    %mul3A_80 = vector.broadcast %mul3A_79 : f32 to vector<10000x128xf32>
    %mul3A_81 = arith.mulf %mul3A_80, %get3A_78 : vector<10000x128xf32>
    %get3A_82 = arith.constant 0 : index
    %get3A_83 = arith.constant 0 : index
    %get3A_84 = arith.constant 0 : index
    %get3A_85 = vector.load %arg2[%get3A_82, %get3A_83, %get3A_84] : memref<1x10000x128xf32, #tpu.memory_space<vmem>>, vector<1x10000x128xf32>
    %get3A_86 = vector.shape_cast %get3A_85 : vector<1x10000x128xf32> to vector<10000x128xf32>
    %mul3A_87 = arith.constant 1.000000e-01 : f32
    %mul3A_88 = vector.broadcast %mul3A_87 : f32 to vector<10000x128xf32>
    %mul3A_89 = arith.mulf %mul3A_88, %get3A_86 : vector<10000x128xf32>
    %add3A_90 = arith.addf %mul3A_81, %mul3A_89 : vector<10000x128xf32>
    %mul3A_91 = arith.constant 0.594534874 : f32
    %mul3A_92 = vector.broadcast %mul3A_91 : f32 to vector<10000x128xf32>
    %mul3A_93 = arith.mulf %mul3A_92, %add3A_90 : vector<10000x128xf32>
    %dot_general3A_94 = arith.constant dense<0.000000e+00> : vector<10000x128xf32>
    %dot_general3A_95 = tpu.matmul %add3A_90, %select_n3A, %dot_general3A_94 {dimension_numbers = #tpu.dot_dimension_numbers<[1], [0], [0], [1], [0, 0, 1, 1], [], []>, transpose_lhs_hint = false} : vector<10000x128xf32>, vector<128x128xf32>, vector<10000x128xf32> -> vector<10000x128xf32>
    %mul3A_96 = arith.constant 0.405465096 : f32
    %mul3A_97 = vector.broadcast %mul3A_96 : f32 to vector<10000x128xf32>
    %mul3A_98 = arith.mulf %mul3A_97, %dot_general3A_95 : vector<10000x128xf32>
    %add3A_99 = arith.addf %mul3A_93, %mul3A_98 : vector<10000x128xf32>
    %reduce_sum3A = arith.constant dense<0.000000e+00> : vector<128xf32>
    %reduce_sum3A_100 = vector.multi_reduction <add>, %add3A_99, %reduce_sum3A [0] : vector<10000x128xf32> to vector<128xf32>
    %broadcast_in_dim3A_101 = vector.shape_cast %reduce_sum3A_100 : vector<128xf32> to vector<1x128xf32>
    %div3A = arith.constant 1.000000e+04 : f32
    %div3A_102 = vector.broadcast %div3A : f32 to vector<1x128xf32>
    %div3A_103 = arith.divf %broadcast_in_dim3A_101, %div3A_102 : vector<1x128xf32>
    %sub3A = vector.broadcast %div3A_103 : vector<1x128xf32> to vector<10000x128xf32>
    %sub3A_104 = arith.subf %add3A_99, %sub3A : vector<10000x128xf32>
    %integer_pow3A = arith.mulf %sub3A_104, %sub3A_104 : vector<10000x128xf32>
    %reduce_sum3A_105 = arith.constant dense<0.000000e+00> : vector<128xf32>
    %reduce_sum3A_106 = vector.multi_reduction <add>, %integer_pow3A, %reduce_sum3A_105 [0] : vector<10000x128xf32> to vector<128xf32>
    %broadcast_in_dim3A_107 = vector.shape_cast %reduce_sum3A_106 : vector<128xf32> to vector<1x128xf32>
    %div3A_108 = arith.constant 1.000000e+04 : f32
    %div3A_109 = vector.broadcast %div3A_108 : f32 to vector<1x128xf32>
    %div3A_110 = arith.divf %broadcast_in_dim3A_107, %div3A_109 : vector<1x128xf32>
    %sub3A_111 = vector.broadcast %div3A_103 : vector<1x128xf32> to vector<10000x128xf32>
    %sub3A_112 = arith.subf %add3A_99, %sub3A_111 : vector<10000x128xf32>
    %add3A_113 = arith.constant 9.99999974E-6 : f32
    %add3A_114 = vector.broadcast %add3A_113 : f32 to vector<1x128xf32>
    %add3A_115 = arith.addf %div3A_110, %add3A_114 : vector<1x128xf32>
    %sqrt3A = math.sqrt %add3A_115 : vector<1x128xf32>
    %div3A_116 = vector.broadcast %sqrt3A : vector<1x128xf32> to vector<10000x128xf32>
    %div3A_117 = arith.divf %sub3A_112, %div3A_116 : vector<10000x128xf32>
    %get3A_118 = arith.constant 0 : index
    %get3A_119 = arith.constant 0 : index
    %get3A_120 = vector.load %arg6[%get3A_118, %get3A_119] : memref<1x128xf32, #tpu.memory_space<vmem>>, vector<1x128xf32>
    %mul3A_121 = vector.broadcast %get3A_120 : vector<1x128xf32> to vector<10000x128xf32>
    %mul3A_122 = arith.mulf %div3A_117, %mul3A_121 : vector<10000x128xf32>
    %get3A_123 = arith.constant 0 : index
    %get3A_124 = arith.constant 0 : index
    %get3A_125 = vector.load %arg7[%get3A_123, %get3A_124] : memref<1x128xf32, #tpu.memory_space<vmem>>, vector<1x128xf32>
    %add3A_126 = vector.broadcast %get3A_125 : vector<1x128xf32> to vector<10000x128xf32>
    %add3A_127 = arith.addf %mul3A_122, %add3A_126 : vector<10000x128xf32>
    %max3A = arith.constant 0.000000e+00 : f32
    %max3A_128 = vector.broadcast %max3A : f32 to vector<10000x128xf32>
    %max3A_129 = arith.maximumf %add3A_127, %max3A_128 : vector<10000x128xf32>
    %swap3A = arith.constant 0 : index
    %swap3A_130 = arith.constant 0 : index
    %swap3A_131 = arith.constant 0 : index
    %swap3A_132 = vector.load %arg8[%swap3A, %swap3A_130, %swap3A_131] : memref<1x10000x128xf32, #tpu.memory_space<vmem>>, vector<1x10000x128xf32>
    %swap3A_133 = vector.shape_cast %swap3A_132 : vector<1x10000x128xf32> to vector<10000x128xf32>
    %swap3A_134 = vector.shape_cast %max3A_129 : vector<10000x128xf32> to vector<1x10000x128xf32>
    tpu.vector_store %arg8[%swap3A, %swap3A_130, %swap3A_131], %swap3A_134 {strides = array<i32>} : memref<1x10000x128xf32, #tpu.memory_space<vmem>>, vector<1x10000x128xf32>,
    return
  }
  func.func @transform_0(%arg0: i32) -> (i32, i32, i32) {
    %c0_i32 = arith.constant 0 : i32
    %c0_i32_0 = arith.constant 0 : i32
    %c0_i32_1 = arith.constant 0 : i32
    return %arg0, %c0_i32, %c0_i32_0 : i32, i32, i32
  }
  func.func @transform_1(%arg0: i32) -> (i32, i32, i32) {
    %c0_i32 = arith.constant 0 : i32
    %c0_i32_0 = arith.constant 0 : i32
    %c0_i32_1 = arith.constant 0 : i32
    return %arg0, %c0_i32, %c0_i32_0 : i32, i32, i32
  }
  func.func @transform_2(%arg0: i32) -> (i32, i32) {
    %c0_i32 = arith.constant 0 : i32
    %c0_i32_0 = arith.constant 0 : i32
    %c0_i32_1 = arith.constant 0 : i32
    return %c0_i32, %c0_i32_0 : i32, i32
  }
  func.func @transform_3(%arg0: i32) -> (i32, i32) {
    %c0_i32 = arith.constant 0 : i32
    %c0_i32_0 = arith.constant 0 : i32
    %c0_i32_1 = arith.constant 0 : i32
    return %c0_i32, %c0_i32_0 : i32, i32
  }
  func.func @transform_4(%arg0: i32) -> (i32, i32) {
    %c0_i32 = arith.constant 0 : i32
    %c0_i32_0 = arith.constant 0 : i32
    %c0_i32_1 = arith.constant 0 : i32
    return %c0_i32, %c0_i32_0 : i32, i32
  }
  func.func @transform_5(%arg0: i32) -> (i32, i32) {
    %c0_i32 = arith.constant 0 : i32
    %c0_i32_0 = arith.constant 0 : i32
    %c0_i32_1 = arith.constant 0 : i32
    return %c0_i32, %c0_i32_0 : i32, i32
  }
  func.func @transform_6(%arg0: i32) -> (i32, i32) {
    %c0_i32 = arith.constant 0 : i32
    %c0_i32_0 = arith.constant 0 : i32
    %c0_i32_1 = arith.constant 0 : i32
    return %c0_i32, %c0_i32_0 : i32, i32
  }
  func.func @transform_7(%arg0: i32) -> (i32, i32, i32) {
    %c0_i32 = arith.constant 0 : i32
    %c0_i32_0 = arith.constant 0 : i32
    %c0_i32_1 = arith.constant 0 : i32
    return %arg0, %c0_i32, %c0_i32_0 : i32, i32, i32
  }
}

module attributes {stable_mosaic.version = 14 : i64} {
  func.func @_tail_body(%arg0: i32, %arg1: memref<1x2000x128xf32, #tpu.memory_space<vmem>>, %arg2: memref<1x2000x128xf32, #tpu.memory_space<vmem>>, %arg3: memref<1x2000x128xf32, #tpu.memory_space<vmem>>, %arg4: memref<1x2000x128xf32, #tpu.memory_space<vmem>>, %arg5: memref<128x128xf32, #tpu.memory_space<vmem>>, %arg6: memref<128x512xf32, #tpu.memory_space<vmem>>, %arg7: memref<1x512xf32, #tpu.memory_space<vmem>>, %arg8: memref<128x512xf32, #tpu.memory_space<vmem>>, %arg9: memref<128x512xf32, #tpu.memory_space<vmem>>, %arg10: memref<1x512xf32, #tpu.memory_space<vmem>>, %arg11: memref<3x2000x128xf32, #tpu.memory_space<vmem>>) attributes {dimension_semantics = [#tpu.dimension_semantics<arbitrary>], iteration_bounds = array<i64: 5>, scalar_prefetch = 0 : i64, scratch_operands = 0 : i64, tpu.core_type = #tpu.core_type<tc>, window_params = [{transform_indices = @transform_0, window_bounds = array<i64: 1, 2000, 128>}, {transform_indices = @transform_1, window_bounds = array<i64: 1, 2000, 128>}, {transform_indices = @transform_2, window_bounds = array<i64: 1, 2000, 128>}, {transform_indices = @transform_3, window_bounds = array<i64: 1, 2000, 128>}, {pipeline_mode = #tpu.pipeline_mode<synchronous>, transform_indices = @transform_4, window_bounds = array<i64: 128, 128>}, {pipeline_mode = #tpu.pipeline_mode<synchronous>, transform_indices = @transform_5, window_bounds = array<i64: 128, 512>}, {pipeline_mode = #tpu.pipeline_mode<synchronous>, transform_indices = @transform_6, window_bounds = array<i64: 1, 512>}, {pipeline_mode = #tpu.pipeline_mode<synchronous>, transform_indices = @transform_7, window_bounds = array<i64: 128, 512>}, {pipeline_mode = #tpu.pipeline_mode<synchronous>, transform_indices = @transform_8, window_bounds = array<i64: 128, 512>}, {pipeline_mode = #tpu.pipeline_mode<synchronous>, transform_indices = @transform_9, window_bounds = array<i64: 1, 512>}, {transform_indices = @transform_10, window_bounds = array<i64: 3, 2000, 128>}]} {
    %get3A = arith.constant 0 : index
    %get3A_0 = arith.constant 0 : index
    %get3A_1 = vector.load %arg5[%get3A, %get3A_0] : memref<128x128xf32, #tpu.memory_space<vmem>>, vector<128x128xf32>
    %broadcast_in_dim3A = arith.constant 0.000000e+00 : f32
    %broadcast_in_dim3A_2 = vector.broadcast %broadcast_in_dim3A : f32 to vector<128x128xf32>
    %get3A_3 = arith.constant 0 : index
    %get3A_4 = arith.constant 0 : index
    %get3A_5 = vector.load %arg6[%get3A_3, %get3A_4] : memref<128x512xf32, #tpu.memory_space<vmem>>, vector<128x512xf32>
    %dot_general3A = arith.constant dense<0.000000e+00> : vector<128x512xf32>
    %dot_general3A_6 = tpu.matmul %get3A_1, %get3A_5, %dot_general3A {dimension_numbers = #tpu.dot_dimension_numbers<[1], [0], [0], [1], [0, 0, 1, 1], [], []>, transpose_lhs_hint = false} : vector<128x128xf32>, vector<128x512xf32>, vector<128x512xf32> -> vector<128x512xf32>
    %get3A_7 = arith.constant 0 : index
    %get3A_8 = arith.constant 0 : index
    %get3A_9 = vector.load %arg7[%get3A_7, %get3A_8] : memref<1x512xf32, #tpu.memory_space<vmem>>, vector<1x512xf32>
    %add3A = vector.broadcast %get3A_9 : vector<1x512xf32> to vector<128x512xf32>
    %add3A_10 = arith.addf %dot_general3A_6, %add3A : vector<128x512xf32>
    %slice3A = vector.extract_strided_slice %add3A_10 {offsets = [0, 0], sizes = [128, 128], strides = [1, 1]} : vector<128x512xf32> to vector<128x128xf32>
    %logistic3A = arith.negf %slice3A : vector<128x128xf32>
    %logistic3A_11 = math.exp %logistic3A : vector<128x128xf32>
    %logistic3A_12 = arith.constant 1.000000e+00 : f32
    %logistic3A_13 = vector.broadcast %logistic3A_12 : f32 to vector<128x128xf32>
    %logistic3A_14 = arith.addf %logistic3A_13, %logistic3A_11 : vector<128x128xf32>
    %logistic3A_15 = arith.divf %logistic3A_13, %logistic3A_14 : vector<128x128xf32>
    %slice3A_16 = vector.extract_strided_slice %add3A_10 {offsets = [0, 128], sizes = [128, 128], strides = [1, 1]} : vector<128x512xf32> to vector<128x128xf32>
    %logistic3A_17 = arith.negf %slice3A_16 : vector<128x128xf32>
    %logistic3A_18 = math.exp %logistic3A_17 : vector<128x128xf32>
    %logistic3A_19 = arith.constant 1.000000e+00 : f32
    %logistic3A_20 = vector.broadcast %logistic3A_19 : f32 to vector<128x128xf32>
    %logistic3A_21 = arith.addf %logistic3A_20, %logistic3A_18 : vector<128x128xf32>
    %logistic3A_22 = arith.divf %logistic3A_20, %logistic3A_21 : vector<128x128xf32>
    %slice3A_23 = vector.extract_strided_slice %add3A_10 {offsets = [0, 256], sizes = [128, 128], strides = [1, 1]} : vector<128x512xf32> to vector<128x128xf32>
    %tanh3A = math.tanh %slice3A_23 : vector<128x128xf32>
    %slice3A_24 = vector.extract_strided_slice %add3A_10 {offsets = [0, 384], sizes = [128, 128], strides = [1, 1]} : vector<128x512xf32> to vector<128x128xf32>
    %logistic3A_25 = arith.negf %slice3A_24 : vector<128x128xf32>
    %logistic3A_26 = math.exp %logistic3A_25 : vector<128x128xf32>
    %logistic3A_27 = arith.constant 1.000000e+00 : f32
    %logistic3A_28 = vector.broadcast %logistic3A_27 : f32 to vector<128x128xf32>
    %logistic3A_29 = arith.addf %logistic3A_28, %logistic3A_26 : vector<128x128xf32>
    %logistic3A_30 = arith.divf %logistic3A_28, %logistic3A_29 : vector<128x128xf32>
    %mul3A = arith.mulf %logistic3A_22, %broadcast_in_dim3A_2 : vector<128x128xf32>
    %mul3A_31 = arith.mulf %logistic3A_15, %tanh3A : vector<128x128xf32>
    %add3A_32 = arith.addf %mul3A, %mul3A_31 : vector<128x128xf32>
    %tanh3A_33 = math.tanh %add3A_32 : vector<128x128xf32>
    %mul3A_34 = arith.mulf %logistic3A_30, %tanh3A_33 : vector<128x128xf32>
    %get3A_35 = arith.constant 0 : index
    %get3A_36 = arith.constant 0 : index
    %get3A_37 = vector.load %arg6[%get3A_35, %get3A_36] : memref<128x512xf32, #tpu.memory_space<vmem>>, vector<128x512xf32>
    %dot_general3A_38 = arith.constant dense<0.000000e+00> : vector<128x512xf32>
    %dot_general3A_39 = tpu.matmul %mul3A_34, %get3A_37, %dot_general3A_38 {dimension_numbers = #tpu.dot_dimension_numbers<[1], [0], [0], [1], [0, 0, 1, 1], [], []>, transpose_lhs_hint = false} : vector<128x128xf32>, vector<128x512xf32>, vector<128x512xf32> -> vector<128x512xf32>
    %get3A_40 = arith.constant 0 : index
    %get3A_41 = arith.constant 0 : index
    %get3A_42 = vector.load %arg7[%get3A_40, %get3A_41] : memref<1x512xf32, #tpu.memory_space<vmem>>, vector<1x512xf32>
    %add3A_43 = vector.broadcast %get3A_42 : vector<1x512xf32> to vector<128x512xf32>
    %add3A_44 = arith.addf %dot_general3A_39, %add3A_43 : vector<128x512xf32>
    %slice3A_45 = vector.extract_strided_slice %add3A_44 {offsets = [0, 0], sizes = [128, 128], strides = [1, 1]} : vector<128x512xf32> to vector<128x128xf32>
    %logistic3A_46 = arith.negf %slice3A_45 : vector<128x128xf32>
    %logistic3A_47 = math.exp %logistic3A_46 : vector<128x128xf32>
    %logistic3A_48 = arith.constant 1.000000e+00 : f32
    %logistic3A_49 = vector.broadcast %logistic3A_48 : f32 to vector<128x128xf32>
    %logistic3A_50 = arith.addf %logistic3A_49, %logistic3A_47 : vector<128x128xf32>
    %logistic3A_51 = arith.divf %logistic3A_49, %logistic3A_50 : vector<128x128xf32>
    %slice3A_52 = vector.extract_strided_slice %add3A_44 {offsets = [0, 128], sizes = [128, 128], strides = [1, 1]} : vector<128x512xf32> to vector<128x128xf32>
    %logistic3A_53 = arith.negf %slice3A_52 : vector<128x128xf32>
    %logistic3A_54 = math.exp %logistic3A_53 : vector<128x128xf32>
    %logistic3A_55 = arith.constant 1.000000e+00 : f32
    %logistic3A_56 = vector.broadcast %logistic3A_55 : f32 to vector<128x128xf32>
    %logistic3A_57 = arith.addf %logistic3A_56, %logistic3A_54 : vector<128x128xf32>
    %logistic3A_58 = arith.divf %logistic3A_56, %logistic3A_57 : vector<128x128xf32>
    %slice3A_59 = vector.extract_strided_slice %add3A_44 {offsets = [0, 256], sizes = [128, 128], strides = [1, 1]} : vector<128x512xf32> to vector<128x128xf32>
    %tanh3A_60 = math.tanh %slice3A_59 : vector<128x128xf32>
    %slice3A_61 = vector.extract_strided_slice %add3A_44 {offsets = [0, 384], sizes = [128, 128], strides = [1, 1]} : vector<128x512xf32> to vector<128x128xf32>
    %logistic3A_62 = arith.negf %slice3A_61 : vector<128x128xf32>
    %logistic3A_63 = math.exp %logistic3A_62 : vector<128x128xf32>
    %logistic3A_64 = arith.constant 1.000000e+00 : f32
    %logistic3A_65 = vector.broadcast %logistic3A_64 : f32 to vector<128x128xf32>
    %logistic3A_66 = arith.addf %logistic3A_65, %logistic3A_63 : vector<128x128xf32>
    %logistic3A_67 = arith.divf %logistic3A_65, %logistic3A_66 : vector<128x128xf32>
    %mul3A_68 = arith.mulf %logistic3A_58, %add3A_32 : vector<128x128xf32>
    %mul3A_69 = arith.mulf %logistic3A_51, %tanh3A_60 : vector<128x128xf32>
    %add3A_70 = arith.addf %mul3A_68, %mul3A_69 : vector<128x128xf32>
    %tanh3A_71 = math.tanh %add3A_70 : vector<128x128xf32>
    %mul3A_72 = arith.mulf %logistic3A_67, %tanh3A_71 : vector<128x128xf32>
    %get3A_73 = arith.constant 0 : index
    %get3A_74 = arith.constant 0 : index
    %get3A_75 = arith.constant 0 : index
    %get3A_76 = vector.load %arg1[%get3A_73, %get3A_74, %get3A_75] : memref<1x2000x128xf32, #tpu.memory_space<vmem>>, vector<1x2000x128xf32>
    %get3A_77 = vector.shape_cast %get3A_76 : vector<1x2000x128xf32> to vector<2000x128xf32>
    %mul3A_78 = arith.constant 0.899999976 : f32
    %mul3A_79 = vector.broadcast %mul3A_78 : f32 to vector<2000x128xf32>
    %mul3A_80 = arith.mulf %mul3A_79, %get3A_77 : vector<2000x128xf32>
    %get3A_81 = arith.constant 0 : index
    %get3A_82 = arith.constant 0 : index
    %get3A_83 = arith.constant 0 : index
    %get3A_84 = vector.load %arg3[%get3A_81, %get3A_82, %get3A_83] : memref<1x2000x128xf32, #tpu.memory_space<vmem>>, vector<1x2000x128xf32>
    %get3A_85 = vector.shape_cast %get3A_84 : vector<1x2000x128xf32> to vector<2000x128xf32>
    %mul3A_86 = arith.constant 1.000000e-01 : f32
    %mul3A_87 = vector.broadcast %mul3A_86 : f32 to vector<2000x128xf32>
    %mul3A_88 = arith.mulf %mul3A_87, %get3A_85 : vector<2000x128xf32>
    %add3A_89 = arith.addf %mul3A_80, %mul3A_88 : vector<2000x128xf32>
    %mul3A_90 = arith.constant 0.776856422 : f32
    %mul3A_91 = vector.broadcast %mul3A_90 : f32 to vector<2000x128xf32>
    %mul3A_92 = arith.mulf %mul3A_91, %add3A_89 : vector<2000x128xf32>
    %dot_general3A_93 = arith.constant dense<0.000000e+00> : vector<2000x128xf32>
    %dot_general3A_94 = tpu.matmul %add3A_89, %mul3A_34, %dot_general3A_93 {dimension_numbers = #tpu.dot_dimension_numbers<[1], [0], [0], [1], [0, 0, 1, 1], [], []>, transpose_lhs_hint = false} : vector<2000x128xf32>, vector<128x128xf32>, vector<2000x128xf32> -> vector<2000x128xf32>
    %mul3A_95 = arith.constant 0.223143548 : f32
    %mul3A_96 = vector.broadcast %mul3A_95 : f32 to vector<2000x128xf32>
    %mul3A_97 = arith.mulf %mul3A_96, %dot_general3A_94 : vector<2000x128xf32>
    %add3A_98 = arith.addf %mul3A_92, %mul3A_97 : vector<2000x128xf32>
    %get3A_99 = arith.constant 0 : index
    %get3A_100 = arith.constant 0 : index
    %get3A_101 = arith.constant 0 : index
    %get3A_102 = vector.load %arg2[%get3A_99, %get3A_100, %get3A_101] : memref<1x2000x128xf32, #tpu.memory_space<vmem>>, vector<1x2000x128xf32>
    %get3A_103 = vector.shape_cast %get3A_102 : vector<1x2000x128xf32> to vector<2000x128xf32>
    %mul3A_104 = arith.constant 0.899999976 : f32
    %mul3A_105 = vector.broadcast %mul3A_104 : f32 to vector<2000x128xf32>
    %mul3A_106 = arith.mulf %mul3A_105, %get3A_103 : vector<2000x128xf32>
    %get3A_107 = arith.constant 0 : index
    %get3A_108 = arith.constant 0 : index
    %get3A_109 = arith.constant 0 : index
    %get3A_110 = vector.load %arg4[%get3A_107, %get3A_108, %get3A_109] : memref<1x2000x128xf32, #tpu.memory_space<vmem>>, vector<1x2000x128xf32>
    %get3A_111 = vector.shape_cast %get3A_110 : vector<1x2000x128xf32> to vector<2000x128xf32>
    %mul3A_112 = arith.constant 1.000000e-01 : f32
    %mul3A_113 = vector.broadcast %mul3A_112 : f32 to vector<2000x128xf32>
    %mul3A_114 = arith.mulf %mul3A_113, %get3A_111 : vector<2000x128xf32>
    %add3A_115 = arith.addf %mul3A_106, %mul3A_114 : vector<2000x128xf32>
    %mul3A_116 = arith.constant 0.776856422 : f32
    %mul3A_117 = vector.broadcast %mul3A_116 : f32 to vector<2000x128xf32>
    %mul3A_118 = arith.mulf %mul3A_117, %add3A_115 : vector<2000x128xf32>
    %dot_general3A_119 = arith.constant dense<0.000000e+00> : vector<2000x128xf32>
    %dot_general3A_120 = tpu.matmul %add3A_115, %mul3A_72, %dot_general3A_119 {dimension_numbers = #tpu.dot_dimension_numbers<[1], [0], [0], [1], [0, 0, 1, 1], [], []>, transpose_lhs_hint = false} : vector<2000x128xf32>, vector<128x128xf32>, vector<2000x128xf32> -> vector<2000x128xf32>
    %mul3A_121 = arith.constant 0.223143548 : f32
    %mul3A_122 = vector.broadcast %mul3A_121 : f32 to vector<2000x128xf32>
    %mul3A_123 = arith.mulf %mul3A_122, %dot_general3A_120 : vector<2000x128xf32>
    %add3A_124 = arith.addf %mul3A_118, %mul3A_123 : vector<2000x128xf32>
    %swap3A = arith.constant 0 : index
    %swap3A_125 = arith.constant 0 : index
    %swap3A_126 = arith.constant 0 : index
    %swap3A_127 = vector.load %arg11[%swap3A, %swap3A_125, %swap3A_126] : memref<3x2000x128xf32, #tpu.memory_space<vmem>>, vector<1x2000x128xf32>
    %swap3A_128 = vector.shape_cast %swap3A_127 : vector<1x2000x128xf32> to vector<2000x128xf32>
    %swap3A_129 = vector.shape_cast %add3A_98 : vector<2000x128xf32> to vector<1x2000x128xf32>
    tpu.vector_store %arg11[%swap3A, %swap3A_125, %swap3A_126], %swap3A_129 {strides = array<i32>} : memref<3x2000x128xf32, #tpu.memory_space<vmem>>, vector<1x2000x128xf32>,
    %swap3A_130 = arith.constant 1 : index
    %swap3A_131 = arith.constant 0 : index
    %swap3A_132 = arith.constant 0 : index
    %swap3A_133 = vector.load %arg11[%swap3A_130, %swap3A_131, %swap3A_132] : memref<3x2000x128xf32, #tpu.memory_space<vmem>>, vector<1x2000x128xf32>
    %swap3A_134 = vector.shape_cast %swap3A_133 : vector<1x2000x128xf32> to vector<2000x128xf32>
    %swap3A_135 = vector.shape_cast %add3A_124 : vector<2000x128xf32> to vector<1x2000x128xf32>
    tpu.vector_store %arg11[%swap3A_130, %swap3A_131, %swap3A_132], %swap3A_135 {strides = array<i32>} : memref<3x2000x128xf32, #tpu.memory_space<vmem>>, vector<1x2000x128xf32>,
    %broadcast_in_dim3A_136 = arith.constant 0.000000e+00 : f32
    %broadcast_in_dim3A_137 = vector.broadcast %broadcast_in_dim3A_136 : f32 to vector<2000x128xf32>
    %get3A_138 = arith.constant 0 : index
    %get3A_139 = arith.constant 0 : index
    %get3A_140 = vector.load %arg8[%get3A_138, %get3A_139] : memref<128x512xf32, #tpu.memory_space<vmem>>, vector<128x512xf32>
    %dot_general3A_141 = arith.constant dense<0.000000e+00> : vector<2000x512xf32>
    %dot_general3A_142 = tpu.matmul %add3A_98, %get3A_140, %dot_general3A_141 {dimension_numbers = #tpu.dot_dimension_numbers<[1], [0], [0], [1], [0, 0, 1, 1], [], []>, transpose_lhs_hint = false} : vector<2000x128xf32>, vector<128x512xf32>, vector<2000x512xf32> -> vector<2000x512xf32>
    %get3A_143 = arith.constant 0 : index
    %get3A_144 = arith.constant 0 : index
    %get3A_145 = vector.load %arg10[%get3A_143, %get3A_144] : memref<1x512xf32, #tpu.memory_space<vmem>>, vector<1x512xf32>
    %add3A_146 = vector.broadcast %get3A_145 : vector<1x512xf32> to vector<2000x512xf32>
    %add3A_147 = arith.addf %dot_general3A_142, %add3A_146 : vector<2000x512xf32>
    %get3A_148 = arith.constant 0 : index
    %get3A_149 = arith.constant 0 : index
    %get3A_150 = vector.load %arg9[%get3A_148, %get3A_149] : memref<128x512xf32, #tpu.memory_space<vmem>>, vector<128x512xf32>
    %dot_general3A_151 = arith.constant dense<0.000000e+00> : vector<2000x512xf32>
    %dot_general3A_152 = tpu.matmul %broadcast_in_dim3A_137, %get3A_150, %dot_general3A_151 {dimension_numbers = #tpu.dot_dimension_numbers<[1], [0], [0], [1], [0, 0, 1, 1], [], []>, transpose_lhs_hint = false} : vector<2000x128xf32>, vector<128x512xf32>, vector<2000x512xf32> -> vector<2000x512xf32>
    %add3A_153 = arith.addf %add3A_147, %dot_general3A_152 : vector<2000x512xf32>
    %slice3A_154 = vector.extract_strided_slice %add3A_153 {offsets = [0, 0], sizes = [2000, 128], strides = [1, 1]} : vector<2000x512xf32> to vector<2000x128xf32>
    %logistic3A_155 = arith.negf %slice3A_154 : vector<2000x128xf32>
    %logistic3A_156 = math.exp %logistic3A_155 : vector<2000x128xf32>
    %logistic3A_157 = arith.constant 1.000000e+00 : f32
    %logistic3A_158 = vector.broadcast %logistic3A_157 : f32 to vector<2000x128xf32>
    %logistic3A_159 = arith.addf %logistic3A_158, %logistic3A_156 : vector<2000x128xf32>
    %logistic3A_160 = arith.divf %logistic3A_158, %logistic3A_159 : vector<2000x128xf32>
    %slice3A_161 = vector.extract_strided_slice %add3A_153 {offsets = [0, 128], sizes = [2000, 128], strides = [1, 1]} : vector<2000x512xf32> to vector<2000x128xf32>
    %logistic3A_162 = arith.negf %slice3A_161 : vector<2000x128xf32>
    %logistic3A_163 = math.exp %logistic3A_162 : vector<2000x128xf32>
    %logistic3A_164 = arith.constant 1.000000e+00 : f32
    %logistic3A_165 = vector.broadcast %logistic3A_164 : f32 to vector<2000x128xf32>
    %logistic3A_166 = arith.addf %logistic3A_165, %logistic3A_163 : vector<2000x128xf32>
    %logistic3A_167 = arith.divf %logistic3A_165, %logistic3A_166 : vector<2000x128xf32>
    %slice3A_168 = vector.extract_strided_slice %add3A_153 {offsets = [0, 256], sizes = [2000, 128], strides = [1, 1]} : vector<2000x512xf32> to vector<2000x128xf32>
    %tanh3A_169 = math.tanh %slice3A_168 : vector<2000x128xf32>
    %slice3A_170 = vector.extract_strided_slice %add3A_153 {offsets = [0, 384], sizes = [2000, 128], strides = [1, 1]} : vector<2000x512xf32> to vector<2000x128xf32>
    %logistic3A_171 = arith.negf %slice3A_170 : vector<2000x128xf32>
    %logistic3A_172 = math.exp %logistic3A_171 : vector<2000x128xf32>
    %logistic3A_173 = arith.constant 1.000000e+00 : f32
    %logistic3A_174 = vector.broadcast %logistic3A_173 : f32 to vector<2000x128xf32>
    %logistic3A_175 = arith.addf %logistic3A_174, %logistic3A_172 : vector<2000x128xf32>
    %logistic3A_176 = arith.divf %logistic3A_174, %logistic3A_175 : vector<2000x128xf32>
    %mul3A_177 = arith.mulf %logistic3A_167, %broadcast_in_dim3A_137 : vector<2000x128xf32>
    %mul3A_178 = arith.mulf %logistic3A_160, %tanh3A_169 : vector<2000x128xf32>
    %add3A_179 = arith.addf %mul3A_177, %mul3A_178 : vector<2000x128xf32>
    %tanh3A_180 = math.tanh %add3A_179 : vector<2000x128xf32>
    %mul3A_181 = arith.mulf %logistic3A_176, %tanh3A_180 : vector<2000x128xf32>
    %get3A_182 = arith.constant 0 : index
    %get3A_183 = arith.constant 0 : index
    %get3A_184 = vector.load %arg8[%get3A_182, %get3A_183] : memref<128x512xf32, #tpu.memory_space<vmem>>, vector<128x512xf32>
    %dot_general3A_185 = arith.constant dense<0.000000e+00> : vector<2000x512xf32>
    %dot_general3A_186 = tpu.matmul %add3A_124, %get3A_184, %dot_general3A_185 {dimension_numbers = #tpu.dot_dimension_numbers<[1], [0], [0], [1], [0, 0, 1, 1], [], []>, transpose_lhs_hint = false} : vector<2000x128xf32>, vector<128x512xf32>, vector<2000x512xf32> -> vector<2000x512xf32>
    %get3A_187 = arith.constant 0 : index
    %get3A_188 = arith.constant 0 : index
    %get3A_189 = vector.load %arg10[%get3A_187, %get3A_188] : memref<1x512xf32, #tpu.memory_space<vmem>>, vector<1x512xf32>
    %add3A_190 = vector.broadcast %get3A_189 : vector<1x512xf32> to vector<2000x512xf32>
    %add3A_191 = arith.addf %dot_general3A_186, %add3A_190 : vector<2000x512xf32>
    %get3A_192 = arith.constant 0 : index
    %get3A_193 = arith.constant 0 : index
    %get3A_194 = vector.load %arg9[%get3A_192, %get3A_193] : memref<128x512xf32, #tpu.memory_space<vmem>>, vector<128x512xf32>
    %dot_general3A_195 = arith.constant dense<0.000000e+00> : vector<2000x512xf32>
    %dot_general3A_196 = tpu.matmul %mul3A_181, %get3A_194, %dot_general3A_195 {dimension_numbers = #tpu.dot_dimension_numbers<[1], [0], [0], [1], [0, 0, 1, 1], [], []>, transpose_lhs_hint = false} : vector<2000x128xf32>, vector<128x512xf32>, vector<2000x512xf32> -> vector<2000x512xf32>
    %add3A_197 = arith.addf %add3A_191, %dot_general3A_196 : vector<2000x512xf32>
    %slice3A_198 = vector.extract_strided_slice %add3A_197 {offsets = [0, 0], sizes = [2000, 128], strides = [1, 1]} : vector<2000x512xf32> to vector<2000x128xf32>
    %logistic3A_199 = arith.negf %slice3A_198 : vector<2000x128xf32>
    %logistic3A_200 = math.exp %logistic3A_199 : vector<2000x128xf32>
    %logistic3A_201 = arith.constant 1.000000e+00 : f32
    %logistic3A_202 = vector.broadcast %logistic3A_201 : f32 to vector<2000x128xf32>
    %logistic3A_203 = arith.addf %logistic3A_202, %logistic3A_200 : vector<2000x128xf32>
    %logistic3A_204 = arith.divf %logistic3A_202, %logistic3A_203 : vector<2000x128xf32>
    %slice3A_205 = vector.extract_strided_slice %add3A_197 {offsets = [0, 128], sizes = [2000, 128], strides = [1, 1]} : vector<2000x512xf32> to vector<2000x128xf32>
    %logistic3A_206 = arith.negf %slice3A_205 : vector<2000x128xf32>
    %logistic3A_207 = math.exp %logistic3A_206 : vector<2000x128xf32>
    %logistic3A_208 = arith.constant 1.000000e+00 : f32
    %logistic3A_209 = vector.broadcast %logistic3A_208 : f32 to vector<2000x128xf32>
    %logistic3A_210 = arith.addf %logistic3A_209, %logistic3A_207 : vector<2000x128xf32>
    %logistic3A_211 = arith.divf %logistic3A_209, %logistic3A_210 : vector<2000x128xf32>
    %slice3A_212 = vector.extract_strided_slice %add3A_197 {offsets = [0, 256], sizes = [2000, 128], strides = [1, 1]} : vector<2000x512xf32> to vector<2000x128xf32>
    %tanh3A_213 = math.tanh %slice3A_212 : vector<2000x128xf32>
    %slice3A_214 = vector.extract_strided_slice %add3A_197 {offsets = [0, 384], sizes = [2000, 128], strides = [1, 1]} : vector<2000x512xf32> to vector<2000x128xf32>
    %logistic3A_215 = arith.negf %slice3A_214 : vector<2000x128xf32>
    %logistic3A_216 = math.exp %logistic3A_215 : vector<2000x128xf32>
    %logistic3A_217 = arith.constant 1.000000e+00 : f32
    %logistic3A_218 = vector.broadcast %logistic3A_217 : f32 to vector<2000x128xf32>
    %logistic3A_219 = arith.addf %logistic3A_218, %logistic3A_216 : vector<2000x128xf32>
    %logistic3A_220 = arith.divf %logistic3A_218, %logistic3A_219 : vector<2000x128xf32>
    %mul3A_221 = arith.mulf %logistic3A_211, %add3A_179 : vector<2000x128xf32>
    %mul3A_222 = arith.mulf %logistic3A_204, %tanh3A_213 : vector<2000x128xf32>
    %add3A_223 = arith.addf %mul3A_221, %mul3A_222 : vector<2000x128xf32>
    %tanh3A_224 = math.tanh %add3A_223 : vector<2000x128xf32>
    %mul3A_225 = arith.mulf %logistic3A_220, %tanh3A_224 : vector<2000x128xf32>
    %get3A_226 = arith.constant 0 : index
    %get3A_227 = arith.constant 0 : index
    %get3A_228 = vector.load %arg8[%get3A_226, %get3A_227] : memref<128x512xf32, #tpu.memory_space<vmem>>, vector<128x512xf32>
    %dot_general3A_229 = arith.constant dense<0.000000e+00> : vector<2000x512xf32>
    %dot_general3A_230 = tpu.matmul %mul3A_225, %get3A_228, %dot_general3A_229 {dimension_numbers = #tpu.dot_dimension_numbers<[1], [0], [0], [1], [0, 0, 1, 1], [], []>, transpose_lhs_hint = false} : vector<2000x128xf32>, vector<128x512xf32>, vector<2000x512xf32> -> vector<2000x512xf32>
    %get3A_231 = arith.constant 0 : index
    %get3A_232 = arith.constant 0 : index
    %get3A_233 = vector.load %arg10[%get3A_231, %get3A_232] : memref<1x512xf32, #tpu.memory_space<vmem>>, vector<1x512xf32>
    %add3A_234 = vector.broadcast %get3A_233 : vector<1x512xf32> to vector<2000x512xf32>
    %add3A_235 = arith.addf %dot_general3A_230, %add3A_234 : vector<2000x512xf32>
    %get3A_236 = arith.constant 0 : index
    %get3A_237 = arith.constant 0 : index
    %get3A_238 = vector.load %arg9[%get3A_236, %get3A_237] : memref<128x512xf32, #tpu.memory_space<vmem>>, vector<128x512xf32>
    %dot_general3A_239 = arith.constant dense<0.000000e+00> : vector<2000x512xf32>
    %dot_general3A_240 = tpu.matmul %broadcast_in_dim3A_137, %get3A_238, %dot_general3A_239 {dimension_numbers = #tpu.dot_dimension_numbers<[1], [0], [0], [1], [0, 0, 1, 1], [], []>, transpose_lhs_hint = false} : vector<2000x128xf32>, vector<128x512xf32>, vector<2000x512xf32> -> vector<2000x512xf32>
    %add3A_241 = arith.addf %add3A_235, %dot_general3A_240 : vector<2000x512xf32>
    %slice3A_242 = vector.extract_strided_slice %add3A_241 {offsets = [0, 0], sizes = [2000, 128], strides = [1, 1]} : vector<2000x512xf32> to vector<2000x128xf32>
    %logistic3A_243 = arith.negf %slice3A_242 : vector<2000x128xf32>
    %logistic3A_244 = math.exp %logistic3A_243 : vector<2000x128xf32>
    %logistic3A_245 = arith.constant 1.000000e+00 : f32
    %logistic3A_246 = vector.broadcast %logistic3A_245 : f32 to vector<2000x128xf32>
    %logistic3A_247 = arith.addf %logistic3A_246, %logistic3A_244 : vector<2000x128xf32>
    %logistic3A_248 = arith.divf %logistic3A_246, %logistic3A_247 : vector<2000x128xf32>
    %slice3A_249 = vector.extract_strided_slice %add3A_241 {offsets = [0, 128], sizes = [2000, 128], strides = [1, 1]} : vector<2000x512xf32> to vector<2000x128xf32>
    %logistic3A_250 = arith.negf %slice3A_249 : vector<2000x128xf32>
    %logistic3A_251 = math.exp %logistic3A_250 : vector<2000x128xf32>
    %logistic3A_252 = arith.constant 1.000000e+00 : f32
    %logistic3A_253 = vector.broadcast %logistic3A_252 : f32 to vector<2000x128xf32>
    %logistic3A_254 = arith.addf %logistic3A_253, %logistic3A_251 : vector<2000x128xf32>
    %logistic3A_255 = arith.divf %logistic3A_253, %logistic3A_254 : vector<2000x128xf32>
    %slice3A_256 = vector.extract_strided_slice %add3A_241 {offsets = [0, 256], sizes = [2000, 128], strides = [1, 1]} : vector<2000x512xf32> to vector<2000x128xf32>
    %tanh3A_257 = math.tanh %slice3A_256 : vector<2000x128xf32>
    %slice3A_258 = vector.extract_strided_slice %add3A_241 {offsets = [0, 384], sizes = [2000, 128], strides = [1, 1]} : vector<2000x512xf32> to vector<2000x128xf32>
    %logistic3A_259 = arith.negf %slice3A_258 : vector<2000x128xf32>
    %logistic3A_260 = math.exp %logistic3A_259 : vector<2000x128xf32>
    %logistic3A_261 = arith.constant 1.000000e+00 : f32
    %logistic3A_262 = vector.broadcast %logistic3A_261 : f32 to vector<2000x128xf32>
    %logistic3A_263 = arith.addf %logistic3A_262, %logistic3A_260 : vector<2000x128xf32>
    %logistic3A_264 = arith.divf %logistic3A_262, %logistic3A_263 : vector<2000x128xf32>
    %mul3A_265 = arith.mulf %logistic3A_255, %add3A_223 : vector<2000x128xf32>
    %mul3A_266 = arith.mulf %logistic3A_248, %tanh3A_257 : vector<2000x128xf32>
    %add3A_267 = arith.addf %mul3A_265, %mul3A_266 : vector<2000x128xf32>
    %tanh3A_268 = math.tanh %add3A_267 : vector<2000x128xf32>
    %mul3A_269 = arith.mulf %logistic3A_264, %tanh3A_268 : vector<2000x128xf32>
    %swap3A_270 = arith.constant 2 : index
    %swap3A_271 = arith.constant 0 : index
    %swap3A_272 = arith.constant 0 : index
    %swap3A_273 = vector.load %arg11[%swap3A_270, %swap3A_271, %swap3A_272] : memref<3x2000x128xf32, #tpu.memory_space<vmem>>, vector<1x2000x128xf32>
    %swap3A_274 = vector.shape_cast %swap3A_273 : vector<1x2000x128xf32> to vector<2000x128xf32>
    %swap3A_275 = vector.shape_cast %mul3A_269 : vector<2000x128xf32> to vector<1x2000x128xf32>
    tpu.vector_store %arg11[%swap3A_270, %swap3A_271, %swap3A_272], %swap3A_275 {strides = array<i32>} : memref<3x2000x128xf32, #tpu.memory_space<vmem>>, vector<1x2000x128xf32>,
    return
  }
  func.func @transform_0(%arg0: i32) -> (i32, i32, i32) {
    %c0_i32 = arith.constant 0 : i32
    %c0_i32_0 = arith.constant 0 : i32
    %c0_i32_1 = arith.constant 0 : i32
    return %c0_i32, %arg0, %c0_i32_0 : i32, i32, i32
  }
  func.func @transform_1(%arg0: i32) -> (i32, i32, i32) {
    %c1_i32 = arith.constant 1 : i32
    %c0_i32 = arith.constant 0 : i32
    %c0_i32_0 = arith.constant 0 : i32
    return %c1_i32, %arg0, %c0_i32 : i32, i32, i32
  }
  func.func @transform_2(%arg0: i32) -> (i32, i32, i32) {
    %c0_i32 = arith.constant 0 : i32
    %c0_i32_0 = arith.constant 0 : i32
    %c0_i32_1 = arith.constant 0 : i32
    return %c0_i32, %arg0, %c0_i32_0 : i32, i32, i32
  }
  func.func @transform_3(%arg0: i32) -> (i32, i32, i32) {
    %c1_i32 = arith.constant 1 : i32
    %c0_i32 = arith.constant 0 : i32
    %c0_i32_0 = arith.constant 0 : i32
    return %c1_i32, %arg0, %c0_i32 : i32, i32, i32
  }
  func.func @transform_4(%arg0: i32) -> (i32, i32) {
    %c0_i32 = arith.constant 0 : i32
    %c0_i32_0 = arith.constant 0 : i32
    %c0_i32_1 = arith.constant 0 : i32
    return %c0_i32, %c0_i32_0 : i32, i32
  }
  func.func @transform_5(%arg0: i32) -> (i32, i32) {
    %c0_i32 = arith.constant 0 : i32
    %c0_i32_0 = arith.constant 0 : i32
    %c0_i32_1 = arith.constant 0 : i32
    return %c0_i32, %c0_i32_0 : i32, i32
  }
  func.func @transform_6(%arg0: i32) -> (i32, i32) {
    %c0_i32 = arith.constant 0 : i32
    %c0_i32_0 = arith.constant 0 : i32
    %c0_i32_1 = arith.constant 0 : i32
    return %c0_i32, %c0_i32_0 : i32, i32
  }
  func.func @transform_7(%arg0: i32) -> (i32, i32) {
    %c0_i32 = arith.constant 0 : i32
    %c0_i32_0 = arith.constant 0 : i32
    %c0_i32_1 = arith.constant 0 : i32
    return %c0_i32, %c0_i32_0 : i32, i32
  }
  func.func @transform_8(%arg0: i32) -> (i32, i32) {
    %c0_i32 = arith.constant 0 : i32
    %c0_i32_0 = arith.constant 0 : i32
    %c0_i32_1 = arith.constant 0 : i32
    return %c0_i32, %c0_i32_0 : i32, i32
  }
  func.func @transform_9(%arg0: i32) -> (i32, i32) {
    %c0_i32 = arith.constant 0 : i32
    %c0_i32_0 = arith.constant 0 : i32
    %c0_i32_1 = arith.constant 0 : i32
    return %c0_i32, %c0_i32_0 : i32, i32
  }
  func.func @transform_10(%arg0: i32) -> (i32, i32, i32) {
    %c0_i32 = arith.constant 0 : i32
    %c0_i32_0 = arith.constant 0 : i32
    %c0_i32_1 = arith.constant 0 : i32
    return %c0_i32, %arg0, %c0_i32_0 : i32, i32, i32
  }
}

</mosaic_0001>

<sc_bundles>
// kernel: kernel.10.cloned.1.call-start
scs
__scs_entry_jumppad:
0x0: {  	(pc) =	sbr.rel $0x88, $3  }
0x1: {  	(tag) =	ssettag $0x0;
	lr =	simm.s32 $0x1  }
0x2: {  	[smem:$0x3F8F] =	sst lr;
	_ =	strace $0xD0000000  }
0x3: {  	_ = 	snop  }
0x4: {  	_ = 	snop  }
0x5: {  	_ = 	snop  }
0x6: {  	_ = 	snop  }
0x7: {  	_ = 	snop  }
__scs_overlays_trampoline_lowered:
0x8: {  	[smem:$0x3F9E] =	sst s0  }
0x9: {  	[smem:$0x3F9F] =	sst s1  }
0xa: {  	[smem:$0x3FA0] =	sst s2  }
0xb: {  	[smem:$0x3FA1] =	sst s3  }
0xc: {  	[smem:$0x3FA2] =	sst s4  }
0xd: {  	[smem:$0x3FA3] =	sst s5  }
0xe: {  	[smem:$0x3FA4] =	sst s6  }
0xf: {  	[smem:$0x3FA5] =	sst s7  }
0x10: {  	[smem:$0x3FA6] =	sst s8  }
0x11: {  	[smem:$0x3FA7] =	sst s9;
	s0 =	simm.s32 @!p0 $0x0  }
0x12: {  	s1 =	sld [smem:$0x3F8D];
	s0 =	simm.s32 @p0 $0x1  }
0x13: {  	[smem:$0x3FA8] =	sst s0;
	s0 =	simm.s32 @!p1 $0x0  }
0x14: {  	s2 =	sld [smem:$0x3F8C];
	s0 =	simm.s32 @p1 $0x1  }
0x15: {  	[smem:$0x3FA9] =	sst s0;
	s0 =	simm.s32 @!p2 $0x0  }
0x16: {  	s3 =	sld [smem:$0x3FDB];
	s0 =	simm.s32 @p2 $0x1  }
0x17: {  	s4 =	simm.s32 $0x1BF5;
	[smem:$0x3FAB] =	sst s0  }
0x18: {  	s0 =	sld [smem:$0x3F8E];
	_ =	swait.ge [sflag:s4], $0x0  }
0x19: {  	s7 =	sld [smem:$0x3F8F]  }
0x1a: {  	s8 =	sadd.s32 $0xFFFFE003, lr  }
0x1b: {  	s9 =	sadd.s32 $0xFFFFFEF7, lr;
	s5 =	simm.s32 $0xFFFFFFFF;
	p2 =	slt.u32 s8, $0xFFFFF086  }
0x1c: {  	p1 =	slt.u32 s9, $0xF7A;
	s5 =	simm.s32 @!p2 $0x0  }
0x1d: {  	s5 =	simm.s32 @p1 $0x1;
	p0 =	seq.s32 s7, s2  }
0x1e: {  	s7 =	smul.u32 @!p0 $0xF7A, s2;
	p2 =	seq.s32 @!p0 s5, $0x0  }
0x1f: {  	s9 =	smul.u32 $0xF7A, s1;
	s8 =	simm.s32 @!p0 $0x1BF5;
	p2 =	por !p2, p0  }
0x20: {  	[sflag:s8] =	ssyncset.s32 @!p0 $0xFFFFF086;
	s6 =	sadd.s32 @!p0 s3, s7;
	s7 =	simm.s32 @!p0 $0x108  }
0x21: {  	s3 =	sadd.s32 s3, s9;
	s6 =	sadd.s32 @!p0 $0x88, s6;
	s7 =	simm.s32 @p2 $0x1082  }
0x22: {  	[simem:s7], [sflag:s8] =	dma.local @!p0 [hbm:s6], $0xF7A  }
0x23: {  	s9 =	sor.u32 $0xD0000000, s2;
	s6 =	simm.s32 $0x108;
	_ =	swait.ge @!p0 [sflag:s8], $0x0  }
0x24: {  	s3 =	sadd.s32 $0x88, s3;
	s6 =	simm.s32 @!p1 $0x1082;
	[sflag:s4] =	ssyncset.s32 $0xFFFFF086  }
0x25: {  	[simem:s6], [sflag:s4] =	dma.local [hbm:s3], $0xF7A  }
0x26: {  	[smem:$0x3F8F] =	sst s1;
	(tag) =	ssettag s2;
	_ =	strace s9  }
0x27: {  	s1 =	sld [smem:$0x3F9F]  }
0x28: {  	s2 =	sld [smem:$0x3FA0]  }
0x29: {  	s4 =	sld [smem:$0x3FA2]  }
0x2a: {  	p0 =	seq.s32 s5, $0x0;
	s5 =	sld [smem:$0x3FA3]  }
0x2b: {  	s6 =	sld [smem:$0x3FA4]  }
0x2c: {  	s7 =	sld [smem:$0x3FA5]  }
0x2d: {  	s3 =	simm.s32 $0x108;
	s8 =	sld [smem:$0x3FA6]  }
0x2e: {  	s3 =	simm.s32 @!p0 $0x1082;
	s9 =	sld [smem:$0x3FA7]  }
0x2f: {  	lr =	sadd.s32 s0, s3;
	s0 =	sld [smem:$0x3F9E]  }
0x30: {  	s3 =	sld [smem:$0x3FA1]  }
0x31: {  	[smem:$0x3FAA] =	sst s10  }
0x32: {  	s10 =	sld [smem:$0x3FA8];
	_ =	sdelay $0x3  }
0x33: {  	p0 =	seq.s32 s10, $0x1;
	s10 =	sld [smem:$0x3FAA];
	_ =	sdelay $0x3  }
0x34: {  	[smem:$0x3FAA] =	sst s10  }
0x35: {  	s10 =	sld [smem:$0x3FA9];
	_ =	sdelay $0x3  }
0x36: {  	p1 =	seq.s32 s10, $0x1;
	s10 =	sld [smem:$0x3FAA];
	_ =	sdelay $0x3  }
0x37: {  	[smem:$0x3FAA] =	sst s10  }
0x38: {  	s10 =	sld [smem:$0x3FAB]  }
0x39: {  	_ = 	snop;
	(pc) =	sbr.ind lr, $3  }
0x3a: {  	_ = 	snop  }
0x3b: {  	_ = 	snop  }
0x3c: {  	p2 =	seq.s32 s10, $0x1;
	s10 =	sld [smem:$0x3FAA]  }
0x3d: {  	_ =	shalt  }
0x3e: {  	_ =	shalt  }
0x3f: {  	_ =	shalt  }
0x40: {  	_ =	shalt  }
0x41: {  	_ =	shalt  }
0x42: {  	_ =	shalt  }
0x43: {  	_ =	shalt  }
0x44: {  	_ =	shalt  }
0x45: {  	_ =	shalt  }
0x46: {  	_ =	shalt  }
0x47: {  	_ =	shalt  }
0x48: {  	_ =	shalt  }
0x49: {  	_ =	shalt  }
0x4a: {  	_ =	shalt  }
0x4b: {  	_ =	shalt  }
0x4c: {  	_ =	shalt  }
0x4d: {  	_ =	shalt  }
0x4e: {  	_ =	shalt  }
0x4f: {  	_ =	shalt  }
0x50: {  	_ =	shalt  }
0x51: {  	_ =	shalt  }
0x52: {  	_ =	shalt  }
0x53: {  	_ =	shalt  }
0x54: {  	_ =	shalt  }
0x55: {  	_ =	shalt  }
0x56: {  	_ =	shalt  }
0x57: {  	_ =	shalt  }
0x58: {  	_ =	shalt  }
0x59: {  	_ =	shalt  }
0x5a: {  	_ =	shalt  }
0x5b: {  	_ =	shalt  }
0x5c: {  	_ =	shalt  }
0x5d: {  	_ =	shalt  }
0x5e: {  	_ =	shalt  }
0x5f: {  	_ =	shalt  }
0x60: {  	_ =	shalt  }
0x61: {  	_ =	shalt  }
0x62: {  	_ =	shalt  }
0x63: {  	_ =	shalt  }
0x64: {  	_ =	shalt  }
0x65: {  	_ =	shalt  }
0x66: {  	_ =	shalt  }
0x67: {  	_ =	shalt  }
0x68: {  	_ =	shalt  }
0x69: {  	_ =	shalt  }
0x6a: {  	_ =	shalt  }
0x6b: {  	_ =	shalt  }
0x6c: {  	_ =	shalt  }
0x6d: {  	_ =	shalt  }
0x6e: {  	_ =	shalt  }
0x6f: {  	_ =	shalt  }
0x70: {  	_ =	shalt  }
0x71: {  	_ =	shalt  }
0x72: {  	_ =	shalt  }
0x73: {  	_ =	shalt  }
0x74: {  	_ =	shalt  }
0x75: {  	_ =	shalt  }
0x76: {  	_ =	shalt  }
0x77: {  	_ =	shalt  }
0x78: {  	_ =	shalt  }
0x79: {  	_ =	shalt  }
0x7a: {  	_ =	shalt  }
0x7b: {  	_ =	shalt  }
0x7c: {  	_ =	shalt  }
0x7d: {  	_ =	shalt  }
0x7e: {  	_ =	shalt  }
0x7f: {  	_ =	shalt  }
0x80: {  	_ =	shalt  }
0x81: {  	_ =	shalt  }
0x82: {  	_ =	shalt  }
0x83: {  	_ =	shalt  }
0x84: {  	_ =	shalt  }
0x85: {  	_ =	shalt  }
0x86: {  	_ =	shalt  }
0x87: {  	_ =	shalt  }
.Lfunc_end0:
.L_simem_size_0:
called_computation_lowered:
.L_overlay_start_0:
0x88: {  	s2 =	sld [smem:$0x3FD9]  }
0x89: {  	s3 =	sld [smem:$0x3FFE];
	_ =	sdelay $0x1  }
0x8a: {  	s1 =	srdreg.scid  }
0x8b: {  	s0 =	sand.u32 $0x1, s1  }
0x8c: {  	s17 =	sshll.u32 s0, $0xA;
	s2 =	sadd.s32 s3, s2  }
0x8d: {  	s2 =	sadd.s32 s2, s17  }
0x8e: {  	[smem:$0x3FB6] =	sst s2  }
0x8f: {  	_ = 	snop  }
0x90: {  	s2 =	sld [smem:$0x3FD0];
	(tm) =	ssettm $0x1  }
0x91: {  	s18 =	sld [smem:$0x3FFB];
	_ =	sdelay $0x3  }
0x92: {  	_ =	strace s18  }
0x93: {  	s3 =	sld [smem:$0x3FFC];
	_ =	sdelay $0x3  }
0x94: {  	_ =	strace s3  }
0x95: {  	s3 =	sld [smem:$0x3FFD];
	_ =	sdelay $0x3  }
0x96: {  	_ =	strace s3  }
0x97: {  	_ =	strace $0x8FFFFFFF  }
0x98: {  	s19 =	sld [smem:$0x3FDB];
	_ =	sdelay $0x1  }
0x99: {  	s4 =	simm.s32 $_scs_section_size  }
0x9a: {  	s5 =	simm.s32 $_size__tile_overlayer_lowered;
	s6 =	simm.s32 $_tile_overlayer_lowered  }
0x9b: {  	s22 =	simm.s32 $0x1BFF;
	s21 =	sshll.u32 s6, $0x1;
	s3 =	sadd.s32 s4, s19  }
0x9c: {  	s7 =	simm.s32 $0x0;
	s20 =	sshll.u32 s5, $0x1;
	s5 =	sadd.s32 s21, s3  }
0x9d: {  	[timem:s7], [sflag:s22] =	dma.local [hbm:s5], s20  }
0x9e: {  	_ =	swait.ge [sflag:s22], s20  }
0x9f: {  	s4 =	ssub.s32 $0x0, s20;
	[sflag:s22] =	ssyncset.done $0x0  }
0xa0: {  	[sflag:s22] =	ssyncadd.s32 s4;
	_ =	sdelay $0x1  }
0xa1: {  	s23 =	simm.s32 $0x1B8B  }
0xa2: {  	_ =	swait.ge [sflag:s23], $0x1  }
0xa3: {  	[sflag:s23] =	ssyncset.done $0x0  }
0xa4: {  	s25 =	simm.s32 $0x1B8E;
	s24 =	sld [smem:$0x3FFE];
	[sflag:s23] =	ssyncadd.s32 $0xFFFFFFFF  }
0xa5: {  	s26 =	simm.s32 $execute0_lowered;
	[smem:$0x3FD2] =	sst s25  }
0xa6: {  	s5 =	sshll.u32 s26, $0x1;
	_ =	strace $0x80000046;
	[dreg:$0x1] =	wrdreg $0xFFFFFFFF  }
0xa7: {  	s28 =	simm.s32 $_size_execute0_lowered;
	s3 =	sadd.s32 s3, s5;
	[dreg:$0x0] =	wrdreg $0x0  }
0xa8: {  	s5 =	sshll.u32 s28, $0x1;
	[dreg:$0x2] =	wrdreg s3  }
0xa9: {  	[dreg:$0x3] =	wrdreg s5  }
0xaa: {  	[dreg:$0x4] =	wrdreg $0xC0  }
0xab: {  	_ =	task [dreg:s7], $0x5FFFF  }
0xac: {  	[dreg:$0x1] =	wrdreg $0xFFFFFFFF  }
0xad: {  	[dreg:$0x0] =	wrdreg $0x60  }
0xae: {  	[dreg:$0x2] =	wrdreg s24  }
0xaf: {  	[dreg:$0x3] =	wrdreg s2  }
0xb0: {  	[dreg:$0x4] =	wrdreg $0x50800  }
0xb1: {  	[dreg:$0x5] =	wrdreg $0x9  }
0xb2: {  	_ =	task.clear_ibuf [dreg:s7], $0x6FFFF;
	_ =	strace $0x90000046  }
0xb3: {  	s29 =	simm.s32 $0x9;
	_ =	strace $0x80000048  }
0xb4: {  	_ =	swait.ge [sflag:s29], $0x1  }
0xb5: {  	[sflag:s29] =	ssyncadd.s32 $0xFFFFFFFF  }
0xb6: {  	_ =	strace $0x90000048  }
0xb7: {  	_ =	sfence  }
0xb8: {  	s30 =	sld [smem:$0x0];
	_ =	sdelay $0x2  }
0xb9: {  	s31 =	sshll.u32 s1, $0xD;
	s1 =	sshrl.u32 s1, $0x2  }
0xba: {  	s3 =	sand.u32 $0x4000, s31;
	s1 =	sadd.s32 s1, s30  }
0xbb: {  	s0 =	sor.u32 s3, s0;
	s1 =	sshll.u32 s1, $0x11  }
0xbc: {  	s0 =	sor.u32 s1, s0  }
0xbd: {  	s0 =	sadd.s32 $0x8F2B, s0  }
0xbe: {  	[sflag:s0] =	ssyncadd.remote.s32 $0x1  }
0xbf: {  	_ =	sfence.sel $0xFFFF  }
0xc0: {  	[dreg:$0x0] =	wrdreg $0xFFFFFFFF;
	(pc) =	sbr.abs _section_cstart, $3  }
0xc1: {  	[dreg:$0x1] =	wrdreg $0xFFFFFFFF  }
0xc2: {  	_ =	task.clear_ibuf [dreg:s7], $0x2FFFF;
	_ =	strace $0x9FFFFFFF  }
0xc3: {  	(tm) =	ssettm $0x7FFFFFFF  }
tec
execute0_lowered:
.L_overlay_start_1:
0x0: {  	(tag) =	ssettag $0x1  }
0x1: {  	s4 =	rddreg [dreg:$0x0]  }
0x2: {  	s0 =	rddreg [dreg:$0x1];
	s1 =	srdreg.scid  }
0x3: {  	s2 =	rddreg [dreg:$0x2];
	s7 =	stileid.u32  }
0x4: {  	s3 =	simm.s32 $0x0;
	s10 =	simm.s32 $0x5000;
	s11 =	simm.s32 $0x1  }
0x5: {  	s5 =	sand.u32 $0x1, s1;
	s1 =	rddreg [dreg:$0x3];
	s8 =	smul.u32 $0xA00, s7  }
0x6: {  	s12 =	simm.s32 $0x0;
	[smem:$0x7FF] =	sst s3;
	s6 =	smul.u32 $0xA000, s5  }
0x7: {  	p0 =	sne.s32 s7, $0x0;
	s31 =	smul.u32 $0x500, s5;
	s5 =	ssub.s32 $0x2, s5  }
0x8: {  	_ =	strace $0x80000047;
	s7 =	sshrl.u32 @!p0 s2, $0x3;
	s9 =	sshrl.u32 s5, $0x1  }
0x9: {  	s6 =	sadd.s32 s8, s6;
	s8 =	sadd.s32 s31, s4;
	s9 =	ssub.s32 s5, s9  }
0xa: {  	s6 =	sadd.s32 s6, s4;
	s5 =	sadd.s32 $0x2C400, s8;
	s8 =	simm.s32 $0x2  }
0xb: {  	v0 =	vimm.f32 $1.000000000e+00;
	s4 =	sadd.s32 $0x4400, s6;
	s6 =	smax.u32 s9, $0x1;
	s9 =	simm.s32 $0x80  }
.LBB2_1:
0xc: {  	[tilespmem:$0x5000] =	vst v0  }
0xd: {  	[tilespmem:$0x5010] =	vst v0  }
0xe: {  	[tilespmem:$0x5020] =	vst v0  }
0xf: {  	[tilespmem:$0x5030] =	vst v0  }
0x10: {  	[tilespmem:$0x5040] =	vst v0  }
0x11: {  	[tilespmem:$0x5050] =	vst v0  }
0x12: {  	[tilespmem:$0x5060] =	vst v0  }
0x13: {  	[tilespmem:$0x5070] =	vst v0;
	s13 =	simm.s32 @!p0 $0x1C02  }
0x14: {  	[spmem:s7], [sflag:s13] =	dma.local @!p0 [hbm:s0], $0x500  }
0x15: {  	s13 =	simm.s32 @!p0 $0x2  }
0x16: {  	_ =	swait.ge @!p0 [sflag:s13], $0x500  }
0x17: {  	[sflag:s13] =	ssyncset.done @!p0 $0x0  }
0x18: {  	[sflag:s13] =	ssyncadd.s32 @!p0 $0xFFFFFB00  }
0x19: {  	[tilespmem:s3], [sflag:$0x2] =	stream.linear.gather [hbm4b:s4+s3], $0x5000, $0x38;
	[tilespmem:$0x5300] =	vst v63  }
0x1a: {  	_ =	swait.ge [sflag:s8], $0x5000  }
0x1b: {  	[sflag:s8] =	ssyncset.done $0x0  }
0x1c: {  	[sflag:s8] =	ssyncadd.s32 $0xFFFFB000  }
0x1d: {  	s23 =	simm.s32 $0x0;
	[bflag:$0x0] =	sbarrier.arrive $0xFFFF  }
0x1e: {  	[spmem:s2] =	stream.indirect.scatter.add.f32 [tilespmem:s10], [sflag:$0x1], $0x1, s23, s9, $0xb8;
	[tilespmem:$0x5300] =	vst v63  }
0x1f: {  	s24 =	simm.s32 $0x80  }
0x20: {  	[spmem:s2] =	stream.indirect.scatter.add.f32 [tilespmem:s10], [sflag:$0x1], $0x1, s24, s9, $0xb8;
	[tilespmem:$0x5300] =	vst v63  }
0x21: {  	s25 =	simm.s32 $0x100  }
0x22: {  	[spmem:s2] =	stream.indirect.scatter.add.f32 [tilespmem:s10], [sflag:$0x1], $0x1, s25, s9, $0xb8;
	[tilespmem:$0x5300] =	vst v63  }
0x23: {  	s26 =	simm.s32 $0x180  }
0x24: {  	[spmem:s2] =	stream.indirect.scatter.add.f32 [tilespmem:s10], [sflag:$0x1], $0x1, s26, s9, $0xb8;
	[tilespmem:$0x5300] =	vst v63  }
0x25: {  	s28 =	simm.s32 $0x200  }
0x26: {  	[spmem:s2] =	stream.indirect.scatter.add.f32 [tilespmem:s10], [sflag:$0x1], $0x1, s28, s9, $0xb8;
	[tilespmem:$0x5300] =	vst v63  }
0x27: {  	s29 =	simm.s32 $0x280  }
0x28: {  	[spmem:s2] =	stream.indirect.scatter.add.f32 [tilespmem:s10], [sflag:$0x1], $0x1, s29, s9, $0xb8;
	[tilespmem:$0x5300] =	vst v63  }
0x29: {  	s30 =	simm.s32 $0x300  }
0x2a: {  	[spmem:s2] =	stream.indirect.scatter.add.f32 [tilespmem:s10], [sflag:$0x1], $0x1, s30, s9, $0xb8;
	[tilespmem:$0x5300] =	vst v63  }
0x2b: {  	s31 =	simm.s32 $0x380  }
0x2c: {  	[spmem:s2] =	stream.indirect.scatter.add.f32 [tilespmem:s10], [sflag:$0x1], $0x1, s31, s9, $0xb8;
	[tilespmem:$0x5300] =	vst v63  }
0x2d: {  	_ =	swait.ge [sflag:s11], $0x80  }
0x2e: {  	[sflag:s11] =	ssyncset.done $0x0  }
0x2f: {  	[sflag:s11] =	ssyncadd.s32 $0xFFFFFF80  }
0x30: {  	_ =	swait.ge [sflag:s11], $0x80  }
0x31: {  	[sflag:s11] =	ssyncset.done $0x0  }
0x32: {  	[sflag:s11] =	ssyncadd.s32 $0xFFFFFF80  }
0x33: {  	_ =	swait.ge [sflag:s11], $0x80  }
0x34: {  	[sflag:s11] =	ssyncset.done $0x0  }
0x35: {  	[sflag:s11] =	ssyncadd.s32 $0xFFFFFF80  }
0x36: {  	_ =	swait.ge [sflag:s11], $0x80  }
0x37: {  	[sflag:s11] =	ssyncset.done $0x0  }
0x38: {  	[sflag:s11] =	ssyncadd.s32 $0xFFFFFF80  }
0x39: {  	_ =	swait.ge [sflag:s11], $0x80  }
0x3a: {  	[sflag:s11] =	ssyncset.done $0x0  }
0x3b: {  	[sflag:s11] =	ssyncadd.s32 $0xFFFFFF80  }
0x3c: {  	_ =	swait.ge [sflag:s11], $0x80  }
0x3d: {  	[sflag:s11] =	ssyncset.done $0x0  }
0x3e: {  	[sflag:s11] =	ssyncadd.s32 $0xFFFFFF80  }
0x3f: {  	_ =	swait.ge [sflag:s11], $0x80  }
0x40: {  	[sflag:s11] =	ssyncset.done $0x0  }
0x41: {  	[sflag:s11] =	ssyncadd.s32 $0xFFFFFF80  }
0x42: {  	_ =	swait.ge [sflag:s11], $0x80  }
0x43: {  	s15 =	simm.s32 $0x2000;
	s13 =	simm.s32 $0x1000;
	[sflag:s11] =	ssyncset.done $0x0  }
.LBB2_2:
0x44: {  	s16 =	sshra.s32 s13, $0x2  }
0x45: {  	[sflag:s11] =	ssyncadd.s32 $0xFFFFFF80;
	s13 =	smov.u32 s15;
	s14 =	sadd.s32 $0x1000, s15  }
0x46: {  	[spmem:s2] =	stream.indirect.scatter.add.f32 [tilespmem:s10], [sflag:$0x1], $0x1, s16, s9, $0xb8;
	[tilespmem:$0x5300] =	vst v63  }
0x47: {  	p1 =	sne.s32 s15, $0x13000;
	s15 =	sadd.s32 $0x80, s16  }
0x48: {  	[spmem:s2] =	stream.indirect.scatter.add.f32 [tilespmem:s10], [sflag:$0x1], $0x1, s15, s9, $0xb8;
	[tilespmem:$0x5300] =	vst v63  }
0x49: {  	s15 =	sadd.s32 $0x100, s16  }
0x4a: {  	[spmem:s2] =	stream.indirect.scatter.add.f32 [tilespmem:s10], [sflag:$0x1], $0x1, s15, s9, $0xb8;
	[tilespmem:$0x5300] =	vst v63  }
0x4b: {  	s15 =	sadd.s32 $0x180, s16  }
0x4c: {  	[spmem:s2] =	stream.indirect.scatter.add.f32 [tilespmem:s10], [sflag:$0x1], $0x1, s15, s9, $0xb8;
	[tilespmem:$0x5300] =	vst v63  }
0x4d: {  	s15 =	sadd.s32 $0x200, s16  }
0x4e: {  	[spmem:s2] =	stream.indirect.scatter.add.f32 [tilespmem:s10], [sflag:$0x1], $0x1, s15, s9, $0xb8;
	[tilespmem:$0x5300] =	vst v63  }
0x4f: {  	s15 =	sadd.s32 $0x280, s16  }
0x50: {  	[spmem:s2] =	stream.indirect.scatter.add.f32 [tilespmem:s10], [sflag:$0x1], $0x1, s15, s9, $0xb8;
	[tilespmem:$0x5300] =	vst v63  }
0x51: {  	s15 =	sadd.s32 $0x300, s16  }
0x52: {  	[spmem:s2] =	stream.indirect.scatter.add.f32 [tilespmem:s10], [sflag:$0x1], $0x1, s15, s9, $0xb8;
	[tilespmem:$0x5300] =	vst v63  }
0x53: {  	s15 =	sadd.s32 $0x380, s16  }
0x54: {  	[spmem:s2] =	stream.indirect.scatter.add.f32 [tilespmem:s10], [sflag:$0x1], $0x1, s15, s9, $0xb8;
	[tilespmem:$0x5300] =	vst v63  }
0x55: {  	_ =	swait.ge [sflag:s11], $0x80  }
0x56: {  	[sflag:s11] =	ssyncset.done $0x0  }
0x57: {  	[sflag:s11] =	ssyncadd.s32 $0xFFFFFF80  }
0x58: {  	_ =	swait.ge [sflag:s11], $0x80  }
0x59: {  	[sflag:s11] =	ssyncset.done $0x0  }
0x5a: {  	[sflag:s11] =	ssyncadd.s32 $0xFFFFFF80  }
0x5b: {  	_ =	swait.ge [sflag:s11], $0x80  }
0x5c: {  	[sflag:s11] =	ssyncset.done $0x0  }
0x5d: {  	[sflag:s11] =	ssyncadd.s32 $0xFFFFFF80  }
0x5e: {  	_ =	swait.ge [sflag:s11], $0x80  }
0x5f: {  	[sflag:s11] =	ssyncset.done $0x0  }
0x60: {  	[sflag:s11] =	ssyncadd.s32 $0xFFFFFF80  }
0x61: {  	_ =	swait.ge [sflag:s11], $0x80  }
0x62: {  	[sflag:s11] =	ssyncset.done $0x0  }
0x63: {  	[sflag:s11] =	ssyncadd.s32 $0xFFFFFF80  }
0x64: {  	_ =	swait.ge [sflag:s11], $0x80  }
0x65: {  	[sflag:s11] =	ssyncset.done $0x0  }
0x66: {  	[sflag:s11] =	ssyncadd.s32 $0xFFFFFF80  }
.Ltmp0:
0x67: {  	_ =	swait.ge [sflag:s11], $0x80;
	(pc) =	sbr.rel @p1 .LBB2_2-.Ltmp0, $4  }
0x68: {  	[sflag:s11] =	ssyncset.done $0x0  }
0x69: {  	[sflag:s11] =	ssyncadd.s32 $0xFFFFFF80  }
0x6a: {  	_ =	swait.ge [sflag:s11], $0x80  }
0x6b: {  	s15 =	smov.u32 s14;
	[sflag:s11] =	ssyncset.done $0x0  }
0x6c: {  	s13 =	sshra.s32 s13, $0x2;
	[sflag:s11] =	ssyncadd.s32 $0xFFFFFF80  }
0x6d: {  	[spmem:s2] =	stream.indirect.scatter.add.f32 [tilespmem:s10], [sflag:$0x1], $0x1, s13, s9, $0xb8;
	[tilespmem:$0x5300] =	vst v63  }
0x6e: {  	s14 =	sadd.s32 $0x80, s13  }
0x6f: {  	[spmem:s2] =	stream.indirect.scatter.add.f32 [tilespmem:s10], [sflag:$0x1], $0x1, s14, s9, $0xb8;
	[tilespmem:$0x5300] =	vst v63  }
0x70: {  	s26 =	sadd.s32 $0x100, s13  }
0x71: {  	[spmem:s2] =	stream.indirect.scatter.add.f32 [tilespmem:s10], [sflag:$0x1], $0x1, s26, s9, $0xb8;
	[tilespmem:$0x5300] =	vst v63  }
0x72: {  	s28 =	sadd.s32 $0x180, s13  }
0x73: {  	[spmem:s2] =	stream.indirect.scatter.add.f32 [tilespmem:s10], [sflag:$0x1], $0x1, s28, s9, $0xb8;
	[tilespmem:$0x5300] =	vst v63  }
0x74: {  	s29 =	sadd.s32 $0x200, s13  }
0x75: {  	[spmem:s2] =	stream.indirect.scatter.add.f32 [tilespmem:s10], [sflag:$0x1], $0x1, s29, s9, $0xb8;
	[tilespmem:$0x5300] =	vst v63  }
0x76: {  	s30 =	sadd.s32 $0x280, s13  }
0x77: {  	[spmem:s2] =	stream.indirect.scatter.add.f32 [tilespmem:s10], [sflag:$0x1], $0x1, s30, s9, $0xb8;
	[tilespmem:$0x5300] =	vst v63  }
0x78: {  	s31 =	sadd.s32 $0x300, s13  }
0x79: {  	[spmem:s2] =	stream.indirect.scatter.add.f32 [tilespmem:s10], [sflag:$0x1], $0x1, s31, s9, $0xb8;
	[tilespmem:$0x5300] =	vst v63  }
0x7a: {  	s13 =	sadd.s32 $0x380, s13  }
0x7b: {  	[spmem:s2] =	stream.indirect.scatter.add.f32 [tilespmem:s10], [sflag:$0x1], $0x1, s13, s9, $0xb8;
	[tilespmem:$0x5300] =	vst v63  }
0x7c: {  	_ =	swait.ge [sflag:s11], $0x80  }
0x7d: {  	[sflag:s11] =	ssyncset.done $0x0  }
0x7e: {  	[sflag:s11] =	ssyncadd.s32 $0xFFFFFF80  }
0x7f: {  	_ =	swait.ge [sflag:s11], $0x80  }
0x80: {  	[sflag:s11] =	ssyncset.done $0x0  }
0x81: {  	[sflag:s11] =	ssyncadd.s32 $0xFFFFFF80  }
0x82: {  	_ =	swait.ge [sflag:s11], $0x80  }
0x83: {  	[sflag:s11] =	ssyncset.done $0x0  }
0x84: {  	[sflag:s11] =	ssyncadd.s32 $0xFFFFFF80  }
0x85: {  	_ =	swait.ge [sflag:s11], $0x80  }
0x86: {  	[sflag:s11] =	ssyncset.done $0x0  }
0x87: {  	[sflag:s11] =	ssyncadd.s32 $0xFFFFFF80  }
0x88: {  	_ =	swait.ge [sflag:s11], $0x80  }
0x89: {  	[sflag:s11] =	ssyncset.done $0x0  }
0x8a: {  	[sflag:s11] =	ssyncadd.s32 $0xFFFFFF80  }
0x8b: {  	_ =	swait.ge [sflag:s11], $0x80  }
0x8c: {  	[sflag:s11] =	ssyncset.done $0x0  }
0x8d: {  	[sflag:s11] =	ssyncadd.s32 $0xFFFFFF80  }
0x8e: {  	_ =	swait.ge [sflag:s11], $0x80  }
0x8f: {  	[sflag:s11] =	ssyncset.done $0x0  }
0x90: {  	[sflag:s11] =	ssyncadd.s32 $0xFFFFFF80  }
0x91: {  	_ =	swait.ge [sflag:s11], $0x80  }
0x92: {  	[sflag:s11] =	ssyncset.done $0x0  }
0x93: {  	s12 =	sadd.s32 $0x1, s12;
	[sflag:s11] =	ssyncadd.s32 $0xFFFFFF80  }
0x94: {  	p1 =	sne.s32 s12, s6;
	s13 =	simm.s32 @!p0 $0x1C02;
	[bflag:$0x0] =	sbarrier.arrive $0xFFFF  }
0x95: {  	[hbm:s5], [sflag:s13] =	dma.local @!p0 [spmem:s7], $0x500  }
.Ltmp1:
0x96: {  	_ = 	snop;
	(pc) =	sbr.rel @p1 .LBB2_1-.Ltmp1, $4  }
0x97: {  	s13 =	simm.s32 @!p0 $0x2  }
0x98: {  	_ =	swait.ge @!p0 [sflag:s13], $0x500  }
0x99: {  	[sflag:s13] =	ssyncset.done @!p0 $0x0  }
0x9a: {  	[sflag:s13] =	ssyncadd.s32 @!p0 $0xFFFFFB00  }
0x9b: {  	_ =	sfence.sel $0x180000  }
0x9c: {  	[bflag:$0x0] =	sbarrier.arrive $0xFFFF  }
0x9d: {  	_ =	strace $0x90000047  }
0x9e: {  	s0 =	sadd.s32 @!p0 $0x100000, s1;
	[bflag:$0x2] =	sbarrier.arrive $0xFFFF  }
0x9f: {  	[sflag:s0] =	ssyncadd.tile.s32 @!p0 $0x1;
	_ =	shalt  }
.Lfunc_end2:
_tile_overlayer_lowered:
.L_overlay_start_2:
0xa0: {  	(tag) =	ssettag $0x2  }
0xa1: {  	s0 =	rddreg [dreg:$0x0];
	s2 =	stileid.u32  }
0xa2: {  	s1 =	rddreg [dreg:$0x1];
	p0 =	sne.s32 s2, $0x0  }
0xa3: {  	s3 =	rddreg [dreg:$0x2];
	[bflag:$0x3] =	sbarrier.arrive $0xFFFF;
	s2 =	simm.s32 @!p0 $0x1C02  }
0xa4: {  	[timem:s3], [sflag:s2] =	dma.local @!p0 [hbm:s0], s1  }
0xa5: {  	s0 =	simm.s32 @!p0 $0x2  }
0xa6: {  	_ =	swait.ge @!p0 [sflag:s0], s1  }
0xa7: {  	s1 =	ssub.s32 @!p0 $0x0, s1;
	[sflag:s0] =	ssyncset.done @!p0 $0x0  }
0xa8: {  	[sflag:s0] =	ssyncadd.s32 @!p0 s1  }
0xa9: {  	[bflag:$0x3] =	sbarrier.arrive $0xFFFF  }
0xaa: {  	_ =	shalt  }

// kernel: kernel.13.cloned.1.call-start
scs
__scs_entry_jumppad:
0x0: {  	(pc) =	sbr.rel $0x88, $3  }
0x1: {  	(tag) =	ssettag $0x0;
	lr =	simm.s32 $0x1  }
0x2: {  	[smem:$0x3F8F] =	sst lr;
	_ =	strace $0xD0000000  }
0x3: {  	_ = 	snop  }
0x4: {  	_ = 	snop  }
0x5: {  	_ = 	snop  }
0x6: {  	_ = 	snop  }
0x7: {  	_ = 	snop  }
__scs_overlays_trampoline_lowered:
0x8: {  	[smem:$0x3F9E] =	sst s0  }
0x9: {  	[smem:$0x3F9F] =	sst s1  }
0xa: {  	[smem:$0x3FA0] =	sst s2  }
0xb: {  	[smem:$0x3FA1] =	sst s3  }
0xc: {  	[smem:$0x3FA2] =	sst s4  }
0xd: {  	[smem:$0x3FA3] =	sst s5  }
0xe: {  	[smem:$0x3FA4] =	sst s6  }
0xf: {  	[smem:$0x3FA5] =	sst s7  }
0x10: {  	[smem:$0x3FA6] =	sst s8  }
0x11: {  	[smem:$0x3FA7] =	sst s9;
	s0 =	simm.s32 @!p0 $0x0  }
0x12: {  	s1 =	sld [smem:$0x3F8D];
	s0 =	simm.s32 @p0 $0x1  }
0x13: {  	[smem:$0x3FA8] =	sst s0;
	s0 =	simm.s32 @!p1 $0x0  }
0x14: {  	s2 =	sld [smem:$0x3F8C];
	s0 =	simm.s32 @p1 $0x1  }
0x15: {  	[smem:$0x3FA9] =	sst s0;
	s0 =	simm.s32 @!p2 $0x0  }
0x16: {  	s3 =	sld [smem:$0x3FDB];
	s0 =	simm.s32 @p2 $0x1  }
0x17: {  	s4 =	simm.s32 $0x1BF5;
	[smem:$0x3FAB] =	sst s0  }
0x18: {  	s0 =	sld [smem:$0x3F8E];
	_ =	swait.ge [sflag:s4], $0x0  }
0x19: {  	s7 =	sld [smem:$0x3F8F]  }
0x1a: {  	s8 =	sadd.s32 $0xFFFFE003, lr  }
0x1b: {  	s9 =	sadd.s32 $0xFFFFFEF7, lr;
	s5 =	simm.s32 $0xFFFFFFFF;
	p2 =	slt.u32 s8, $0xFFFFF086  }
0x1c: {  	p1 =	slt.u32 s9, $0xF7A;
	s5 =	simm.s32 @!p2 $0x0  }
0x1d: {  	s5 =	simm.s32 @p1 $0x1;
	p0 =	seq.s32 s7, s2  }
0x1e: {  	s7 =	smul.u32 @!p0 $0xF7A, s2;
	p2 =	seq.s32 @!p0 s5, $0x0  }
0x1f: {  	s9 =	smul.u32 $0xF7A, s1;
	s8 =	simm.s32 @!p0 $0x1BF5;
	p2 =	por !p2, p0  }
0x20: {  	[sflag:s8] =	ssyncset.s32 @!p0 $0xFFFFF086;
	s6 =	sadd.s32 @!p0 s3, s7;
	s7 =	simm.s32 @!p0 $0x108  }
0x21: {  	s3 =	sadd.s32 s3, s9;
	s6 =	sadd.s32 @!p0 $0x88, s6;
	s7 =	simm.s32 @p2 $0x1082  }
0x22: {  	[simem:s7], [sflag:s8] =	dma.local @!p0 [hbm:s6], $0xF7A  }
0x23: {  	s9 =	sor.u32 $0xD0000000, s2;
	s6 =	simm.s32 $0x108;
	_ =	swait.ge @!p0 [sflag:s8], $0x0  }
0x24: {  	s3 =	sadd.s32 $0x88, s3;
	s6 =	simm.s32 @!p1 $0x1082;
	[sflag:s4] =	ssyncset.s32 $0xFFFFF086  }
0x25: {  	[simem:s6], [sflag:s4] =	dma.local [hbm:s3], $0xF7A  }
0x26: {  	[smem:$0x3F8F] =	sst s1;
	(tag) =	ssettag s2;
	_ =	strace s9  }
0x27: {  	s1 =	sld [smem:$0x3F9F]  }
0x28: {  	s2 =	sld [smem:$0x3FA0]  }
0x29: {  	s4 =	sld [smem:$0x3FA2]  }
0x2a: {  	p0 =	seq.s32 s5, $0x0;
	s5 =	sld [smem:$0x3FA3]  }
0x2b: {  	s6 =	sld [smem:$0x3FA4]  }
0x2c: {  	s7 =	sld [smem:$0x3FA5]  }
0x2d: {  	s3 =	simm.s32 $0x108;
	s8 =	sld [smem:$0x3FA6]  }
0x2e: {  	s3 =	simm.s32 @!p0 $0x1082;
	s9 =	sld [smem:$0x3FA7]  }
0x2f: {  	lr =	sadd.s32 s0, s3;
	s0 =	sld [smem:$0x3F9E]  }
0x30: {  	s3 =	sld [smem:$0x3FA1]  }
0x31: {  	[smem:$0x3FAA] =	sst s10  }
0x32: {  	s10 =	sld [smem:$0x3FA8];
	_ =	sdelay $0x3  }
0x33: {  	p0 =	seq.s32 s10, $0x1;
	s10 =	sld [smem:$0x3FAA];
	_ =	sdelay $0x3  }
0x34: {  	[smem:$0x3FAA] =	sst s10  }
0x35: {  	s10 =	sld [smem:$0x3FA9];
	_ =	sdelay $0x3  }
0x36: {  	p1 =	seq.s32 s10, $0x1;
	s10 =	sld [smem:$0x3FAA];
	_ =	sdelay $0x3  }
0x37: {  	[smem:$0x3FAA] =	sst s10  }
0x38: {  	s10 =	sld [smem:$0x3FAB]  }
0x39: {  	_ = 	snop;
	(pc) =	sbr.ind lr, $3  }
0x3a: {  	_ = 	snop  }
0x3b: {  	_ = 	snop  }
0x3c: {  	p2 =	seq.s32 s10, $0x1;
	s10 =	sld [smem:$0x3FAA]  }
0x3d: {  	_ =	shalt  }
0x3e: {  	_ =	shalt  }
0x3f: {  	_ =	shalt  }
0x40: {  	_ =	shalt  }
0x41: {  	_ =	shalt  }
0x42: {  	_ =	shalt  }
0x43: {  	_ =	shalt  }
0x44: {  	_ =	shalt  }
0x45: {  	_ =	shalt  }
0x46: {  	_ =	shalt  }
0x47: {  	_ =	shalt  }
0x48: {  	_ =	shalt  }
0x49: {  	_ =	shalt  }
0x4a: {  	_ =	shalt  }
0x4b: {  	_ =	shalt  }
0x4c: {  	_ =	shalt  }
0x4d: {  	_ =	shalt  }
0x4e: {  	_ =	shalt  }
0x4f: {  	_ =	shalt  }
0x50: {  	_ =	shalt  }
0x51: {  	_ =	shalt  }
0x52: {  	_ =	shalt  }
0x53: {  	_ =	shalt  }
0x54: {  	_ =	shalt  }
0x55: {  	_ =	shalt  }
0x56: {  	_ =	shalt  }
0x57: {  	_ =	shalt  }
0x58: {  	_ =	shalt  }
0x59: {  	_ =	shalt  }
0x5a: {  	_ =	shalt  }
0x5b: {  	_ =	shalt  }
0x5c: {  	_ =	shalt  }
0x5d: {  	_ =	shalt  }
0x5e: {  	_ =	shalt  }
0x5f: {  	_ =	shalt  }
0x60: {  	_ =	shalt  }
0x61: {  	_ =	shalt  }
0x62: {  	_ =	shalt  }
0x63: {  	_ =	shalt  }
0x64: {  	_ =	shalt  }
0x65: {  	_ =	shalt  }
0x66: {  	_ =	shalt  }
0x67: {  	_ =	shalt  }
0x68: {  	_ =	shalt  }
0x69: {  	_ =	shalt  }
0x6a: {  	_ =	shalt  }
0x6b: {  	_ =	shalt  }
0x6c: {  	_ =	shalt  }
0x6d: {  	_ =	shalt  }
0x6e: {  	_ =	shalt  }
0x6f: {  	_ =	shalt  }
0x70: {  	_ =	shalt  }
0x71: {  	_ =	shalt  }
0x72: {  	_ =	shalt  }
0x73: {  	_ =	shalt  }
0x74: {  	_ =	shalt  }
0x75: {  	_ =	shalt  }
0x76: {  	_ =	shalt  }
0x77: {  	_ =	shalt  }
0x78: {  	_ =	shalt  }
0x79: {  	_ =	shalt  }
0x7a: {  	_ =	shalt  }
0x7b: {  	_ =	shalt  }
0x7c: {  	_ =	shalt  }
0x7d: {  	_ =	shalt  }
0x7e: {  	_ =	shalt  }
0x7f: {  	_ =	shalt  }
0x80: {  	_ =	shalt  }
0x81: {  	_ =	shalt  }
0x82: {  	_ =	shalt  }
0x83: {  	_ =	shalt  }
0x84: {  	_ =	shalt  }
0x85: {  	_ =	shalt  }
0x86: {  	_ =	shalt  }
0x87: {  	_ =	shalt  }
.Lfunc_end0:
.L_simem_size_0:
called_computation.1_lowered:
.L_overlay_start_0:
0x88: {  	s2 =	sld [smem:$0x3FD9]  }
0x89: {  	s3 =	sld [smem:$0x3FFE];
	_ =	sdelay $0x1  }
0x8a: {  	s1 =	srdreg.scid  }
0x8b: {  	s0 =	sand.u32 $0x1, s1  }
0x8c: {  	s17 =	sshll.u32 s0, $0xA;
	s2 =	sadd.s32 s3, s2  }
0x8d: {  	s2 =	sadd.s32 s2, s17  }
0x8e: {  	[smem:$0x3FB6] =	sst s2  }
0x8f: {  	_ = 	snop  }
0x90: {  	s2 =	sld [smem:$0x3FD0];
	(tm) =	ssettm $0x1  }
0x91: {  	s18 =	sld [smem:$0x3FFB];
	_ =	sdelay $0x3  }
0x92: {  	_ =	strace s18  }
0x93: {  	s3 =	sld [smem:$0x3FFC];
	_ =	sdelay $0x3  }
0x94: {  	_ =	strace s3  }
0x95: {  	s3 =	sld [smem:$0x3FFD];
	_ =	sdelay $0x3  }
0x96: {  	_ =	strace s3  }
0x97: {  	_ =	strace $0x8FFFFFFF  }
0x98: {  	s19 =	sld [smem:$0x3FDB];
	_ =	sdelay $0x1  }
0x99: {  	s4 =	simm.s32 $_scs_section_size  }
0x9a: {  	s5 =	simm.s32 $_size__tile_overlayer_lowered;
	s6 =	simm.s32 $_tile_overlayer_lowered  }
0x9b: {  	s22 =	simm.s32 $0x1BFF;
	s21 =	sshll.u32 s6, $0x1;
	s3 =	sadd.s32 s4, s19  }
0x9c: {  	s7 =	simm.s32 $0x0;
	s20 =	sshll.u32 s5, $0x1;
	s5 =	sadd.s32 s21, s3  }
0x9d: {  	[timem:s7], [sflag:s22] =	dma.local [hbm:s5], s20  }
0x9e: {  	_ =	swait.ge [sflag:s22], s20  }
0x9f: {  	s4 =	ssub.s32 $0x0, s20;
	[sflag:s22] =	ssyncset.done $0x0  }
0xa0: {  	[sflag:s22] =	ssyncadd.s32 s4;
	_ =	sdelay $0x1  }
0xa1: {  	s23 =	simm.s32 $0x1B8B  }
0xa2: {  	_ =	swait.ge [sflag:s23], $0x1  }
0xa3: {  	[sflag:s23] =	ssyncset.done $0x0  }
0xa4: {  	s25 =	simm.s32 $0x1B8E;
	s24 =	sld [smem:$0x3FFE];
	[sflag:s23] =	ssyncadd.s32 $0xFFFFFFFF  }
0xa5: {  	s26 =	simm.s32 $execute0_lowered;
	[smem:$0x3FD2] =	sst s25  }
0xa6: {  	s5 =	sshll.u32 s26, $0x1;
	_ =	strace $0x80000049;
	[dreg:$0x1] =	wrdreg $0xFFFFFFFF  }
0xa7: {  	s28 =	simm.s32 $_size_execute0_lowered;
	s3 =	sadd.s32 s3, s5;
	[dreg:$0x0] =	wrdreg $0x0  }
0xa8: {  	s5 =	sshll.u32 s28, $0x1;
	[dreg:$0x2] =	wrdreg s3  }
0xa9: {  	[dreg:$0x3] =	wrdreg s5  }
0xaa: {  	[dreg:$0x4] =	wrdreg $0xC0  }
0xab: {  	_ =	task [dreg:s7], $0x5FFFF  }
0xac: {  	[dreg:$0x1] =	wrdreg $0xFFFFFFFF  }
0xad: {  	[dreg:$0x0] =	wrdreg $0x60  }
0xae: {  	[dreg:$0x2] =	wrdreg s24  }
0xaf: {  	[dreg:$0x3] =	wrdreg s2  }
0xb0: {  	[dreg:$0x4] =	wrdreg $0xA8000  }
0xb1: {  	[dreg:$0x5] =	wrdreg $0x9  }
0xb2: {  	_ =	task.clear_ibuf [dreg:s7], $0x6FFFF;
	_ =	strace $0x90000049  }
0xb3: {  	s29 =	simm.s32 $0x9;
	_ =	strace $0x8000004B  }
0xb4: {  	_ =	swait.ge [sflag:s29], $0x1  }
0xb5: {  	[sflag:s29] =	ssyncadd.s32 $0xFFFFFFFF  }
0xb6: {  	_ =	strace $0x9000004B  }
0xb7: {  	_ =	sfence  }
0xb8: {  	s30 =	sld [smem:$0x0];
	_ =	sdelay $0x2  }
0xb9: {  	s31 =	sshll.u32 s1, $0xD;
	s1 =	sshrl.u32 s1, $0x2  }
0xba: {  	s3 =	sand.u32 $0x4000, s31;
	s1 =	sadd.s32 s1, s30  }
0xbb: {  	s0 =	sor.u32 s3, s0;
	s1 =	sshll.u32 s1, $0x11  }
0xbc: {  	s0 =	sor.u32 s1, s0  }
0xbd: {  	s0 =	sadd.s32 $0x8F2B, s0  }
0xbe: {  	[sflag:s0] =	ssyncadd.remote.s32 $0x1  }
0xbf: {  	_ =	sfence.sel $0xFFFF  }
0xc0: {  	[dreg:$0x0] =	wrdreg $0xFFFFFFFF;
	(pc) =	sbr.abs _section_cstart, $3  }
0xc1: {  	[dreg:$0x1] =	wrdreg $0xFFFFFFFF  }
0xc2: {  	_ =	task.clear_ibuf [dreg:s7], $0x2FFFF;
	_ =	strace $0x9FFFFFFF  }
0xc3: {  	(tm) =	ssettm $0x7FFFFFFF  }
tec
execute0_lowered:
.L_overlay_start_1:
0x0: {  	(tag) =	ssettag $0x1  }
0x1: {  	s0 =	rddreg [dreg:$0x0]  }
0x2: {  	s14 =	rddreg [dreg:$0x1]  }
0x3: {  	s1 =	rddreg [dreg:$0x2];
	s2 =	simm.s32 $0x0  }
0x4: {  	s24 =	stileid.u32;
	s8 =	srdreg.scid;
	s17 =	simm.s32 $0x3  }
0x5: {  	s18 =	simm.s32 $0x1400;
	s19 =	simm.s32 $0x80;
	s20 =	simm.s32 $0x6800  }
0x6: {  	s21 =	simm.s32 $0x1;
	s22 =	simm.s32 $0x2;
	s23 =	simm.s32 $0x1380  }
0x7: {  	s29 =	simm.s32 $0x0;
	[smem:$0x7FF] =	sst s2;
	s4 =	sadd.s32 $0x2C400, s0  }
0x8: {  	s5 =	sadd.s32 $0x18400, s0;
	s6 =	sadd.s32 $0x4400, s0;
	s9 =	smul.u32 $0x50000, s24  }
0x9: {  	s0 =	sadd.s32 $0xC8800, s0;
	s25 =	sand.u32 $0x1, s8;
	s12 =	smul.u32 $0x2800, s24  }
0xa: {  	s16 =	smul.u32 $0xA0, s24;
	s31 =	sshll.u32 s24, $0x6;
	s24 =	simm.s32 $0x2700  }
0xb: {  	_ =	strace $0x8000004A;
	[dreg:$0x4] =	wrdreg s0;
	s13 =	smul.u32 $0xA00, s25  }
0xc: {  	s10 =	ssub.s32 $0x2, s25;
	s0 =	smul.u32 $0x28000, s25;
	s26 =	sshrl.u32 s9, $0x2  }
0xd: {  	s25 =	sor.u32 $0x1C03, s31;
	s30 =	sshrl.u32 s10, $0x1;
	s8 =	sadd.s32 s26, s1  }
0xe: {  	s15 =	ssub.s32 s10, s30;
	s0 =	sadd.s32 s12, s0;
	s13 =	sadd.s32 s16, s13  }
0xf: {  	s16 =	simm.s32 $0x2800;
	s26 =	simm.s32 $0x2780;
	s9 =	sadd.s32 $0x4000, s8  }
0x10: {  	s10 =	sadd.s32 $0x8000, s8;
	s11 =	sadd.s32 $0xC000, s8;
	s12 =	sadd.s32 $0x10000, s8  }
0x11: {  	s14 =	sadd.s32 s14, s0;
	s15 =	smax.u32 s15, $0x1;
	s28 =	sshrl.u32 s8, $0x3  }
.LBB2_1:
0x12: {  	s0 =	simm.s32 $0x0;
	s2 =	rddreg [dreg:$0x4]  }
0x13: {  	[tilespmem:s16], [sflag:$0x3] =	stream.linear.gather [hbm4b:s2+s0], $0x4000, $0x38;
	[tilespmem:$0x1E800] =	vst v63  }
0x14: {  	_ =	swait.ge [sflag:s17], $0x4000  }
0x15: {  	[sflag:s17] =	ssyncset.done $0x0  }
0x16: {  	[sflag:s17] =	ssyncadd.s32 $0xFFFFC000  }
0x17: {  	[spmem:s8] =	stream.linear.scatter [tilespmem:s16], [sflag:$0x3], $0x4000, $0x38;
	[tilespmem:$0x1E800] =	vst v63  }
0x18: {  	_ =	swait.ge [sflag:s17], $0x4000  }
0x19: {  	[sflag:s17] =	ssyncset.done $0x0  }
0x1a: {  	[sflag:s17] =	ssyncadd.s32 $0xFFFFC000  }
0x1b: {  	[spmem:s9] =	stream.linear.scatter [tilespmem:s16], [sflag:$0x3], $0x4000, $0x38;
	[tilespmem:$0x1E800] =	vst v63  }
0x1c: {  	_ =	swait.ge [sflag:s17], $0x4000  }
0x1d: {  	[sflag:s17] =	ssyncset.done $0x0  }
0x1e: {  	[sflag:s17] =	ssyncadd.s32 $0xFFFFC000  }
0x1f: {  	[spmem:s10] =	stream.linear.scatter [tilespmem:s16], [sflag:$0x3], $0x4000, $0x38;
	[tilespmem:$0x1E800] =	vst v63  }
0x20: {  	_ =	swait.ge [sflag:s17], $0x4000  }
0x21: {  	[sflag:s17] =	ssyncset.done $0x0  }
0x22: {  	[sflag:s17] =	ssyncadd.s32 $0xFFFFC000  }
0x23: {  	[spmem:s11] =	stream.linear.scatter [tilespmem:s16], [sflag:$0x3], $0x4000, $0x38;
	[tilespmem:$0x1E800] =	vst v63  }
0x24: {  	_ =	swait.ge [sflag:s17], $0x4000  }
0x25: {  	[sflag:s17] =	ssyncset.done $0x0  }
0x26: {  	[sflag:s17] =	ssyncadd.s32 $0xFFFFC000  }
0x27: {  	[spmem:s12] =	stream.linear.scatter [tilespmem:s16], [sflag:$0x3], $0x4000, $0x38;
	[tilespmem:$0x1E800] =	vst v63  }
0x28: {  	_ =	swait.ge [sflag:s17], $0x4000  }
0x29: {  	[sflag:s17] =	ssyncset.done $0x0  }
0x2a: {  	[sflag:s17] =	ssyncadd.s32 $0xFFFFC000  }
0x2b: {  	s30 =	simm.s32 $0x0;
	[bflag:$0x0] =	sbarrier.arrive $0xFFFF  }
.LBB2_2:
0x2c: {  	s0 =	smul.u32 $0x28, s30;
	_ =	sdelay $0x1  }
0x2d: {  	s0 =	sadd.s32 s0, s13  }
0x2e: {  	s0 =	sshll.u32 s0, $0x4  }
0x2f: {  	s3 =	simm.s32 $0x0;
	s31 =	sadd.s32 s5, s0  }
0x30: {  	[tilespmem:s3], [sflag:$0x3] =	stream.linear.gather [hbm4b:s31+s3], $0x1400, $0x38;
	[tilespmem:$0x1E800] =	vst v63  }
0x31: {  	_ =	swait.ge [sflag:s17], $0x1400  }
0x32: {  	[sflag:s17] =	ssyncset.done $0x0  }
0x33: {  	s0 =	sadd.s32 s6, s0;
	[sflag:s17] =	ssyncadd.s32 $0xFFFFEC00  }
0x34: {  	[tilespmem:s18], [sflag:$0x3] =	stream.linear.gather [hbm4b:s0+s3], $0x1400, $0x38;
	[tilespmem:$0x1E800] =	vst v63  }
0x35: {  	_ =	swait.ge [sflag:s17], $0x1400  }
0x36: {  	[sflag:s17] =	ssyncset.done $0x0  }
0x37: {  	[sflag:s17] =	ssyncadd.s32 $0xFFFFEC00  }
0x38: {  	[tilespmem:s16], [sflag:$0x1] =	stream.indirect.gather [hbm4b:s4+s19], $0x80, s3, s19, $0xb8;
	[tilespmem:$0x1E800] =	vst v63  }
0x39: {  	s7 =	simm.s32 $0x80  }
0x3a: {  	[tilespmem:s20], [sflag:$0x2] =	stream.indirect.gather [hbm4b:s4+s19], $0x80, s7, s19, $0xb8;
	[tilespmem:$0x1E800] =	vst v63  }
0x3b: {  	_ =	swait.ge [sflag:s21], $0x4000  }
0x3c: {  	[sflag:s21] =	ssyncset.done $0x0  }
0x3d: {  	s2 =	simm.s32 $0x1400;
	[sflag:s21] =	ssyncadd.s32 $0xFFFFC000  }
0x3e: {  	[spmem:s1] =	stream.indirect.scatter.add.f32 [tilespmem:s16], [sflag:$0x3], $0x80, s2, s19, $0xb8;
	[tilespmem:$0x1E800] =	vst v63  }
0x3f: {  	_ =	swait.ge [sflag:s17], $0x4000  }
0x40: {  	[sflag:s17] =	ssyncset.done $0x0  }
0x41: {  	s3 =	simm.s32 $0x100;
	[sflag:s17] =	ssyncadd.s32 $0xFFFFC000  }
0x42: {  	[tilespmem:s16], [sflag:$0x1] =	stream.indirect.gather [hbm4b:s4+s19], $0x80, s3, s19, $0xb8;
	[tilespmem:$0x1E800] =	vst v63  }
0x43: {  	_ =	swait.ge [sflag:s22], $0x4000  }
0x44: {  	[sflag:s22] =	ssyncset.done $0x0  }
0x45: {  	s7 =	simm.s32 $0x1480;
	[sflag:s22] =	ssyncadd.s32 $0xFFFFC000  }
0x46: {  	[spmem:s1] =	stream.indirect.scatter.add.f32 [tilespmem:s20], [sflag:$0x3], $0x80, s7, s19, $0xb8;
	[tilespmem:$0x1E800] =	vst v63  }
0x47: {  	_ =	swait.ge [sflag:s17], $0x4000  }
0x48: {  	s31 =	simm.s32 $0x100;
	s0 =	simm.s32 $0x800;
	[sflag:s17] =	ssyncset.done $0x0  }
.LBB2_3:
0x49: {  	s3 =	sadd.s32 $0x80, s31  }
0x4a: {  	[sflag:s17] =	ssyncadd.s32 $0xFFFFC000;
	s2 =	smov.u32 s0;
	s7 =	sadd.s32 $0x400, s0  }
0x4b: {  	[tilespmem:s20], [sflag:$0x2] =	stream.indirect.gather [hbm4b:s4+s19], $0x80, s3, s19, $0xb8;
	[tilespmem:$0x1E800] =	vst v63  }
0x4c: {  	p0 =	sne.s32 s0, $0x4800;
	_ =	swait.ge [sflag:s21], $0x4000  }
0x4d: {  	[sflag:s21] =	ssyncset.done $0x0  }
0x4e: {  	s0 =	sadd.s32 $0x1400, s31;
	[sflag:s21] =	ssyncadd.s32 $0xFFFFC000  }
0x4f: {  	[spmem:s1] =	stream.indirect.scatter.add.f32 [tilespmem:s16], [sflag:$0x3], $0x80, s0, s19, $0xb8;
	[tilespmem:$0x1E800] =	vst v63  }
0x50: {  	_ =	swait.ge [sflag:s17], $0x4000  }
0x51: {  	[sflag:s17] =	ssyncset.done $0x0  }
0x52: {  	s0 =	sadd.s32 $0x100, s31;
	[sflag:s17] =	ssyncadd.s32 $0xFFFFC000  }
0x53: {  	[tilespmem:s16], [sflag:$0x1] =	stream.indirect.gather [hbm4b:s4+s19], $0x80, s0, s19, $0xb8;
	[tilespmem:$0x1E800] =	vst v63  }
0x54: {  	_ =	swait.ge [sflag:s22], $0x4000  }
.Ltmp0:
0x55: {  	[sflag:s22] =	ssyncset.done $0x0;
	(pc) =	sbr.rel @p0 .LBB2_3-.Ltmp0, $4  }
0x56: {  	s0 =	sadd.s32 $0x1480, s31;
	[sflag:s22] =	ssyncadd.s32 $0xFFFFC000  }
0x57: {  	[spmem:s1] =	stream.indirect.scatter.add.f32 [tilespmem:s20], [sflag:$0x3], $0x80, s0, s19, $0xb8;
	[tilespmem:$0x1E800] =	vst v63  }
0x58: {  	_ =	swait.ge [sflag:s17], $0x4000  }
0x59: {  	s31 =	sshra.s32 s2, $0x2;
	s0 =	smov.u32 s7;
	[sflag:s17] =	ssyncset.done $0x0  }
0x5a: {  	s0 =	sadd.s32 $0x80, s31;
	[sflag:s17] =	ssyncadd.s32 $0xFFFFC000  }
0x5b: {  	[tilespmem:s20], [sflag:$0x2] =	stream.indirect.gather [hbm4b:s4+s19], $0x80, s0, s19, $0xb8;
	[tilespmem:$0x1E800] =	vst v63  }
0x5c: {  	_ =	swait.ge [sflag:s21], $0x4000  }
0x5d: {  	[sflag:s21] =	ssyncset.done $0x0  }
0x5e: {  	s3 =	sadd.s32 $0x1400, s31;
	[sflag:s21] =	ssyncadd.s32 $0xFFFFC000  }
0x5f: {  	[spmem:s1] =	stream.indirect.scatter.add.f32 [tilespmem:s16], [sflag:$0x3], $0x80, s3, s19, $0xb8;
	[tilespmem:$0x1E800] =	vst v63  }
0x60: {  	_ =	swait.ge [sflag:s17], $0x4000  }
0x61: {  	[sflag:s17] =	ssyncset.done $0x0  }
0x62: {  	s7 =	sadd.s32 $0x100, s31;
	[sflag:s17] =	ssyncadd.s32 $0xFFFFC000  }
0x63: {  	[tilespmem:s16], [sflag:$0x1] =	stream.indirect.gather [hbm4b:s4+s19], $0x80, s7, s19, $0xb8;
	[tilespmem:$0x1E800] =	vst v63  }
0x64: {  	_ =	swait.ge [sflag:s22], $0x4000  }
0x65: {  	[sflag:s22] =	ssyncset.done $0x0  }
0x66: {  	s31 =	sadd.s32 $0x1480, s31;
	[sflag:s22] =	ssyncadd.s32 $0xFFFFC000  }
0x67: {  	[spmem:s1] =	stream.indirect.scatter.add.f32 [tilespmem:s20], [sflag:$0x3], $0x80, s31, s19, $0xb8;
	[tilespmem:$0x1E800] =	vst v63  }
0x68: {  	_ =	swait.ge [sflag:s17], $0x4000  }
0x69: {  	[sflag:s17] =	ssyncset.done $0x0  }
0x6a: {  	[sflag:s17] =	ssyncadd.s32 $0xFFFFC000  }
0x6b: {  	[tilespmem:s20], [sflag:$0x2] =	stream.indirect.gather [hbm4b:s4+s19], $0x80, s23, s19, $0xb8;
	[tilespmem:$0x1E800] =	vst v63  }
0x6c: {  	_ =	swait.ge [sflag:s21], $0x4000  }
0x6d: {  	[sflag:s21] =	ssyncset.done $0x0  }
0x6e: {  	[sflag:s21] =	ssyncadd.s32 $0xFFFFC000  }
0x6f: {  	[spmem:s1] =	stream.indirect.scatter.add.f32 [tilespmem:s16], [sflag:$0x3], $0x80, s24, s19, $0xb8;
	[tilespmem:$0x1E800] =	vst v63  }
0x70: {  	_ =	swait.ge [sflag:s17], $0x4000  }
0x71: {  	[sflag:s17] =	ssyncset.done $0x0  }
0x72: {  	[sflag:s17] =	ssyncadd.s32 $0xFFFFC000  }
0x73: {  	s30 =	sadd.s32 $0x1, s30;
	_ =	swait.ge [sflag:s22], $0x4000  }
0x74: {  	p0 =	sne.s32 s30, $0x4;
	[sflag:s22] =	ssyncset.done $0x0  }
.Ltmp1:
0x75: {  	[sflag:s22] =	ssyncadd.s32 $0xFFFFC000;
	(pc) =	sbr.rel @p0 .LBB2_2-.Ltmp1, $4  }
0x76: {  	[spmem:s1] =	stream.indirect.scatter.add.f32 [tilespmem:s20], [sflag:$0x3], $0x80, s26, s19, $0xb8;
	[tilespmem:$0x1E800] =	vst v63  }
0x77: {  	_ =	swait.ge [sflag:s17], $0x4000  }
0x78: {  	[sflag:s17] =	ssyncset.done $0x0  }
0x79: {  	[sflag:s17] =	ssyncadd.s32 $0xFFFFC000  }
0x7a: {  	s29 =	sadd.s32 $0x1, s29  }
0x7b: {  	p0 =	sne.s32 s29, s15  }
.Ltmp2:
0x7c: {  	[bflag:$0x0] =	sbarrier.arrive $0xFFFF;
	(pc) =	sbr.rel @p0 .LBB2_1-.Ltmp2, $4  }
0x7d: {  	[hbm:s14], [sflag:s25] =	dma.local [spmem:s28], $0x2800  }
0x7e: {  	_ =	swait.ge [sflag:s17], $0x2800  }
0x7f: {  	[sflag:s17] =	ssyncset.done $0x0  }
0x80: {  	[sflag:s17] =	ssyncadd.s32 $0xFFFFD800  }
0x81: {  	_ =	sfence.sel $0x180000  }
0x82: {  	[bflag:$0x0] =	sbarrier.arrive $0xFFFF  }
0x83: {  	_ =	strace $0x9000004A  }
0x84: {  	s0 =	stileid.u32;
	[bflag:$0x2] =	sbarrier.arrive $0xFFFF  }
0x85: {  	p0 =	sne.s32 s0, $0x0;
	s0 =	rddreg [dreg:$0x3]  }
0x86: {  	s0 =	sadd.s32 @!p0 $0x100000, s0  }
0x87: {  	[sflag:s0] =	ssyncadd.tile.s32 @!p0 $0x1;
	_ =	shalt  }
.Lfunc_end2:
_tile_overlayer_lowered:
.L_overlay_start_2:
0x88: {  	(tag) =	ssettag $0x2  }
0x89: {  	s0 =	rddreg [dreg:$0x0];
	s2 =	stileid.u32  }
0x8a: {  	s1 =	rddreg [dreg:$0x1];
	p0 =	sne.s32 s2, $0x0  }
0x8b: {  	s3 =	rddreg [dreg:$0x2];
	[bflag:$0x3] =	sbarrier.arrive $0xFFFF;
	s2 =	simm.s32 @!p0 $0x1C03  }
0x8c: {  	[timem:s3], [sflag:s2] =	dma.local @!p0 [hbm:s0], s1  }
0x8d: {  	s0 =	simm.s32 @!p0 $0x3  }
0x8e: {  	_ =	swait.ge @!p0 [sflag:s0], s1  }
0x8f: {  	s1 =	ssub.s32 @!p0 $0x0, s1;
	[sflag:s0] =	ssyncset.done @!p0 $0x0  }
0x90: {  	[sflag:s0] =	ssyncadd.s32 @!p0 s1  }
0x91: {  	[bflag:$0x3] =	sbarrier.arrive $0xFFFF  }
0x92: {  	_ =	shalt  }

// kernel: kernel.16.cloned.1.call-start
scs
__scs_entry_jumppad:
0x0: {  	(pc) =	sbr.rel $0x88, $3  }
0x1: {  	(tag) =	ssettag $0x0;
	lr =	simm.s32 $0x1  }
0x2: {  	[smem:$0x3F8F] =	sst lr;
	_ =	strace $0xD0000000  }
0x3: {  	_ = 	snop  }
0x4: {  	_ = 	snop  }
0x5: {  	_ = 	snop  }
0x6: {  	_ = 	snop  }
0x7: {  	_ = 	snop  }
__scs_overlays_trampoline_lowered:
0x8: {  	[smem:$0x3F9E] =	sst s0  }
0x9: {  	[smem:$0x3F9F] =	sst s1  }
0xa: {  	[smem:$0x3FA0] =	sst s2  }
0xb: {  	[smem:$0x3FA1] =	sst s3  }
0xc: {  	[smem:$0x3FA2] =	sst s4  }
0xd: {  	[smem:$0x3FA3] =	sst s5  }
0xe: {  	[smem:$0x3FA4] =	sst s6  }
0xf: {  	[smem:$0x3FA5] =	sst s7  }
0x10: {  	[smem:$0x3FA6] =	sst s8  }
0x11: {  	[smem:$0x3FA7] =	sst s9;
	s0 =	simm.s32 @!p0 $0x0  }
0x12: {  	s1 =	sld [smem:$0x3F8D];
	s0 =	simm.s32 @p0 $0x1  }
0x13: {  	[smem:$0x3FA8] =	sst s0;
	s0 =	simm.s32 @!p1 $0x0  }
0x14: {  	s2 =	sld [smem:$0x3F8C];
	s0 =	simm.s32 @p1 $0x1  }
0x15: {  	[smem:$0x3FA9] =	sst s0;
	s0 =	simm.s32 @!p2 $0x0  }
0x16: {  	s3 =	sld [smem:$0x3FDB];
	s0 =	simm.s32 @p2 $0x1  }
0x17: {  	s4 =	simm.s32 $0x1BF5;
	[smem:$0x3FAB] =	sst s0  }
0x18: {  	s0 =	sld [smem:$0x3F8E];
	_ =	swait.ge [sflag:s4], $0x0  }
0x19: {  	s7 =	sld [smem:$0x3F8F]  }
0x1a: {  	s8 =	sadd.s32 $0xFFFFE003, lr  }
0x1b: {  	s9 =	sadd.s32 $0xFFFFFEF7, lr;
	s5 =	simm.s32 $0xFFFFFFFF;
	p2 =	slt.u32 s8, $0xFFFFF086  }
0x1c: {  	p1 =	slt.u32 s9, $0xF7A;
	s5 =	simm.s32 @!p2 $0x0  }
0x1d: {  	s5 =	simm.s32 @p1 $0x1;
	p0 =	seq.s32 s7, s2  }
0x1e: {  	s7 =	smul.u32 @!p0 $0xF7A, s2;
	p2 =	seq.s32 @!p0 s5, $0x0  }
0x1f: {  	s9 =	smul.u32 $0xF7A, s1;
	s8 =	simm.s32 @!p0 $0x1BF5;
	p2 =	por !p2, p0  }
0x20: {  	[sflag:s8] =	ssyncset.s32 @!p0 $0xFFFFF086;
	s6 =	sadd.s32 @!p0 s3, s7;
	s7 =	simm.s32 @!p0 $0x108  }
0x21: {  	s3 =	sadd.s32 s3, s9;
	s6 =	sadd.s32 @!p0 $0x88, s6;
	s7 =	simm.s32 @p2 $0x1082  }
0x22: {  	[simem:s7], [sflag:s8] =	dma.local @!p0 [hbm:s6], $0xF7A  }
0x23: {  	s9 =	sor.u32 $0xD0000000, s2;
	s6 =	simm.s32 $0x108;
	_ =	swait.ge @!p0 [sflag:s8], $0x0  }
0x24: {  	s3 =	sadd.s32 $0x88, s3;
	s6 =	simm.s32 @!p1 $0x1082;
	[sflag:s4] =	ssyncset.s32 $0xFFFFF086  }
0x25: {  	[simem:s6], [sflag:s4] =	dma.local [hbm:s3], $0xF7A  }
0x26: {  	[smem:$0x3F8F] =	sst s1;
	(tag) =	ssettag s2;
	_ =	strace s9  }
0x27: {  	s1 =	sld [smem:$0x3F9F]  }
0x28: {  	s2 =	sld [smem:$0x3FA0]  }
0x29: {  	s4 =	sld [smem:$0x3FA2]  }
0x2a: {  	p0 =	seq.s32 s5, $0x0;
	s5 =	sld [smem:$0x3FA3]  }
0x2b: {  	s6 =	sld [smem:$0x3FA4]  }
0x2c: {  	s7 =	sld [smem:$0x3FA5]  }
0x2d: {  	s3 =	simm.s32 $0x108;
	s8 =	sld [smem:$0x3FA6]  }
0x2e: {  	s3 =	simm.s32 @!p0 $0x1082;
	s9 =	sld [smem:$0x3FA7]  }
0x2f: {  	lr =	sadd.s32 s0, s3;
	s0 =	sld [smem:$0x3F9E]  }
0x30: {  	s3 =	sld [smem:$0x3FA1]  }
0x31: {  	[smem:$0x3FAA] =	sst s10  }
0x32: {  	s10 =	sld [smem:$0x3FA8];
	_ =	sdelay $0x3  }
0x33: {  	p0 =	seq.s32 s10, $0x1;
	s10 =	sld [smem:$0x3FAA];
	_ =	sdelay $0x3  }
0x34: {  	[smem:$0x3FAA] =	sst s10  }
0x35: {  	s10 =	sld [smem:$0x3FA9];
	_ =	sdelay $0x3  }
0x36: {  	p1 =	seq.s32 s10, $0x1;
	s10 =	sld [smem:$0x3FAA];
	_ =	sdelay $0x3  }
0x37: {  	[smem:$0x3FAA] =	sst s10  }
0x38: {  	s10 =	sld [smem:$0x3FAB]  }
0x39: {  	_ = 	snop;
	(pc) =	sbr.ind lr, $3  }
0x3a: {  	_ = 	snop  }
0x3b: {  	_ = 	snop  }
0x3c: {  	p2 =	seq.s32 s10, $0x1;
	s10 =	sld [smem:$0x3FAA]  }
0x3d: {  	_ =	shalt  }
0x3e: {  	_ =	shalt  }
0x3f: {  	_ =	shalt  }
0x40: {  	_ =	shalt  }
0x41: {  	_ =	shalt  }
0x42: {  	_ =	shalt  }
0x43: {  	_ =	shalt  }
0x44: {  	_ =	shalt  }
0x45: {  	_ =	shalt  }
0x46: {  	_ =	shalt  }
0x47: {  	_ =	shalt  }
0x48: {  	_ =	shalt  }
0x49: {  	_ =	shalt  }
0x4a: {  	_ =	shalt  }
0x4b: {  	_ =	shalt  }
0x4c: {  	_ =	shalt  }
0x4d: {  	_ =	shalt  }
0x4e: {  	_ =	shalt  }
0x4f: {  	_ =	shalt  }
0x50: {  	_ =	shalt  }
0x51: {  	_ =	shalt  }
0x52: {  	_ =	shalt  }
0x53: {  	_ =	shalt  }
0x54: {  	_ =	shalt  }
0x55: {  	_ =	shalt  }
0x56: {  	_ =	shalt  }
0x57: {  	_ =	shalt  }
0x58: {  	_ =	shalt  }
0x59: {  	_ =	shalt  }
0x5a: {  	_ =	shalt  }
0x5b: {  	_ =	shalt  }
0x5c: {  	_ =	shalt  }
0x5d: {  	_ =	shalt  }
0x5e: {  	_ =	shalt  }
0x5f: {  	_ =	shalt  }
0x60: {  	_ =	shalt  }
0x61: {  	_ =	shalt  }
0x62: {  	_ =	shalt  }
0x63: {  	_ =	shalt  }
0x64: {  	_ =	shalt  }
0x65: {  	_ =	shalt  }
0x66: {  	_ =	shalt  }
0x67: {  	_ =	shalt  }
0x68: {  	_ =	shalt  }
0x69: {  	_ =	shalt  }
0x6a: {  	_ =	shalt  }
0x6b: {  	_ =	shalt  }
0x6c: {  	_ =	shalt  }
0x6d: {  	_ =	shalt  }
0x6e: {  	_ =	shalt  }
0x6f: {  	_ =	shalt  }
0x70: {  	_ =	shalt  }
0x71: {  	_ =	shalt  }
0x72: {  	_ =	shalt  }
0x73: {  	_ =	shalt  }
0x74: {  	_ =	shalt  }
0x75: {  	_ =	shalt  }
0x76: {  	_ =	shalt  }
0x77: {  	_ =	shalt  }
0x78: {  	_ =	shalt  }
0x79: {  	_ =	shalt  }
0x7a: {  	_ =	shalt  }
0x7b: {  	_ =	shalt  }
0x7c: {  	_ =	shalt  }
0x7d: {  	_ =	shalt  }
0x7e: {  	_ =	shalt  }
0x7f: {  	_ =	shalt  }
0x80: {  	_ =	shalt  }
0x81: {  	_ =	shalt  }
0x82: {  	_ =	shalt  }
0x83: {  	_ =	shalt  }
0x84: {  	_ =	shalt  }
0x85: {  	_ =	shalt  }
0x86: {  	_ =	shalt  }
0x87: {  	_ =	shalt  }
.Lfunc_end0:
.L_simem_size_0:
called_computation.2_lowered:
.L_overlay_start_0:
0x88: {  	s2 =	sld [smem:$0x3FD9]  }
0x89: {  	s3 =	sld [smem:$0x3FFE];
	_ =	sdelay $0x1  }
0x8a: {  	s1 =	srdreg.scid  }
0x8b: {  	s0 =	sand.u32 $0x1, s1  }
0x8c: {  	s17 =	sshll.u32 s0, $0xA;
	s2 =	sadd.s32 s3, s2  }
0x8d: {  	s2 =	sadd.s32 s2, s17  }
0x8e: {  	[smem:$0x3FB6] =	sst s2  }
0x8f: {  	_ = 	snop  }
0x90: {  	s2 =	sld [smem:$0x3FD0];
	(tm) =	ssettm $0x1  }
0x91: {  	s18 =	sld [smem:$0x3FFB];
	_ =	sdelay $0x3  }
0x92: {  	_ =	strace s18  }
0x93: {  	s3 =	sld [smem:$0x3FFC];
	_ =	sdelay $0x3  }
0x94: {  	_ =	strace s3  }
0x95: {  	s3 =	sld [smem:$0x3FFD];
	_ =	sdelay $0x3  }
0x96: {  	_ =	strace s3  }
0x97: {  	_ =	strace $0x8FFFFFFF  }
0x98: {  	s19 =	sld [smem:$0x3FDB];
	_ =	sdelay $0x1  }
0x99: {  	s4 =	simm.s32 $_scs_section_size  }
0x9a: {  	s5 =	simm.s32 $_size__tile_overlayer_lowered;
	s6 =	simm.s32 $_tile_overlayer_lowered  }
0x9b: {  	s22 =	simm.s32 $0x1BFF;
	s21 =	sshll.u32 s6, $0x1;
	s3 =	sadd.s32 s4, s19  }
0x9c: {  	s7 =	simm.s32 $0x0;
	s20 =	sshll.u32 s5, $0x1;
	s5 =	sadd.s32 s21, s3  }
0x9d: {  	[timem:s7], [sflag:s22] =	dma.local [hbm:s5], s20  }
0x9e: {  	_ =	swait.ge [sflag:s22], s20  }
0x9f: {  	s4 =	ssub.s32 $0x0, s20;
	[sflag:s22] =	ssyncset.done $0x0  }
0xa0: {  	[sflag:s22] =	ssyncadd.s32 s4;
	_ =	sdelay $0x1  }
0xa1: {  	s23 =	simm.s32 $0x1B8B  }
0xa2: {  	_ =	swait.ge [sflag:s23], $0x1  }
0xa3: {  	[sflag:s23] =	ssyncset.done $0x0  }
0xa4: {  	s25 =	simm.s32 $0x1B8E;
	s24 =	sld [smem:$0x3FFE];
	[sflag:s23] =	ssyncadd.s32 $0xFFFFFFFF  }
0xa5: {  	s26 =	simm.s32 $execute0_lowered;
	[smem:$0x3FD2] =	sst s25  }
0xa6: {  	s5 =	sshll.u32 s26, $0x1;
	_ =	strace $0x8000004C;
	[dreg:$0x1] =	wrdreg $0xFFFFFFFF  }
0xa7: {  	s28 =	simm.s32 $_size_execute0_lowered;
	s3 =	sadd.s32 s3, s5;
	[dreg:$0x0] =	wrdreg $0x0  }
0xa8: {  	s5 =	sshll.u32 s28, $0x1;
	[dreg:$0x2] =	wrdreg s3  }
0xa9: {  	[dreg:$0x3] =	wrdreg s5  }
0xaa: {  	[dreg:$0x4] =	wrdreg $0xC0  }
0xab: {  	_ =	task [dreg:s7], $0x5FFFF  }
0xac: {  	[dreg:$0x1] =	wrdreg $0xFFFFFFFF  }
0xad: {  	[dreg:$0x0] =	wrdreg $0x60  }
0xae: {  	[dreg:$0x2] =	wrdreg s24  }
0xaf: {  	[dreg:$0x3] =	wrdreg s2  }
0xb0: {  	[dreg:$0x4] =	wrdreg $0xA8000  }
0xb1: {  	[dreg:$0x5] =	wrdreg $0x9  }
0xb2: {  	_ =	task.clear_ibuf [dreg:s7], $0x6FFFF;
	_ =	strace $0x9000004C  }
0xb3: {  	s29 =	simm.s32 $0x9;
	_ =	strace $0x8000004E  }
0xb4: {  	_ =	swait.ge [sflag:s29], $0x1  }
0xb5: {  	[sflag:s29] =	ssyncadd.s32 $0xFFFFFFFF  }
0xb6: {  	_ =	strace $0x9000004E  }
0xb7: {  	_ =	sfence  }
0xb8: {  	s30 =	sld [smem:$0x0];
	_ =	sdelay $0x2  }
0xb9: {  	s31 =	sshll.u32 s1, $0xD;
	s1 =	sshrl.u32 s1, $0x2  }
0xba: {  	s3 =	sand.u32 $0x4000, s31;
	s1 =	sadd.s32 s1, s30  }
0xbb: {  	s0 =	sor.u32 s3, s0;
	s1 =	sshll.u32 s1, $0x11  }
0xbc: {  	s0 =	sor.u32 s1, s0  }
0xbd: {  	s0 =	sadd.s32 $0x8F2B, s0  }
0xbe: {  	[sflag:s0] =	ssyncadd.remote.s32 $0x1  }
0xbf: {  	_ =	sfence.sel $0xFFFF  }
0xc0: {  	[dreg:$0x0] =	wrdreg $0xFFFFFFFF;
	(pc) =	sbr.abs _section_cstart, $3  }
0xc1: {  	[dreg:$0x1] =	wrdreg $0xFFFFFFFF  }
0xc2: {  	_ =	task.clear_ibuf [dreg:s7], $0x2FFFF;
	_ =	strace $0x9FFFFFFF  }
0xc3: {  	(tm) =	ssettm $0x7FFFFFFF  }
tec
execute0_lowered:
.L_overlay_start_1:
0x0: {  	(tag) =	ssettag $0x1  }
0x1: {  	s0 =	rddreg [dreg:$0x0]  }
0x2: {  	s14 =	rddreg [dreg:$0x1]  }
0x3: {  	s1 =	rddreg [dreg:$0x2];
	s2 =	simm.s32 $0x0  }
0x4: {  	s24 =	stileid.u32;
	s8 =	srdreg.scid;
	s17 =	simm.s32 $0x3  }
0x5: {  	s18 =	simm.s32 $0x1400;
	s19 =	simm.s32 $0x80;
	s20 =	simm.s32 $0x6800  }
0x6: {  	s21 =	simm.s32 $0x1;
	s22 =	simm.s32 $0x2;
	s23 =	simm.s32 $0x1380  }
0x7: {  	s29 =	simm.s32 $0x0;
	[smem:$0x7FF] =	sst s2;
	s4 =	sadd.s32 $0x2C400, s0  }
0x8: {  	s5 =	sadd.s32 $0x18400, s0;
	s6 =	sadd.s32 $0x4400, s0;
	s9 =	smul.u32 $0x50000, s24  }
0x9: {  	s0 =	sadd.s32 $0xC8800, s0;
	s25 =	sand.u32 $0x1, s8;
	s12 =	smul.u32 $0x2800, s24  }
0xa: {  	s16 =	smul.u32 $0xA0, s24;
	s31 =	sshll.u32 s24, $0x6;
	s24 =	simm.s32 $0x2700  }
0xb: {  	_ =	strace $0x8000004D;
	[dreg:$0x4] =	wrdreg s0;
	s13 =	smul.u32 $0xA00, s25  }
0xc: {  	s10 =	ssub.s32 $0x2, s25;
	s0 =	smul.u32 $0x28000, s25;
	s26 =	sshrl.u32 s9, $0x2  }
0xd: {  	s25 =	sor.u32 $0x1C03, s31;
	s30 =	sshrl.u32 s10, $0x1;
	s8 =	sadd.s32 s26, s1  }
0xe: {  	s15 =	ssub.s32 s10, s30;
	s0 =	sadd.s32 s12, s0;
	s13 =	sadd.s32 s16, s13  }
0xf: {  	s16 =	simm.s32 $0x2800;
	s26 =	simm.s32 $0x2780;
	s9 =	sadd.s32 $0x4000, s8  }
0x10: {  	s10 =	sadd.s32 $0x8000, s8;
	s11 =	sadd.s32 $0xC000, s8;
	s12 =	sadd.s32 $0x10000, s8  }
0x11: {  	s14 =	sadd.s32 s14, s0;
	s15 =	smax.u32 s15, $0x1;
	s28 =	sshrl.u32 s8, $0x3  }
.LBB2_1:
0x12: {  	s0 =	simm.s32 $0x0;
	s2 =	rddreg [dreg:$0x4]  }
0x13: {  	[tilespmem:s16], [sflag:$0x3] =	stream.linear.gather [hbm4b:s2+s0], $0x4000, $0x38;
	[tilespmem:$0x1E800] =	vst v63  }
0x14: {  	_ =	swait.ge [sflag:s17], $0x4000  }
0x15: {  	[sflag:s17] =	ssyncset.done $0x0  }
0x16: {  	[sflag:s17] =	ssyncadd.s32 $0xFFFFC000  }
0x17: {  	[spmem:s8] =	stream.linear.scatter [tilespmem:s16], [sflag:$0x3], $0x4000, $0x38;
	[tilespmem:$0x1E800] =	vst v63  }
0x18: {  	_ =	swait.ge [sflag:s17], $0x4000  }
0x19: {  	[sflag:s17] =	ssyncset.done $0x0  }
0x1a: {  	[sflag:s17] =	ssyncadd.s32 $0xFFFFC000  }
0x1b: {  	[spmem:s9] =	stream.linear.scatter [tilespmem:s16], [sflag:$0x3], $0x4000, $0x38;
	[tilespmem:$0x1E800] =	vst v63  }
0x1c: {  	_ =	swait.ge [sflag:s17], $0x4000  }
0x1d: {  	[sflag:s17] =	ssyncset.done $0x0  }
0x1e: {  	[sflag:s17] =	ssyncadd.s32 $0xFFFFC000  }
0x1f: {  	[spmem:s10] =	stream.linear.scatter [tilespmem:s16], [sflag:$0x3], $0x4000, $0x38;
	[tilespmem:$0x1E800] =	vst v63  }
0x20: {  	_ =	swait.ge [sflag:s17], $0x4000  }
0x21: {  	[sflag:s17] =	ssyncset.done $0x0  }
0x22: {  	[sflag:s17] =	ssyncadd.s32 $0xFFFFC000  }
0x23: {  	[spmem:s11] =	stream.linear.scatter [tilespmem:s16], [sflag:$0x3], $0x4000, $0x38;
	[tilespmem:$0x1E800] =	vst v63  }
0x24: {  	_ =	swait.ge [sflag:s17], $0x4000  }
0x25: {  	[sflag:s17] =	ssyncset.done $0x0  }
0x26: {  	[sflag:s17] =	ssyncadd.s32 $0xFFFFC000  }
0x27: {  	[spmem:s12] =	stream.linear.scatter [tilespmem:s16], [sflag:$0x3], $0x4000, $0x38;
	[tilespmem:$0x1E800] =	vst v63  }
0x28: {  	_ =	swait.ge [sflag:s17], $0x4000  }
0x29: {  	[sflag:s17] =	ssyncset.done $0x0  }
0x2a: {  	[sflag:s17] =	ssyncadd.s32 $0xFFFFC000  }
0x2b: {  	s30 =	simm.s32 $0x0;
	[bflag:$0x0] =	sbarrier.arrive $0xFFFF  }
.LBB2_2:
0x2c: {  	s0 =	smul.u32 $0x28, s30;
	_ =	sdelay $0x1  }
0x2d: {  	s0 =	sadd.s32 s0, s13  }
0x2e: {  	s0 =	sshll.u32 s0, $0x4  }
0x2f: {  	s3 =	simm.s32 $0x0;
	s31 =	sadd.s32 s5, s0  }
0x30: {  	[tilespmem:s3], [sflag:$0x3] =	stream.linear.gather [hbm4b:s31+s3], $0x1400, $0x38;
	[tilespmem:$0x1E800] =	vst v63  }
0x31: {  	_ =	swait.ge [sflag:s17], $0x1400  }
0x32: {  	[sflag:s17] =	ssyncset.done $0x0  }
0x33: {  	s0 =	sadd.s32 s6, s0;
	[sflag:s17] =	ssyncadd.s32 $0xFFFFEC00  }
0x34: {  	[tilespmem:s18], [sflag:$0x3] =	stream.linear.gather [hbm4b:s0+s3], $0x1400, $0x38;
	[tilespmem:$0x1E800] =	vst v63  }
0x35: {  	_ =	swait.ge [sflag:s17], $0x1400  }
0x36: {  	[sflag:s17] =	ssyncset.done $0x0  }
0x37: {  	[sflag:s17] =	ssyncadd.s32 $0xFFFFEC00  }
0x38: {  	[tilespmem:s16], [sflag:$0x1] =	stream.indirect.gather [hbm4b:s4+s19], $0x80, s3, s19, $0xb8;
	[tilespmem:$0x1E800] =	vst v63  }
0x39: {  	s7 =	simm.s32 $0x80  }
0x3a: {  	[tilespmem:s20], [sflag:$0x2] =	stream.indirect.gather [hbm4b:s4+s19], $0x80, s7, s19, $0xb8;
	[tilespmem:$0x1E800] =	vst v63  }
0x3b: {  	_ =	swait.ge [sflag:s21], $0x4000  }
0x3c: {  	[sflag:s21] =	ssyncset.done $0x0  }
0x3d: {  	s2 =	simm.s32 $0x1400;
	[sflag:s21] =	ssyncadd.s32 $0xFFFFC000  }
0x3e: {  	[spmem:s1] =	stream.indirect.scatter.add.f32 [tilespmem:s16], [sflag:$0x3], $0x80, s2, s19, $0xb8;
	[tilespmem:$0x1E800] =	vst v63  }
0x3f: {  	_ =	swait.ge [sflag:s17], $0x4000  }
0x40: {  	[sflag:s17] =	ssyncset.done $0x0  }
0x41: {  	s3 =	simm.s32 $0x100;
	[sflag:s17] =	ssyncadd.s32 $0xFFFFC000  }
0x42: {  	[tilespmem:s16], [sflag:$0x1] =	stream.indirect.gather [hbm4b:s4+s19], $0x80, s3, s19, $0xb8;
	[tilespmem:$0x1E800] =	vst v63  }
0x43: {  	_ =	swait.ge [sflag:s22], $0x4000  }
0x44: {  	[sflag:s22] =	ssyncset.done $0x0  }
0x45: {  	s7 =	simm.s32 $0x1480;
	[sflag:s22] =	ssyncadd.s32 $0xFFFFC000  }
0x46: {  	[spmem:s1] =	stream.indirect.scatter.add.f32 [tilespmem:s20], [sflag:$0x3], $0x80, s7, s19, $0xb8;
	[tilespmem:$0x1E800] =	vst v63  }
0x47: {  	_ =	swait.ge [sflag:s17], $0x4000  }
0x48: {  	s31 =	simm.s32 $0x100;
	s0 =	simm.s32 $0x800;
	[sflag:s17] =	ssyncset.done $0x0  }
.LBB2_3:
0x49: {  	s3 =	sadd.s32 $0x80, s31  }
0x4a: {  	[sflag:s17] =	ssyncadd.s32 $0xFFFFC000;
	s2 =	smov.u32 s0;
	s7 =	sadd.s32 $0x400, s0  }
0x4b: {  	[tilespmem:s20], [sflag:$0x2] =	stream.indirect.gather [hbm4b:s4+s19], $0x80, s3, s19, $0xb8;
	[tilespmem:$0x1E800] =	vst v63  }
0x4c: {  	p0 =	sne.s32 s0, $0x4800;
	_ =	swait.ge [sflag:s21], $0x4000  }
0x4d: {  	[sflag:s21] =	ssyncset.done $0x0  }
0x4e: {  	s0 =	sadd.s32 $0x1400, s31;
	[sflag:s21] =	ssyncadd.s32 $0xFFFFC000  }
0x4f: {  	[spmem:s1] =	stream.indirect.scatter.add.f32 [tilespmem:s16], [sflag:$0x3], $0x80, s0, s19, $0xb8;
	[tilespmem:$0x1E800] =	vst v63  }
0x50: {  	_ =	swait.ge [sflag:s17], $0x4000  }
0x51: {  	[sflag:s17] =	ssyncset.done $0x0  }
0x52: {  	s0 =	sadd.s32 $0x100, s31;
	[sflag:s17] =	ssyncadd.s32 $0xFFFFC000  }
0x53: {  	[tilespmem:s16], [sflag:$0x1] =	stream.indirect.gather [hbm4b:s4+s19], $0x80, s0, s19, $0xb8;
	[tilespmem:$0x1E800] =	vst v63  }
0x54: {  	_ =	swait.ge [sflag:s22], $0x4000  }
.Ltmp0:
0x55: {  	[sflag:s22] =	ssyncset.done $0x0;
	(pc) =	sbr.rel @p0 .LBB2_3-.Ltmp0, $4  }
0x56: {  	s0 =	sadd.s32 $0x1480, s31;
	[sflag:s22] =	ssyncadd.s32 $0xFFFFC000  }
0x57: {  	[spmem:s1] =	stream.indirect.scatter.add.f32 [tilespmem:s20], [sflag:$0x3], $0x80, s0, s19, $0xb8;
	[tilespmem:$0x1E800] =	vst v63  }
0x58: {  	_ =	swait.ge [sflag:s17], $0x4000  }
0x59: {  	s31 =	sshra.s32 s2, $0x2;
	s0 =	smov.u32 s7;
	[sflag:s17] =	ssyncset.done $0x0  }
0x5a: {  	s0 =	sadd.s32 $0x80, s31;
	[sflag:s17] =	ssyncadd.s32 $0xFFFFC000  }
0x5b: {  	[tilespmem:s20], [sflag:$0x2] =	stream.indirect.gather [hbm4b:s4+s19], $0x80, s0, s19, $0xb8;
	[tilespmem:$0x1E800] =	vst v63  }
0x5c: {  	_ =	swait.ge [sflag:s21], $0x4000  }
0x5d: {  	[sflag:s21] =	ssyncset.done $0x0  }
0x5e: {  	s3 =	sadd.s32 $0x1400, s31;
	[sflag:s21] =	ssyncadd.s32 $0xFFFFC000  }
0x5f: {  	[spmem:s1] =	stream.indirect.scatter.add.f32 [tilespmem:s16], [sflag:$0x3], $0x80, s3, s19, $0xb8;
	[tilespmem:$0x1E800] =	vst v63  }
0x60: {  	_ =	swait.ge [sflag:s17], $0x4000  }
0x61: {  	[sflag:s17] =	ssyncset.done $0x0  }
0x62: {  	s7 =	sadd.s32 $0x100, s31;
	[sflag:s17] =	ssyncadd.s32 $0xFFFFC000  }
0x63: {  	[tilespmem:s16], [sflag:$0x1] =	stream.indirect.gather [hbm4b:s4+s19], $0x80, s7, s19, $0xb8;
	[tilespmem:$0x1E800] =	vst v63  }
0x64: {  	_ =	swait.ge [sflag:s22], $0x4000  }
0x65: {  	[sflag:s22] =	ssyncset.done $0x0  }
0x66: {  	s31 =	sadd.s32 $0x1480, s31;
	[sflag:s22] =	ssyncadd.s32 $0xFFFFC000  }
0x67: {  	[spmem:s1] =	stream.indirect.scatter.add.f32 [tilespmem:s20], [sflag:$0x3], $0x80, s31, s19, $0xb8;
	[tilespmem:$0x1E800] =	vst v63  }
0x68: {  	_ =	swait.ge [sflag:s17], $0x4000  }
0x69: {  	[sflag:s17] =	ssyncset.done $0x0  }
0x6a: {  	[sflag:s17] =	ssyncadd.s32 $0xFFFFC000  }
0x6b: {  	[tilespmem:s20], [sflag:$0x2] =	stream.indirect.gather [hbm4b:s4+s19], $0x80, s23, s19, $0xb8;
	[tilespmem:$0x1E800] =	vst v63  }
0x6c: {  	_ =	swait.ge [sflag:s21], $0x4000  }
0x6d: {  	[sflag:s21] =	ssyncset.done $0x0  }
0x6e: {  	[sflag:s21] =	ssyncadd.s32 $0xFFFFC000  }
0x6f: {  	[spmem:s1] =	stream.indirect.scatter.add.f32 [tilespmem:s16], [sflag:$0x3], $0x80, s24, s19, $0xb8;
	[tilespmem:$0x1E800] =	vst v63  }
0x70: {  	_ =	swait.ge [sflag:s17], $0x4000  }
0x71: {  	[sflag:s17] =	ssyncset.done $0x0  }
0x72: {  	[sflag:s17] =	ssyncadd.s32 $0xFFFFC000  }
0x73: {  	s30 =	sadd.s32 $0x1, s30;
	_ =	swait.ge [sflag:s22], $0x4000  }
0x74: {  	p0 =	sne.s32 s30, $0x4;
	[sflag:s22] =	ssyncset.done $0x0  }
.Ltmp1:
0x75: {  	[sflag:s22] =	ssyncadd.s32 $0xFFFFC000;
	(pc) =	sbr.rel @p0 .LBB2_2-.Ltmp1, $4  }
0x76: {  	[spmem:s1] =	stream.indirect.scatter.add.f32 [tilespmem:s20], [sflag:$0x3], $0x80, s26, s19, $0xb8;
	[tilespmem:$0x1E800] =	vst v63  }
0x77: {  	_ =	swait.ge [sflag:s17], $0x4000  }
0x78: {  	[sflag:s17] =	ssyncset.done $0x0  }
0x79: {  	[sflag:s17] =	ssyncadd.s32 $0xFFFFC000  }
0x7a: {  	s29 =	sadd.s32 $0x1, s29  }
0x7b: {  	p0 =	sne.s32 s29, s15  }
.Ltmp2:
0x7c: {  	[bflag:$0x0] =	sbarrier.arrive $0xFFFF;
	(pc) =	sbr.rel @p0 .LBB2_1-.Ltmp2, $4  }
0x7d: {  	[hbm:s14], [sflag:s25] =	dma.local [spmem:s28], $0x2800  }
0x7e: {  	_ =	swait.ge [sflag:s17], $0x2800  }
0x7f: {  	[sflag:s17] =	ssyncset.done $0x0  }
0x80: {  	[sflag:s17] =	ssyncadd.s32 $0xFFFFD800  }
0x81: {  	_ =	sfence.sel $0x180000  }
0x82: {  	[bflag:$0x0] =	sbarrier.arrive $0xFFFF  }
0x83: {  	_ =	strace $0x9000004D  }
0x84: {  	s0 =	stileid.u32;
	[bflag:$0x2] =	sbarrier.arrive $0xFFFF  }
0x85: {  	p0 =	sne.s32 s0, $0x0;
	s0 =	rddreg [dreg:$0x3]  }
0x86: {  	s0 =	sadd.s32 @!p0 $0x100000, s0  }
0x87: {  	[sflag:s0] =	ssyncadd.tile.s32 @!p0 $0x1;
	_ =	shalt  }
.Lfunc_end2:
_tile_overlayer_lowered:
.L_overlay_start_2:
0x88: {  	(tag) =	ssettag $0x2  }
0x89: {  	s0 =	rddreg [dreg:$0x0];
	s2 =	stileid.u32  }
0x8a: {  	s1 =	rddreg [dreg:$0x1];
	p0 =	sne.s32 s2, $0x0  }
0x8b: {  	s3 =	rddreg [dreg:$0x2];
	[bflag:$0x3] =	sbarrier.arrive $0xFFFF;
	s2 =	simm.s32 @!p0 $0x1C03  }
0x8c: {  	[timem:s3], [sflag:s2] =	dma.local @!p0 [hbm:s0], s1  }
0x8d: {  	s0 =	simm.s32 @!p0 $0x3  }
0x8e: {  	_ =	swait.ge @!p0 [sflag:s0], s1  }
0x8f: {  	s1 =	ssub.s32 @!p0 $0x0, s1;
	[sflag:s0] =	ssyncset.done @!p0 $0x0  }
0x90: {  	[sflag:s0] =	ssyncadd.s32 @!p0 s1  }
0x91: {  	[bflag:$0x3] =	sbarrier.arrive $0xFFFF  }
0x92: {  	_ =	shalt  }

// kernel: kernel.19.cloned.1.call-start
scs
__scs_entry_jumppad:
0x0: {  	(pc) =	sbr.rel $0x88, $3  }
0x1: {  	(tag) =	ssettag $0x0;
	lr =	simm.s32 $0x1  }
0x2: {  	[smem:$0x3F8F] =	sst lr;
	_ =	strace $0xD0000000  }
0x3: {  	_ = 	snop  }
0x4: {  	_ = 	snop  }
0x5: {  	_ = 	snop  }
0x6: {  	_ = 	snop  }
0x7: {  	_ = 	snop  }
__scs_overlays_trampoline_lowered:
0x8: {  	[smem:$0x3F9E] =	sst s0  }
0x9: {  	[smem:$0x3F9F] =	sst s1  }
0xa: {  	[smem:$0x3FA0] =	sst s2  }
0xb: {  	[smem:$0x3FA1] =	sst s3  }
0xc: {  	[smem:$0x3FA2] =	sst s4  }
0xd: {  	[smem:$0x3FA3] =	sst s5  }
0xe: {  	[smem:$0x3FA4] =	sst s6  }
0xf: {  	[smem:$0x3FA5] =	sst s7  }
0x10: {  	[smem:$0x3FA6] =	sst s8  }
0x11: {  	[smem:$0x3FA7] =	sst s9;
	s0 =	simm.s32 @!p0 $0x0  }
0x12: {  	s1 =	sld [smem:$0x3F8D];
	s0 =	simm.s32 @p0 $0x1  }
0x13: {  	[smem:$0x3FA8] =	sst s0;
	s0 =	simm.s32 @!p1 $0x0  }
0x14: {  	s2 =	sld [smem:$0x3F8C];
	s0 =	simm.s32 @p1 $0x1  }
0x15: {  	[smem:$0x3FA9] =	sst s0;
	s0 =	simm.s32 @!p2 $0x0  }
0x16: {  	s3 =	sld [smem:$0x3FDB];
	s0 =	simm.s32 @p2 $0x1  }
0x17: {  	s4 =	simm.s32 $0x1BF5;
	[smem:$0x3FAB] =	sst s0  }
0x18: {  	s0 =	sld [smem:$0x3F8E];
	_ =	swait.ge [sflag:s4], $0x0  }
0x19: {  	s7 =	sld [smem:$0x3F8F]  }
0x1a: {  	s8 =	sadd.s32 $0xFFFFE003, lr  }
0x1b: {  	s9 =	sadd.s32 $0xFFFFFEF7, lr;
	s5 =	simm.s32 $0xFFFFFFFF;
	p2 =	slt.u32 s8, $0xFFFFF086  }
0x1c: {  	p1 =	slt.u32 s9, $0xF7A;
	s5 =	simm.s32 @!p2 $0x0  }
0x1d: {  	s5 =	simm.s32 @p1 $0x1;
	p0 =	seq.s32 s7, s2  }
0x1e: {  	s7 =	smul.u32 @!p0 $0xF7A, s2;
	p2 =	seq.s32 @!p0 s5, $0x0  }
0x1f: {  	s9 =	smul.u32 $0xF7A, s1;
	s8 =	simm.s32 @!p0 $0x1BF5;
	p2 =	por !p2, p0  }
0x20: {  	[sflag:s8] =	ssyncset.s32 @!p0 $0xFFFFF086;
	s6 =	sadd.s32 @!p0 s3, s7;
	s7 =	simm.s32 @!p0 $0x108  }
0x21: {  	s3 =	sadd.s32 s3, s9;
	s6 =	sadd.s32 @!p0 $0x88, s6;
	s7 =	simm.s32 @p2 $0x1082  }
0x22: {  	[simem:s7], [sflag:s8] =	dma.local @!p0 [hbm:s6], $0xF7A  }
0x23: {  	s9 =	sor.u32 $0xD0000000, s2;
	s6 =	simm.s32 $0x108;
	_ =	swait.ge @!p0 [sflag:s8], $0x0  }
0x24: {  	s3 =	sadd.s32 $0x88, s3;
	s6 =	simm.s32 @!p1 $0x1082;
	[sflag:s4] =	ssyncset.s32 $0xFFFFF086  }
0x25: {  	[simem:s6], [sflag:s4] =	dma.local [hbm:s3], $0xF7A  }
0x26: {  	[smem:$0x3F8F] =	sst s1;
	(tag) =	ssettag s2;
	_ =	strace s9  }
0x27: {  	s1 =	sld [smem:$0x3F9F]  }
0x28: {  	s2 =	sld [smem:$0x3FA0]  }
0x29: {  	s4 =	sld [smem:$0x3FA2]  }
0x2a: {  	p0 =	seq.s32 s5, $0x0;
	s5 =	sld [smem:$0x3FA3]  }
0x2b: {  	s6 =	sld [smem:$0x3FA4]  }
0x2c: {  	s7 =	sld [smem:$0x3FA5]  }
0x2d: {  	s3 =	simm.s32 $0x108;
	s8 =	sld [smem:$0x3FA6]  }
0x2e: {  	s3 =	simm.s32 @!p0 $0x1082;
	s9 =	sld [smem:$0x3FA7]  }
0x2f: {  	lr =	sadd.s32 s0, s3;
	s0 =	sld [smem:$0x3F9E]  }
0x30: {  	s3 =	sld [smem:$0x3FA1]  }
0x31: {  	[smem:$0x3FAA] =	sst s10  }
0x32: {  	s10 =	sld [smem:$0x3FA8];
	_ =	sdelay $0x3  }
0x33: {  	p0 =	seq.s32 s10, $0x1;
	s10 =	sld [smem:$0x3FAA];
	_ =	sdelay $0x3  }
0x34: {  	[smem:$0x3FAA] =	sst s10  }
0x35: {  	s10 =	sld [smem:$0x3FA9];
	_ =	sdelay $0x3  }
0x36: {  	p1 =	seq.s32 s10, $0x1;
	s10 =	sld [smem:$0x3FAA];
	_ =	sdelay $0x3  }
0x37: {  	[smem:$0x3FAA] =	sst s10  }
0x38: {  	s10 =	sld [smem:$0x3FAB]  }
0x39: {  	_ = 	snop;
	(pc) =	sbr.ind lr, $3  }
0x3a: {  	_ = 	snop  }
0x3b: {  	_ = 	snop  }
0x3c: {  	p2 =	seq.s32 s10, $0x1;
	s10 =	sld [smem:$0x3FAA]  }
0x3d: {  	_ =	shalt  }
0x3e: {  	_ =	shalt  }
0x3f: {  	_ =	shalt  }
0x40: {  	_ =	shalt  }
0x41: {  	_ =	shalt  }
0x42: {  	_ =	shalt  }
0x43: {  	_ =	shalt  }
0x44: {  	_ =	shalt  }
0x45: {  	_ =	shalt  }
0x46: {  	_ =	shalt  }
0x47: {  	_ =	shalt  }
0x48: {  	_ =	shalt  }
0x49: {  	_ =	shalt  }
0x4a: {  	_ =	shalt  }
0x4b: {  	_ =	shalt  }
0x4c: {  	_ =	shalt  }
0x4d: {  	_ =	shalt  }
0x4e: {  	_ =	shalt  }
0x4f: {  	_ =	shalt  }
0x50: {  	_ =	shalt  }
0x51: {  	_ =	shalt  }
0x52: {  	_ =	shalt  }
0x53: {  	_ =	shalt  }
0x54: {  	_ =	shalt  }
0x55: {  	_ =	shalt  }
0x56: {  	_ =	shalt  }
0x57: {  	_ =	shalt  }
0x58: {  	_ =	shalt  }
0x59: {  	_ =	shalt  }
0x5a: {  	_ =	shalt  }
0x5b: {  	_ =	shalt  }
0x5c: {  	_ =	shalt  }
0x5d: {  	_ =	shalt  }
0x5e: {  	_ =	shalt  }
0x5f: {  	_ =	shalt  }
0x60: {  	_ =	shalt  }
0x61: {  	_ =	shalt  }
0x62: {  	_ =	shalt  }
0x63: {  	_ =	shalt  }
0x64: {  	_ =	shalt  }
0x65: {  	_ =	shalt  }
0x66: {  	_ =	shalt  }
0x67: {  	_ =	shalt  }
0x68: {  	_ =	shalt  }
0x69: {  	_ =	shalt  }
0x6a: {  	_ =	shalt  }
0x6b: {  	_ =	shalt  }
0x6c: {  	_ =	shalt  }
0x6d: {  	_ =	shalt  }
0x6e: {  	_ =	shalt  }
0x6f: {  	_ =	shalt  }
0x70: {  	_ =	shalt  }
0x71: {  	_ =	shalt  }
0x72: {  	_ =	shalt  }
0x73: {  	_ =	shalt  }
0x74: {  	_ =	shalt  }
0x75: {  	_ =	shalt  }
0x76: {  	_ =	shalt  }
0x77: {  	_ =	shalt  }
0x78: {  	_ =	shalt  }
0x79: {  	_ =	shalt  }
0x7a: {  	_ =	shalt  }
0x7b: {  	_ =	shalt  }
0x7c: {  	_ =	shalt  }
0x7d: {  	_ =	shalt  }
0x7e: {  	_ =	shalt  }
0x7f: {  	_ =	shalt  }
0x80: {  	_ =	shalt  }
0x81: {  	_ =	shalt  }
0x82: {  	_ =	shalt  }
0x83: {  	_ =	shalt  }
0x84: {  	_ =	shalt  }
0x85: {  	_ =	shalt  }
0x86: {  	_ =	shalt  }
0x87: {  	_ =	shalt  }
.Lfunc_end0:
.L_simem_size_0:
called_computation.3_lowered:
.L_overlay_start_0:
0x88: {  	s2 =	sld [smem:$0x3FD9]  }
0x89: {  	s3 =	sld [smem:$0x3FFE];
	_ =	sdelay $0x1  }
0x8a: {  	s1 =	srdreg.scid  }
0x8b: {  	s0 =	sand.u32 $0x1, s1  }
0x8c: {  	s17 =	sshll.u32 s0, $0xA;
	s2 =	sadd.s32 s3, s2  }
0x8d: {  	s2 =	sadd.s32 s2, s17  }
0x8e: {  	[smem:$0x3FB6] =	sst s2  }
0x8f: {  	_ = 	snop  }
0x90: {  	s2 =	sld [smem:$0x3FD0];
	(tm) =	ssettm $0x1  }
0x91: {  	s18 =	sld [smem:$0x3FFB];
	_ =	sdelay $0x3  }
0x92: {  	_ =	strace s18  }
0x93: {  	s3 =	sld [smem:$0x3FFC];
	_ =	sdelay $0x3  }
0x94: {  	_ =	strace s3  }
0x95: {  	s3 =	sld [smem:$0x3FFD];
	_ =	sdelay $0x3  }
0x96: {  	_ =	strace s3  }
0x97: {  	_ =	strace $0x8FFFFFFF  }
0x98: {  	s19 =	sld [smem:$0x3FDB];
	_ =	sdelay $0x1  }
0x99: {  	s4 =	simm.s32 $_scs_section_size  }
0x9a: {  	s5 =	simm.s32 $_size__tile_overlayer_lowered;
	s6 =	simm.s32 $_tile_overlayer_lowered  }
0x9b: {  	s22 =	simm.s32 $0x1BFF;
	s21 =	sshll.u32 s6, $0x1;
	s3 =	sadd.s32 s4, s19  }
0x9c: {  	s7 =	simm.s32 $0x0;
	s20 =	sshll.u32 s5, $0x1;
	s5 =	sadd.s32 s21, s3  }
0x9d: {  	[timem:s7], [sflag:s22] =	dma.local [hbm:s5], s20  }
0x9e: {  	_ =	swait.ge [sflag:s22], s20  }
0x9f: {  	s4 =	ssub.s32 $0x0, s20;
	[sflag:s22] =	ssyncset.done $0x0  }
0xa0: {  	[sflag:s22] =	ssyncadd.s32 s4;
	_ =	sdelay $0x1  }
0xa1: {  	s23 =	simm.s32 $0x1B8B  }
0xa2: {  	_ =	swait.ge [sflag:s23], $0x1  }
0xa3: {  	[sflag:s23] =	ssyncset.done $0x0  }
0xa4: {  	s25 =	simm.s32 $0x1B8E;
	s24 =	sld [smem:$0x3FFE];
	[sflag:s23] =	ssyncadd.s32 $0xFFFFFFFF  }
0xa5: {  	s26 =	simm.s32 $execute0_lowered;
	[smem:$0x3FD2] =	sst s25  }
0xa6: {  	s5 =	sshll.u32 s26, $0x1;
	_ =	strace $0x8000004F;
	[dreg:$0x1] =	wrdreg $0xFFFFFFFF  }
0xa7: {  	s28 =	simm.s32 $_size_execute0_lowered;
	s3 =	sadd.s32 s3, s5;
	[dreg:$0x0] =	wrdreg $0x0  }
0xa8: {  	s5 =	sshll.u32 s28, $0x1;
	[dreg:$0x2] =	wrdreg s3  }
0xa9: {  	[dreg:$0x3] =	wrdreg s5  }
0xaa: {  	[dreg:$0x4] =	wrdreg $0xC0  }
0xab: {  	_ =	task [dreg:s7], $0x5FFFF  }
0xac: {  	[dreg:$0x1] =	wrdreg $0xFFFFFFFF  }
0xad: {  	[dreg:$0x0] =	wrdreg $0x60  }
0xae: {  	[dreg:$0x2] =	wrdreg s24  }
0xaf: {  	[dreg:$0x3] =	wrdreg s2  }
0xb0: {  	[dreg:$0x4] =	wrdreg $0xA8000  }
0xb1: {  	[dreg:$0x5] =	wrdreg $0x9  }
0xb2: {  	_ =	task.clear_ibuf [dreg:s7], $0x6FFFF;
	_ =	strace $0x9000004F  }
0xb3: {  	s29 =	simm.s32 $0x9;
	_ =	strace $0x80000051  }
0xb4: {  	_ =	swait.ge [sflag:s29], $0x1  }
0xb5: {  	[sflag:s29] =	ssyncadd.s32 $0xFFFFFFFF  }
0xb6: {  	_ =	strace $0x90000051  }
0xb7: {  	_ =	sfence  }
0xb8: {  	s30 =	sld [smem:$0x0];
	_ =	sdelay $0x2  }
0xb9: {  	s31 =	sshll.u32 s1, $0xD;
	s1 =	sshrl.u32 s1, $0x2  }
0xba: {  	s3 =	sand.u32 $0x4000, s31;
	s1 =	sadd.s32 s1, s30  }
0xbb: {  	s0 =	sor.u32 s3, s0;
	s1 =	sshll.u32 s1, $0x11  }
0xbc: {  	s0 =	sor.u32 s1, s0  }
0xbd: {  	s0 =	sadd.s32 $0x8F2B, s0  }
0xbe: {  	[sflag:s0] =	ssyncadd.remote.s32 $0x1  }
0xbf: {  	_ =	sfence.sel $0xFFFF  }
0xc0: {  	[dreg:$0x0] =	wrdreg $0xFFFFFFFF;
	(pc) =	sbr.abs _section_cstart, $3  }
0xc1: {  	[dreg:$0x1] =	wrdreg $0xFFFFFFFF  }
0xc2: {  	_ =	task.clear_ibuf [dreg:s7], $0x2FFFF;
	_ =	strace $0x9FFFFFFF  }
0xc3: {  	(tm) =	ssettm $0x7FFFFFFF  }
tec
execute0_lowered:
.L_overlay_start_1:
0x0: {  	(tag) =	ssettag $0x1  }
0x1: {  	s0 =	rddreg [dreg:$0x0]  }
0x2: {  	s14 =	rddreg [dreg:$0x1]  }
0x3: {  	s1 =	rddreg [dreg:$0x2];
	s2 =	simm.s32 $0x0  }
0x4: {  	s24 =	stileid.u32;
	s8 =	srdreg.scid;
	s17 =	simm.s32 $0x3  }
0x5: {  	s18 =	simm.s32 $0x1400;
	s19 =	simm.s32 $0x80;
	s20 =	simm.s32 $0x6800  }
0x6: {  	s21 =	simm.s32 $0x1;
	s22 =	simm.s32 $0x2;
	s23 =	simm.s32 $0x1380  }
0x7: {  	s29 =	simm.s32 $0x0;
	[smem:$0x7FF] =	sst s2;
	s4 =	sadd.s32 $0x2C400, s0  }
0x8: {  	s5 =	sadd.s32 $0x18400, s0;
	s6 =	sadd.s32 $0x4400, s0;
	s9 =	smul.u32 $0x50000, s24  }
0x9: {  	s0 =	sadd.s32 $0xC8800, s0;
	s25 =	sand.u32 $0x1, s8;
	s12 =	smul.u32 $0x2800, s24  }
0xa: {  	s16 =	smul.u32 $0xA0, s24;
	s31 =	sshll.u32 s24, $0x6;
	s24 =	simm.s32 $0x2700  }
0xb: {  	_ =	strace $0x80000050;
	[dreg:$0x4] =	wrdreg s0;
	s13 =	smul.u32 $0xA00, s25  }
0xc: {  	s10 =	ssub.s32 $0x2, s25;
	s0 =	smul.u32 $0x28000, s25;
	s26 =	sshrl.u32 s9, $0x2  }
0xd: {  	s25 =	sor.u32 $0x1C03, s31;
	s30 =	sshrl.u32 s10, $0x1;
	s8 =	sadd.s32 s26, s1  }
0xe: {  	s15 =	ssub.s32 s10, s30;
	s0 =	sadd.s32 s12, s0;
	s13 =	sadd.s32 s16, s13  }
0xf: {  	s16 =	simm.s32 $0x2800;
	s26 =	simm.s32 $0x2780;
	s9 =	sadd.s32 $0x4000, s8  }
0x10: {  	s10 =	sadd.s32 $0x8000, s8;
	s11 =	sadd.s32 $0xC000, s8;
	s12 =	sadd.s32 $0x10000, s8  }
0x11: {  	s14 =	sadd.s32 s14, s0;
	s15 =	smax.u32 s15, $0x1;
	s28 =	sshrl.u32 s8, $0x3  }
.LBB2_1:
0x12: {  	s0 =	simm.s32 $0x0;
	s2 =	rddreg [dreg:$0x4]  }
0x13: {  	[tilespmem:s16], [sflag:$0x3] =	stream.linear.gather [hbm4b:s2+s0], $0x4000, $0x38;
	[tilespmem:$0x1E800] =	vst v63  }
0x14: {  	_ =	swait.ge [sflag:s17], $0x4000  }
0x15: {  	[sflag:s17] =	ssyncset.done $0x0  }
0x16: {  	[sflag:s17] =	ssyncadd.s32 $0xFFFFC000  }
0x17: {  	[spmem:s8] =	stream.linear.scatter [tilespmem:s16], [sflag:$0x3], $0x4000, $0x38;
	[tilespmem:$0x1E800] =	vst v63  }
0x18: {  	_ =	swait.ge [sflag:s17], $0x4000  }
0x19: {  	[sflag:s17] =	ssyncset.done $0x0  }
0x1a: {  	[sflag:s17] =	ssyncadd.s32 $0xFFFFC000  }
0x1b: {  	[spmem:s9] =	stream.linear.scatter [tilespmem:s16], [sflag:$0x3], $0x4000, $0x38;
	[tilespmem:$0x1E800] =	vst v63  }
0x1c: {  	_ =	swait.ge [sflag:s17], $0x4000  }
0x1d: {  	[sflag:s17] =	ssyncset.done $0x0  }
0x1e: {  	[sflag:s17] =	ssyncadd.s32 $0xFFFFC000  }
0x1f: {  	[spmem:s10] =	stream.linear.scatter [tilespmem:s16], [sflag:$0x3], $0x4000, $0x38;
	[tilespmem:$0x1E800] =	vst v63  }
0x20: {  	_ =	swait.ge [sflag:s17], $0x4000  }
0x21: {  	[sflag:s17] =	ssyncset.done $0x0  }
0x22: {  	[sflag:s17] =	ssyncadd.s32 $0xFFFFC000  }
0x23: {  	[spmem:s11] =	stream.linear.scatter [tilespmem:s16], [sflag:$0x3], $0x4000, $0x38;
	[tilespmem:$0x1E800] =	vst v63  }
0x24: {  	_ =	swait.ge [sflag:s17], $0x4000  }
0x25: {  	[sflag:s17] =	ssyncset.done $0x0  }
0x26: {  	[sflag:s17] =	ssyncadd.s32 $0xFFFFC000  }
0x27: {  	[spmem:s12] =	stream.linear.scatter [tilespmem:s16], [sflag:$0x3], $0x4000, $0x38;
	[tilespmem:$0x1E800] =	vst v63  }
0x28: {  	_ =	swait.ge [sflag:s17], $0x4000  }
0x29: {  	[sflag:s17] =	ssyncset.done $0x0  }
0x2a: {  	[sflag:s17] =	ssyncadd.s32 $0xFFFFC000  }
0x2b: {  	s30 =	simm.s32 $0x0;
	[bflag:$0x0] =	sbarrier.arrive $0xFFFF  }
.LBB2_2:
0x2c: {  	s0 =	smul.u32 $0x28, s30;
	_ =	sdelay $0x1  }
0x2d: {  	s0 =	sadd.s32 s0, s13  }
0x2e: {  	s0 =	sshll.u32 s0, $0x4  }
0x2f: {  	s3 =	simm.s32 $0x0;
	s31 =	sadd.s32 s5, s0  }
0x30: {  	[tilespmem:s3], [sflag:$0x3] =	stream.linear.gather [hbm4b:s31+s3], $0x1400, $0x38;
	[tilespmem:$0x1E800] =	vst v63  }
0x31: {  	_ =	swait.ge [sflag:s17], $0x1400  }
0x32: {  	[sflag:s17] =	ssyncset.done $0x0  }
0x33: {  	s0 =	sadd.s32 s6, s0;
	[sflag:s17] =	ssyncadd.s32 $0xFFFFEC00  }
0x34: {  	[tilespmem:s18], [sflag:$0x3] =	stream.linear.gather [hbm4b:s0+s3], $0x1400, $0x38;
	[tilespmem:$0x1E800] =	vst v63  }
0x35: {  	_ =	swait.ge [sflag:s17], $0x1400  }
0x36: {  	[sflag:s17] =	ssyncset.done $0x0  }
0x37: {  	[sflag:s17] =	ssyncadd.s32 $0xFFFFEC00  }
0x38: {  	[tilespmem:s16], [sflag:$0x1] =	stream.indirect.gather [hbm4b:s4+s19], $0x80, s3, s19, $0xb8;
	[tilespmem:$0x1E800] =	vst v63  }
0x39: {  	s7 =	simm.s32 $0x80  }
0x3a: {  	[tilespmem:s20], [sflag:$0x2] =	stream.indirect.gather [hbm4b:s4+s19], $0x80, s7, s19, $0xb8;
	[tilespmem:$0x1E800] =	vst v63  }
0x3b: {  	_ =	swait.ge [sflag:s21], $0x4000  }
0x3c: {  	[sflag:s21] =	ssyncset.done $0x0  }
0x3d: {  	s2 =	simm.s32 $0x1400;
	[sflag:s21] =	ssyncadd.s32 $0xFFFFC000  }
0x3e: {  	[spmem:s1] =	stream.indirect.scatter.add.f32 [tilespmem:s16], [sflag:$0x3], $0x80, s2, s19, $0xb8;
	[tilespmem:$0x1E800] =	vst v63  }
0x3f: {  	_ =	swait.ge [sflag:s17], $0x4000  }
0x40: {  	[sflag:s17] =	ssyncset.done $0x0  }
0x41: {  	s3 =	simm.s32 $0x100;
	[sflag:s17] =	ssyncadd.s32 $0xFFFFC000  }
0x42: {  	[tilespmem:s16], [sflag:$0x1] =	stream.indirect.gather [hbm4b:s4+s19], $0x80, s3, s19, $0xb8;
	[tilespmem:$0x1E800] =	vst v63  }
0x43: {  	_ =	swait.ge [sflag:s22], $0x4000  }
0x44: {  	[sflag:s22] =	ssyncset.done $0x0  }
0x45: {  	s7 =	simm.s32 $0x1480;
	[sflag:s22] =	ssyncadd.s32 $0xFFFFC000  }
0x46: {  	[spmem:s1] =	stream.indirect.scatter.add.f32 [tilespmem:s20], [sflag:$0x3], $0x80, s7, s19, $0xb8;
	[tilespmem:$0x1E800] =	vst v63  }
0x47: {  	_ =	swait.ge [sflag:s17], $0x4000  }
0x48: {  	s31 =	simm.s32 $0x100;
	s0 =	simm.s32 $0x800;
	[sflag:s17] =	ssyncset.done $0x0  }
.LBB2_3:
0x49: {  	s3 =	sadd.s32 $0x80, s31  }
0x4a: {  	[sflag:s17] =	ssyncadd.s32 $0xFFFFC000;
	s2 =	smov.u32 s0;
	s7 =	sadd.s32 $0x400, s0  }
0x4b: {  	[tilespmem:s20], [sflag:$0x2] =	stream.indirect.gather [hbm4b:s4+s19], $0x80, s3, s19, $0xb8;
	[tilespmem:$0x1E800] =	vst v63  }
0x4c: {  	p0 =	sne.s32 s0, $0x4800;
	_ =	swait.ge [sflag:s21], $0x4000  }
0x4d: {  	[sflag:s21] =	ssyncset.done $0x0  }
0x4e: {  	s0 =	sadd.s32 $0x1400, s31;
	[sflag:s21] =	ssyncadd.s32 $0xFFFFC000  }
0x4f: {  	[spmem:s1] =	stream.indirect.scatter.add.f32 [tilespmem:s16], [sflag:$0x3], $0x80, s0, s19, $0xb8;
	[tilespmem:$0x1E800] =	vst v63  }
0x50: {  	_ =	swait.ge [sflag:s17], $0x4000  }
0x51: {  	[sflag:s17] =	ssyncset.done $0x0  }
0x52: {  	s0 =	sadd.s32 $0x100, s31;
	[sflag:s17] =	ssyncadd.s32 $0xFFFFC000  }
0x53: {  	[tilespmem:s16], [sflag:$0x1] =	stream.indirect.gather [hbm4b:s4+s19], $0x80, s0, s19, $0xb8;
	[tilespmem:$0x1E800] =	vst v63  }
0x54: {  	_ =	swait.ge [sflag:s22], $0x4000  }
.Ltmp0:
0x55: {  	[sflag:s22] =	ssyncset.done $0x0;
	(pc) =	sbr.rel @p0 .LBB2_3-.Ltmp0, $4  }
0x56: {  	s0 =	sadd.s32 $0x1480, s31;
	[sflag:s22] =	ssyncadd.s32 $0xFFFFC000  }
0x57: {  	[spmem:s1] =	stream.indirect.scatter.add.f32 [tilespmem:s20], [sflag:$0x3], $0x80, s0, s19, $0xb8;
	[tilespmem:$0x1E800] =	vst v63  }
0x58: {  	_ =	swait.ge [sflag:s17], $0x4000  }
0x59: {  	s31 =	sshra.s32 s2, $0x2;
	s0 =	smov.u32 s7;
	[sflag:s17] =	ssyncset.done $0x0  }
0x5a: {  	s0 =	sadd.s32 $0x80, s31;
	[sflag:s17] =	ssyncadd.s32 $0xFFFFC000  }
0x5b: {  	[tilespmem:s20], [sflag:$0x2] =	stream.indirect.gather [hbm4b:s4+s19], $0x80, s0, s19, $0xb8;
	[tilespmem:$0x1E800] =	vst v63  }
0x5c: {  	_ =	swait.ge [sflag:s21], $0x4000  }
0x5d: {  	[sflag:s21] =	ssyncset.done $0x0  }
0x5e: {  	s3 =	sadd.s32 $0x1400, s31;
	[sflag:s21] =	ssyncadd.s32 $0xFFFFC000  }
0x5f: {  	[spmem:s1] =	stream.indirect.scatter.add.f32 [tilespmem:s16], [sflag:$0x3], $0x80, s3, s19, $0xb8;
	[tilespmem:$0x1E800] =	vst v63  }
0x60: {  	_ =	swait.ge [sflag:s17], $0x4000  }
0x61: {  	[sflag:s17] =	ssyncset.done $0x0  }
0x62: {  	s7 =	sadd.s32 $0x100, s31;
	[sflag:s17] =	ssyncadd.s32 $0xFFFFC000  }
0x63: {  	[tilespmem:s16], [sflag:$0x1] =	stream.indirect.gather [hbm4b:s4+s19], $0x80, s7, s19, $0xb8;
	[tilespmem:$0x1E800] =	vst v63  }
0x64: {  	_ =	swait.ge [sflag:s22], $0x4000  }
0x65: {  	[sflag:s22] =	ssyncset.done $0x0  }
0x66: {  	s31 =	sadd.s32 $0x1480, s31;
	[sflag:s22] =	ssyncadd.s32 $0xFFFFC000  }
0x67: {  	[spmem:s1] =	stream.indirect.scatter.add.f32 [tilespmem:s20], [sflag:$0x3], $0x80, s31, s19, $0xb8;
	[tilespmem:$0x1E800] =	vst v63  }
0x68: {  	_ =	swait.ge [sflag:s17], $0x4000  }
0x69: {  	[sflag:s17] =	ssyncset.done $0x0  }
0x6a: {  	[sflag:s17] =	ssyncadd.s32 $0xFFFFC000  }
0x6b: {  	[tilespmem:s20], [sflag:$0x2] =	stream.indirect.gather [hbm4b:s4+s19], $0x80, s23, s19, $0xb8;
	[tilespmem:$0x1E800] =	vst v63  }
0x6c: {  	_ =	swait.ge [sflag:s21], $0x4000  }
0x6d: {  	[sflag:s21] =	ssyncset.done $0x0  }
0x6e: {  	[sflag:s21] =	ssyncadd.s32 $0xFFFFC000  }
0x6f: {  	[spmem:s1] =	stream.indirect.scatter.add.f32 [tilespmem:s16], [sflag:$0x3], $0x80, s24, s19, $0xb8;
	[tilespmem:$0x1E800] =	vst v63  }
0x70: {  	_ =	swait.ge [sflag:s17], $0x4000  }
0x71: {  	[sflag:s17] =	ssyncset.done $0x0  }
0x72: {  	[sflag:s17] =	ssyncadd.s32 $0xFFFFC000  }
0x73: {  	s30 =	sadd.s32 $0x1, s30;
	_ =	swait.ge [sflag:s22], $0x4000  }
0x74: {  	p0 =	sne.s32 s30, $0x4;
	[sflag:s22] =	ssyncset.done $0x0  }
.Ltmp1:
0x75: {  	[sflag:s22] =	ssyncadd.s32 $0xFFFFC000;
	(pc) =	sbr.rel @p0 .LBB2_2-.Ltmp1, $4  }
0x76: {  	[spmem:s1] =	stream.indirect.scatter.add.f32 [tilespmem:s20], [sflag:$0x3], $0x80, s26, s19, $0xb8;
	[tilespmem:$0x1E800] =	vst v63  }
0x77: {  	_ =	swait.ge [sflag:s17], $0x4000  }
0x78: {  	[sflag:s17] =	ssyncset.done $0x0  }
0x79: {  	[sflag:s17] =	ssyncadd.s32 $0xFFFFC000  }
0x7a: {  	s29 =	sadd.s32 $0x1, s29  }
0x7b: {  	p0 =	sne.s32 s29, s15  }
.Ltmp2:
0x7c: {  	[bflag:$0x0] =	sbarrier.arrive $0xFFFF;
	(pc) =	sbr.rel @p0 .LBB2_1-.Ltmp2, $4  }
0x7d: {  	[hbm:s14], [sflag:s25] =	dma.local [spmem:s28], $0x2800  }
0x7e: {  	_ =	swait.ge [sflag:s17], $0x2800  }
0x7f: {  	[sflag:s17] =	ssyncset.done $0x0  }
0x80: {  	[sflag:s17] =	ssyncadd.s32 $0xFFFFD800  }
0x81: {  	_ =	sfence.sel $0x180000  }
0x82: {  	[bflag:$0x0] =	sbarrier.arrive $0xFFFF  }
0x83: {  	_ =	strace $0x90000050  }
0x84: {  	s0 =	stileid.u32;
	[bflag:$0x2] =	sbarrier.arrive $0xFFFF  }
0x85: {  	p0 =	sne.s32 s0, $0x0;
	s0 =	rddreg [dreg:$0x3]  }
0x86: {  	s0 =	sadd.s32 @!p0 $0x100000, s0  }
0x87: {  	[sflag:s0] =	ssyncadd.tile.s32 @!p0 $0x1;
	_ =	shalt  }
.Lfunc_end2:
_tile_overlayer_lowered:
.L_overlay_start_2:
0x88: {  	(tag) =	ssettag $0x2  }
0x89: {  	s0 =	rddreg [dreg:$0x0];
	s2 =	stileid.u32  }
0x8a: {  	s1 =	rddreg [dreg:$0x1];
	p0 =	sne.s32 s2, $0x0  }
0x8b: {  	s3 =	rddreg [dreg:$0x2];
	[bflag:$0x3] =	sbarrier.arrive $0xFFFF;
	s2 =	simm.s32 @!p0 $0x1C03  }
0x8c: {  	[timem:s3], [sflag:s2] =	dma.local @!p0 [hbm:s0], s1  }
0x8d: {  	s0 =	simm.s32 @!p0 $0x3  }
0x8e: {  	_ =	swait.ge @!p0 [sflag:s0], s1  }
0x8f: {  	s1 =	ssub.s32 @!p0 $0x0, s1;
	[sflag:s0] =	ssyncset.done @!p0 $0x0  }
0x90: {  	[sflag:s0] =	ssyncadd.s32 @!p0 s1  }
0x91: {  	[bflag:$0x3] =	sbarrier.arrive $0xFFFF  }
0x92: {  	_ =	shalt  }

</sc_bundles>
